<compile_context>
chip_gen: v7x
topology: tpu7x:2x2x1
jax: 0.10.2.dev20260603
libtpu: 0.0.44.dev20260713+nightly
codegen_flags: <defaults>
</compile_context>

<pallas_src>
import functools

import jax
import jax.numpy as jnp
from jax import lax
from jax.experimental import pallas as pl
from jax.experimental.pallas import tpu as pltpu
from jax.experimental.pallas import tpu_sc as plsc

_B = 4096
_F = 16

_info = plsc.get_sparse_core_info()
_NC = _info.num_cores
_NS = _info.num_subcores
_L = _info.num_lanes
_NW = _NC * _NS
_BPW = _B // _NW

_mesh = plsc.VectorSubcoreMesh(core_axis_name="c", subcore_axis_name="s")


@functools.partial(
    pl.kernel,
    mesh=_mesh,
    out_type=[
        jax.ShapeDtypeStruct((_B,), jnp.float32),
        jax.ShapeDtypeStruct((_B,), jnp.float32),
    ],
    scratch_types=[
        pltpu.VMEM((_BPW,), jnp.int32),
        pltpu.VMEM((_BPW,), jnp.int32),
        pltpu.VMEM((_F, 128 * _L), jnp.float32),
        pltpu.VMEM((_F, 128 * _L), jnp.float32),
        pltpu.VMEM((_BPW,), jnp.float32),
        pltpu.VMEM((_BPW,), jnp.float32),
        pltpu.VMEM((_BPW,), jnp.float32),
        pltpu.VMEM((_BPW,), jnp.float32),
        pltpu.SemaphoreType.DMA,
        pltpu.SemaphoreType.DMA,
    ],
    compiler_params=pltpu.CompilerParams(needs_layout_passes=False),
)
def _sc_gather_dot(x1_hbm, x2_hbm, embt_hbm, bias_hbm, s_hbm, b_hbm,
                   idx1_v, idx2_v, e1_v, e2_v, b1_v, b2_v, s_v, b_v,
                   sem, bsem):
    wid = lax.axis_index("s") * _NC + lax.axis_index("c")
    base = wid * _BPW
    pltpu.sync_copy(x1_hbm.at[pl.ds(base, _BPW)], idx1_v)
    pltpu.sync_copy(x2_hbm.at[pl.ds(base, _BPW)], idx2_v)
    bias_copies = [
        pltpu.async_copy(bias_hbm.at[idx1_v], b1_v, bsem),
        pltpu.async_copy(bias_hbm.at[idx2_v], b2_v, bsem),
    ]
    lane = lax.iota(jnp.int32, _L)

    def chunk_body(g, carry):
        g16 = pl.multiple_of(g * _L, _L)
        sl = pl.ds(g16, _L)
        iv1 = idx1_v[sl]
        iv2 = idx2_v[sl]
        a1 = (iv1 >> 7) << 7
        a2 = (iv2 >> 7) << 7
        for l in range(_L):
            d = pl.multiple_of(128 * l, 128)
            pltpu.async_copy(
                embt_hbm.at[pl.ds(0, _F),
                            pl.ds(pl.multiple_of(a1[l], 128), 128)],
                e1_v.at[pl.ds(0, _F), pl.ds(d, 128)], sem)
            pltpu.async_copy(
                embt_hbm.at[pl.ds(0, _F),
                            pl.ds(pl.multiple_of(a2[l], 128), 128)],
                e2_v.at[pl.ds(0, _F), pl.ds(d, 128)], sem)
        for l in range(_L):
            d = pl.multiple_of(128 * l, 128)
            pltpu.make_async_copy(
                embt_hbm.at[pl.ds(0, _F), pl.ds(0, 128)],
                e1_v.at[pl.ds(0, _F), pl.ds(d, 128)], sem).wait()
            pltpu.make_async_copy(
                embt_hbm.at[pl.ds(0, _F), pl.ds(0, 128)],
                e2_v.at[pl.ds(0, _F), pl.ds(d, 128)], sem).wait()
        p1 = 128 * lane + (iv1 & 127)
        p2 = 128 * lane + (iv2 & 127)
        acc = jnp.zeros((_L,), jnp.float32)
        for k in range(_F):
            kvec = jnp.full((_L,), k, jnp.int32)
            e1 = plsc.load_gather(e1_v, [kvec, p1])
            e2 = plsc.load_gather(e2_v, [kvec, p2])
            acc = acc + e1 * e2
        s_v[sl] = acc
        b_v[sl] = b1_v[sl] + b2_v[sl]
        return carry

    lax.fori_loop(0, _BPW // _L, chunk_body, 0)
    for c in bias_copies:
        c.wait()
    pltpu.sync_copy(s_v, s_hbm.at[pl.ds(base, _BPW)])
    pltpu.sync_copy(b_v, b_hbm.at[pl.ds(base, _BPW)])


_RB = 256


def _bcast_body(b_ref, s_ref, o_ref):
    o_ref[...] = b_ref[...] + s_ref[...]


def _broadcast_add(b_col, s_row):
    return pl.pallas_call(
        _bcast_body,
        grid=(_B // _RB,),
        in_specs=[
            pl.BlockSpec((_RB, 1), lambda i: (i, 0)),
            pl.BlockSpec((1, _B), lambda i: (0, 0)),
        ],
        out_specs=pl.BlockSpec((_RB, _B), lambda i: (i, 0)),
        out_shape=jax.ShapeDtypeStruct((_B, _B), jnp.float32),
    )(b_col, s_row)


def kernel(x1, x2, emb_table, bias_table):
    s, b = _sc_gather_dot(x1.astype(jnp.int32), x2.astype(jnp.int32),
                          emb_table.T, bias_table.reshape(-1))
    return _broadcast_add(b.reshape(_B, 1), s.reshape(1, _B))

# --- scband reference (transcript-rebuilt; emitter-appended) ---
"""Pipeline reference for scband-collaborative-filtering-50062138802384 (READ-ONLY COPY).

The authoritative reference and input builder live on the scoring server;
editing this copy changes nothing except your own understanding.
"""

import jax, jax.numpy as jnp
import numpy as np

N_EMBEDDINGS = 1000000
N_FACTORS = 16
BATCH = 4096


def setup_inputs(seed: int = 0) -> dict:
    key = jax.random.key(seed)
    k1, k2, k3, k4 = jax.random.split(key, 4)
    x1 = jax.random.randint(k1, (BATCH,), 0, N_EMBEDDINGS, dtype=jnp.int64 if jax.config.jax_enable_x64 else jnp.int32)
    x2 = jax.random.randint(k2, (BATCH,), 0, N_EMBEDDINGS, dtype=jnp.int64 if jax.config.jax_enable_x64 else jnp.int32)
    emb_table = jax.random.normal(k3, (N_EMBEDDINGS, N_FACTORS), dtype=jnp.float32)
    bias_table = jax.random.normal(k4, (N_EMBEDDINGS, 1), dtype=jnp.float32)
    return {"x1": x1, "x2": x2, "emb_table": emb_table, "bias_table": bias_table}


def reference(x1, x2, emb_table, bias_table):
    # bias = self.bias(x1) + self.bias(x2)  -> [B, 1]
    bias = jnp.take(bias_table, x1, axis=0) + jnp.take(bias_table, x2, axis=0)
    # embedding lookups -> [B, n_factors]
    e1 = jnp.take(emb_table, x1, axis=0)
    e2 = jnp.take(emb_table, x2, axis=0)
    # dropout_probability=0 -> Identity
    # (e1 * e2).sum(dim=1) -> [B]; [B] + [B,1] broadcasts to [B,B] (faithful to torch semantics)
    outputs = (e1 * e2).sum(axis=1) + bias
    return outputs

if __name__ == "__main__":
    import jax
    _d = setup_inputs()
    print(jax.jit(kernel)(*tuple(_d.values())))

</pallas_src>

<mosaic_0001>
#map = affine_map<(d0, d1) -> (0)>
#map1 = affine_map<(d0, d1) -> (0, 0)>
module attributes {stable_mosaic.version = 14 : i64} {
  func.func @_sc_gather_dot(%arg0: i32, %arg1: i32, %arg2: memref<4096xi32, #tpu.memory_space<hbm>>, %arg3: memref<4096xi32, #tpu.memory_space<hbm>>, %arg4: memref<16x1000000xf32, #tpu.memory_space<hbm>>, %arg5: memref<1000000xf32, #tpu.memory_space<hbm>>, %arg6: memref<4096xf32, #tpu.memory_space<hbm>>, %arg7: memref<4096xf32, #tpu.memory_space<hbm>>, %arg8: memref<128xi32, #tpu.memory_space<vmem>>, %arg9: memref<128xi32, #tpu.memory_space<vmem>>, %arg10: memref<16x2048xf32, #tpu.memory_space<vmem>>, %arg11: memref<16x2048xf32, #tpu.memory_space<vmem>>, %arg12: memref<128xf32, #tpu.memory_space<vmem>>, %arg13: memref<128xf32, #tpu.memory_space<vmem>>, %arg14: memref<128xf32, #tpu.memory_space<vmem>>, %arg15: memref<128xf32, #tpu.memory_space<vmem>>, %arg16: memref<!tpu.dma_semaphore, #tpu.memory_space<semaphore_mem>>, %arg17: memref<!tpu.dma_semaphore, #tpu.memory_space<semaphore_mem>>) attributes {dimension_semantics = [#tpu.dimension_semantics<core_parallel>, #tpu.dimension_semantics<subcore_parallel>], iteration_bounds = array<i64: 2, 16>, scalar_prefetch = 0 : i64, scratch_operands = 10 : i64, tpu.core_type = #tpu.core_type<sc_vector_subcore>, window_params = [{transform_indices = #map}, {transform_indices = #map}, {transform_indices = #map1}, {transform_indices = #map}, {transform_indices = #map}, {transform_indices = #map}]} {
    %mul3A = arith.constant 2 : i32
    %mul3A_0 = arith.muli %arg1, %mul3A : i32
    %add3A = arith.addi %mul3A_0, %arg0 : i32
    %mul3A_1 = arith.constant 128 : i32
    %mul3A_2 = arith.muli %add3A, %mul3A_1 : i32
    "tpu.region"() ({
      %run_scoped3A = tpu.sem_alloc : memref<!tpu.dma_semaphore, #tpu.memory_space<semaphore_mem>>
      %dma_start3A_14 = tpu.memref_slice %arg2[%mul3A_2] : memref<4096xi32, #tpu.memory_space<hbm>> -> memref<128xi32, #tpu.memory_space<hbm>>
      %dma_start3A_15 = tpu.memref_slice %arg2[%mul3A_2] : memref<4096xi32, #tpu.memory_space<hbm>> -> memref<128xi32, #tpu.memory_space<hbm>>
      tpu.enqueue_dma source(%dma_start3A_15 : memref<128xi32, #tpu.memory_space<hbm>>) target(%arg8 : memref<128xi32, #tpu.memory_space<vmem>>) target_semaphore(%run_scoped3A : memref<!tpu.dma_semaphore, #tpu.memory_space<semaphore_mem>>)
      %dma_wait3A_16 = tpu.memref_slice %arg2[%mul3A_2] : memref<4096xi32, #tpu.memory_space<hbm>> -> memref<128xi32, #tpu.memory_space<hbm>>
      %dma_wait3A_17 = tpu.memref_slice %arg2[%mul3A_2] : memref<4096xi32, #tpu.memory_space<hbm>> -> memref<128xi32, #tpu.memory_space<hbm>>
      tpu.wait_dma2 semaphore(%run_scoped3A : memref<!tpu.dma_semaphore, #tpu.memory_space<semaphore_mem>>) src(%dma_wait3A_17 : memref<128xi32, #tpu.memory_space<hbm>>) dst(%arg8 : memref<128xi32, #tpu.memory_space<vmem>>)
      tpu.yield
    }) : () -> ()
    "tpu.region"() ({
      %run_scoped3A = tpu.sem_alloc : memref<!tpu.dma_semaphore, #tpu.memory_space<semaphore_mem>>
      %dma_start3A_14 = tpu.memref_slice %arg3[%mul3A_2] : memref<4096xi32, #tpu.memory_space<hbm>> -> memref<128xi32, #tpu.memory_space<hbm>>
      %dma_start3A_15 = tpu.memref_slice %arg3[%mul3A_2] : memref<4096xi32, #tpu.memory_space<hbm>> -> memref<128xi32, #tpu.memory_space<hbm>>
      tpu.enqueue_dma source(%dma_start3A_15 : memref<128xi32, #tpu.memory_space<hbm>>) target(%arg9 : memref<128xi32, #tpu.memory_space<vmem>>) target_semaphore(%run_scoped3A : memref<!tpu.dma_semaphore, #tpu.memory_space<semaphore_mem>>)
      %dma_wait3A_16 = tpu.memref_slice %arg3[%mul3A_2] : memref<4096xi32, #tpu.memory_space<hbm>> -> memref<128xi32, #tpu.memory_space<hbm>>
      %dma_wait3A_17 = tpu.memref_slice %arg3[%mul3A_2] : memref<4096xi32, #tpu.memory_space<hbm>> -> memref<128xi32, #tpu.memory_space<hbm>>
      tpu.wait_dma2 semaphore(%run_scoped3A : memref<!tpu.dma_semaphore, #tpu.memory_space<semaphore_mem>>) src(%dma_wait3A_17 : memref<128xi32, #tpu.memory_space<hbm>>) dst(%arg9 : memref<128xi32, #tpu.memory_space<vmem>>)
      tpu.yield
    }) : () -> ()
    %dma_start3A = arith.constant 0 : i32
    %dma_start3A_3 = tpu.memref_slice %arg5[%dma_start3A] : memref<1000000xf32, #tpu.memory_space<hbm>> -> memref<1000000xf32, #tpu.memory_space<hbm>>
    tpu.enqueue_indirect_dma source(%dma_start3A_3 : memref<1000000xf32, #tpu.memory_space<hbm>>) target(%arg12 : memref<128xf32, #tpu.memory_space<vmem>>) offsets(%arg8 : memref<128xi32, #tpu.memory_space<vmem>>) semaphore(%arg17 : memref<!tpu.dma_semaphore, #tpu.memory_space<semaphore_mem>>)
    %dma_start3A_4 = arith.constant 0 : i32
    %dma_start3A_5 = tpu.memref_slice %arg5[%dma_start3A_4] : memref<1000000xf32, #tpu.memory_space<hbm>> -> memref<1000000xf32, #tpu.memory_space<hbm>>
    tpu.enqueue_indirect_dma source(%dma_start3A_5 : memref<1000000xf32, #tpu.memory_space<hbm>>) target(%arg13 : memref<128xf32, #tpu.memory_space<vmem>>) offsets(%arg9 : memref<128xi32, #tpu.memory_space<vmem>>) semaphore(%arg17 : memref<!tpu.dma_semaphore, #tpu.memory_space<semaphore_mem>>)
    %iota3A = tpu.iota {dimensions = array<i32: 0>} : vector<16xi32>
    %scan3A = arith.constant 0 : i32
    %scan3A_6 = arith.constant 0 : i32
    %scan3A_7 = arith.constant 8 : i32
    %scan3A_8 = arith.addi %scan3A_6, %scan3A_7 : i32
    %scan3A_9 = arith.constant 1 : i32
    scf.for %scan3A_14 = %scan3A_6 to %scan3A_8 step %scan3A_9  : i32 {
      %mul3A_15 = arith.constant 16 : i32
      %mul3A_16 = arith.muli %scan3A_14, %mul3A_15 : i32
      %multiple_of3A = tpu.assume_multiple %mul3A_16, 16 : i32
      %get3A = arith.index_cast %multiple_of3A : i32 to index
      %get3A_17 = tpu.vector_load %arg8[%get3A] {strides = array<i32>} : memref<128xi32, #tpu.memory_space<vmem>>, vector<16xi32>,
      %get3A_18 = arith.index_cast %multiple_of3A : i32 to index
      %get3A_19 = tpu.vector_load %arg9[%get3A_18] {strides = array<i32>} : memref<128xi32, #tpu.memory_space<vmem>>, vector<16xi32>,
      %shift_right_arithmetic3A = arith.constant 7 : i32
      %shift_right_arithmetic3A_20 = vector.broadcast %shift_right_arithmetic3A : i32 to vector<16xi32>
      %shift_right_arithmetic3A_21 = arith.shrsi %get3A_17, %shift_right_arithmetic3A_20 : vector<16xi32>
      %shift_left3A = arith.constant 7 : i32
      %shift_left3A_22 = vector.broadcast %shift_left3A : i32 to vector<16xi32>
      %shift_left3A_23 = arith.shli %shift_right_arithmetic3A_21, %shift_left3A_22 : vector<16xi32>
      %shift_right_arithmetic3A_24 = arith.constant 7 : i32
      %shift_right_arithmetic3A_25 = vector.broadcast %shift_right_arithmetic3A_24 : i32 to vector<16xi32>
      %shift_right_arithmetic3A_26 = arith.shrsi %get3A_19, %shift_right_arithmetic3A_25 : vector<16xi32>
      %shift_left3A_27 = arith.constant 7 : i32
      %shift_left3A_28 = vector.broadcast %shift_left3A_27 : i32 to vector<16xi32>
      %shift_left3A_29 = arith.shli %shift_right_arithmetic3A_26, %shift_left3A_28 : vector<16xi32>
      %multiple_of3A_30 = arith.constant 0 : i32
      %multiple_of3A_31 = tpu.assume_multiple %multiple_of3A_30, 128 : i32
      %slice3A = vector.extract_strided_slice %shift_left3A_23 {offsets = [0], sizes = [1], strides = [1]} : vector<16xi32> to vector<1xi32>
      %squeeze3A = vector.extract %slice3A[0] : i32 from vector<1xi32>
      %multiple_of3A_32 = tpu.assume_multiple %squeeze3A, 128 : i32
      %dma_start3A_33 = arith.constant 0 : i32
      %dma_start3A_34 = tpu.memref_slice %arg10[%dma_start3A_33, %multiple_of3A_31] : memref<16x2048xf32, #tpu.memory_space<vmem>> -> memref<16x128xf32, #tpu.memory_space<vmem>>
      %dma_start3A_35 = arith.constant 0 : i32
      %dma_start3A_36 = tpu.memref_slice %arg4[%dma_start3A_35, %multiple_of3A_32] : memref<16x1000000xf32, #tpu.memory_space<hbm>> -> memref<16x128xf32, #tpu.memory_space<hbm>>
      %dma_start3A_37 = arith.constant 0 : i32
      %dma_start3A_38 = tpu.memref_slice %arg10[%dma_start3A_37, %multiple_of3A_31] : memref<16x2048xf32, #tpu.memory_space<vmem>> -> memref<16x128xf32, #tpu.memory_space<vmem>>
      %dma_start3A_39 = arith.constant 0 : i32
      %dma_start3A_40 = tpu.memref_slice %arg4[%dma_start3A_39, %multiple_of3A_32] : memref<16x1000000xf32, #tpu.memory_space<hbm>> -> memref<16x128xf32, #tpu.memory_space<hbm>>
      tpu.enqueue_dma source(%dma_start3A_40 : memref<16x128xf32, #tpu.memory_space<hbm>>) target(%dma_start3A_38 : memref<16x128xf32, #tpu.memory_space<vmem>>) target_semaphore(%arg16 : memref<!tpu.dma_semaphore, #tpu.memory_space<semaphore_mem>>)
      %slice3A_41 = vector.extract_strided_slice %shift_left3A_29 {offsets = [0], sizes = [1], strides = [1]} : vector<16xi32> to vector<1xi32>
      %squeeze3A_42 = vector.extract %slice3A_41[0] : i32 from vector<1xi32>
      %multiple_of3A_43 = tpu.assume_multiple %squeeze3A_42, 128 : i32
      %dma_start3A_44 = arith.constant 0 : i32
      %dma_start3A_45 = tpu.memref_slice %arg11[%dma_start3A_44, %multiple_of3A_31] : memref<16x2048xf32, #tpu.memory_space<vmem>> -> memref<16x128xf32, #tpu.memory_space<vmem>>
      %dma_start3A_46 = arith.constant 0 : i32
      %dma_start3A_47 = tpu.memref_slice %arg4[%dma_start3A_46, %multiple_of3A_43] : memref<16x1000000xf32, #tpu.memory_space<hbm>> -> memref<16x128xf32, #tpu.memory_space<hbm>>
      %dma_start3A_48 = arith.constant 0 : i32
      %dma_start3A_49 = tpu.memref_slice %arg11[%dma_start3A_48, %multiple_of3A_31] : memref<16x2048xf32, #tpu.memory_space<vmem>> -> memref<16x128xf32, #tpu.memory_space<vmem>>
      %dma_start3A_50 = arith.constant 0 : i32
      %dma_start3A_51 = tpu.memref_slice %arg4[%dma_start3A_50, %multiple_of3A_43] : memref<16x1000000xf32, #tpu.memory_space<hbm>> -> memref<16x128xf32, #tpu.memory_space<hbm>>
      tpu.enqueue_dma source(%dma_start3A_51 : memref<16x128xf32, #tpu.memory_space<hbm>>) target(%dma_start3A_49 : memref<16x128xf32, #tpu.memory_space<vmem>>) target_semaphore(%arg16 : memref<!tpu.dma_semaphore, #tpu.memory_space<semaphore_mem>>)
      %multiple_of3A_52 = arith.constant 128 : i32
      %multiple_of3A_53 = tpu.assume_multiple %multiple_of3A_52, 128 : i32
      %slice3A_54 = vector.extract_strided_slice %shift_left3A_23 {offsets = [1], sizes = [1], strides = [1]} : vector<16xi32> to vector<1xi32>
      %squeeze3A_55 = vector.extract %slice3A_54[0] : i32 from vector<1xi32>
      %multiple_of3A_56 = tpu.assume_multiple %squeeze3A_55, 128 : i32
      %dma_start3A_57 = arith.constant 0 : i32
      %dma_start3A_58 = tpu.memref_slice %arg10[%dma_start3A_57, %multiple_of3A_53] : memref<16x2048xf32, #tpu.memory_space<vmem>> -> memref<16x128xf32, #tpu.memory_space<vmem>>
      %dma_start3A_59 = arith.constant 0 : i32
      %dma_start3A_60 = tpu.memref_slice %arg4[%dma_start3A_59, %multiple_of3A_56] : memref<16x1000000xf32, #tpu.memory_space<hbm>> -> memref<16x128xf32, #tpu.memory_space<hbm>>
      %dma_start3A_61 = arith.constant 0 : i32
      %dma_start3A_62 = tpu.memref_slice %arg10[%dma_start3A_61, %multiple_of3A_53] : memref<16x2048xf32, #tpu.memory_space<vmem>> -> memref<16x128xf32, #tpu.memory_space<vmem>>
      %dma_start3A_63 = arith.constant 0 : i32
      %dma_start3A_64 = tpu.memref_slice %arg4[%dma_start3A_63, %multiple_of3A_56] : memref<16x1000000xf32, #tpu.memory_space<hbm>> -> memref<16x128xf32, #tpu.memory_space<hbm>>
      tpu.enqueue_dma source(%dma_start3A_64 : memref<16x128xf32, #tpu.memory_space<hbm>>) target(%dma_start3A_62 : memref<16x128xf32, #tpu.memory_space<vmem>>) target_semaphore(%arg16 : memref<!tpu.dma_semaphore, #tpu.memory_space<semaphore_mem>>)
      %slice3A_65 = vector.extract_strided_slice %shift_left3A_29 {offsets = [1], sizes = [1], strides = [1]} : vector<16xi32> to vector<1xi32>
      %squeeze3A_66 = vector.extract %slice3A_65[0] : i32 from vector<1xi32>
      %multiple_of3A_67 = tpu.assume_multiple %squeeze3A_66, 128 : i32
      %dma_start3A_68 = arith.constant 0 : i32
      %dma_start3A_69 = tpu.memref_slice %arg11[%dma_start3A_68, %multiple_of3A_53] : memref<16x2048xf32, #tpu.memory_space<vmem>> -> memref<16x128xf32, #tpu.memory_space<vmem>>
      %dma_start3A_70 = arith.constant 0 : i32
      %dma_start3A_71 = tpu.memref_slice %arg4[%dma_start3A_70, %multiple_of3A_67] : memref<16x1000000xf32, #tpu.memory_space<hbm>> -> memref<16x128xf32, #tpu.memory_space<hbm>>
      %dma_start3A_72 = arith.constant 0 : i32
      %dma_start3A_73 = tpu.memref_slice %arg11[%dma_start3A_72, %multiple_of3A_53] : memref<16x2048xf32, #tpu.memory_space<vmem>> -> memref<16x128xf32, #tpu.memory_space<vmem>>
      %dma_start3A_74 = arith.constant 0 : i32
      %dma_start3A_75 = tpu.memref_slice %arg4[%dma_start3A_74, %multiple_of3A_67] : memref<16x1000000xf32, #tpu.memory_space<hbm>> -> memref<16x128xf32, #tpu.memory_space<hbm>>
      tpu.enqueue_dma source(%dma_start3A_75 : memref<16x128xf32, #tpu.memory_space<hbm>>) target(%dma_start3A_73 : memref<16x128xf32, #tpu.memory_space<vmem>>) target_semaphore(%arg16 : memref<!tpu.dma_semaphore, #tpu.memory_space<semaphore_mem>>)
      %multiple_of3A_76 = arith.constant 256 : i32
      %multiple_of3A_77 = tpu.assume_multiple %multiple_of3A_76, 128 : i32
      %slice3A_78 = vector.extract_strided_slice %shift_left3A_23 {offsets = [2], sizes = [1], strides = [1]} : vector<16xi32> to vector<1xi32>
      %squeeze3A_79 = vector.extract %slice3A_78[0] : i32 from vector<1xi32>
      %multiple_of3A_80 = tpu.assume_multiple %squeeze3A_79, 128 : i32
      %dma_start3A_81 = arith.constant 0 : i32
      %dma_start3A_82 = tpu.memref_slice %arg10[%dma_start3A_81, %multiple_of3A_77] : memref<16x2048xf32, #tpu.memory_space<vmem>> -> memref<16x128xf32, #tpu.memory_space<vmem>>
      %dma_start3A_83 = arith.constant 0 : i32
      %dma_start3A_84 = tpu.memref_slice %arg4[%dma_start3A_83, %multiple_of3A_80] : memref<16x1000000xf32, #tpu.memory_space<hbm>> -> memref<16x128xf32, #tpu.memory_space<hbm>>
      %dma_start3A_85 = arith.constant 0 : i32
      %dma_start3A_86 = tpu.memref_slice %arg10[%dma_start3A_85, %multiple_of3A_77] : memref<16x2048xf32, #tpu.memory_space<vmem>> -> memref<16x128xf32, #tpu.memory_space<vmem>>
      %dma_start3A_87 = arith.constant 0 : i32
      %dma_start3A_88 = tpu.memref_slice %arg4[%dma_start3A_87, %multiple_of3A_80] : memref<16x1000000xf32, #tpu.memory_space<hbm>> -> memref<16x128xf32, #tpu.memory_space<hbm>>
      tpu.enqueue_dma source(%dma_start3A_88 : memref<16x128xf32, #tpu.memory_space<hbm>>) target(%dma_start3A_86 : memref<16x128xf32, #tpu.memory_space<vmem>>) target_semaphore(%arg16 : memref<!tpu.dma_semaphore, #tpu.memory_space<semaphore_mem>>)
      %slice3A_89 = vector.extract_strided_slice %shift_left3A_29 {offsets = [2], sizes = [1], strides = [1]} : vector<16xi32> to vector<1xi32>
      %squeeze3A_90 = vector.extract %slice3A_89[0] : i32 from vector<1xi32>
      %multiple_of3A_91 = tpu.assume_multiple %squeeze3A_90, 128 : i32
      %dma_start3A_92 = arith.constant 0 : i32
      %dma_start3A_93 = tpu.memref_slice %arg11[%dma_start3A_92, %multiple_of3A_77] : memref<16x2048xf32, #tpu.memory_space<vmem>> -> memref<16x128xf32, #tpu.memory_space<vmem>>
      %dma_start3A_94 = arith.constant 0 : i32
      %dma_start3A_95 = tpu.memref_slice %arg4[%dma_start3A_94, %multiple_of3A_91] : memref<16x1000000xf32, #tpu.memory_space<hbm>> -> memref<16x128xf32, #tpu.memory_space<hbm>>
      %dma_start3A_96 = arith.constant 0 : i32
      %dma_start3A_97 = tpu.memref_slice %arg11[%dma_start3A_96, %multiple_of3A_77] : memref<16x2048xf32, #tpu.memory_space<vmem>> -> memref<16x128xf32, #tpu.memory_space<vmem>>
      %dma_start3A_98 = arith.constant 0 : i32
      %dma_start3A_99 = tpu.memref_slice %arg4[%dma_start3A_98, %multiple_of3A_91] : memref<16x1000000xf32, #tpu.memory_space<hbm>> -> memref<16x128xf32, #tpu.memory_space<hbm>>
      tpu.enqueue_dma source(%dma_start3A_99 : memref<16x128xf32, #tpu.memory_space<hbm>>) target(%dma_start3A_97 : memref<16x128xf32, #tpu.memory_space<vmem>>) target_semaphore(%arg16 : memref<!tpu.dma_semaphore, #tpu.memory_space<semaphore_mem>>)
      %multiple_of3A_100 = arith.constant 384 : i32
      %multiple_of3A_101 = tpu.assume_multiple %multiple_of3A_100, 128 : i32
      %slice3A_102 = vector.extract_strided_slice %shift_left3A_23 {offsets = [3], sizes = [1], strides = [1]} : vector<16xi32> to vector<1xi32>
      %squeeze3A_103 = vector.extract %slice3A_102[0] : i32 from vector<1xi32>
      %multiple_of3A_104 = tpu.assume_multiple %squeeze3A_103, 128 : i32
      %dma_start3A_105 = arith.constant 0 : i32
      %dma_start3A_106 = tpu.memref_slice %arg10[%dma_start3A_105, %multiple_of3A_101] : memref<16x2048xf32, #tpu.memory_space<vmem>> -> memref<16x128xf32, #tpu.memory_space<vmem>>
      %dma_start3A_107 = arith.constant 0 : i32
      %dma_start3A_108 = tpu.memref_slice %arg4[%dma_start3A_107, %multiple_of3A_104] : memref<16x1000000xf32, #tpu.memory_space<hbm>> -> memref<16x128xf32, #tpu.memory_space<hbm>>
      %dma_start3A_109 = arith.constant 0 : i32
      %dma_start3A_110 = tpu.memref_slice %arg10[%dma_start3A_109, %multiple_of3A_101] : memref<16x2048xf32, #tpu.memory_space<vmem>> -> memref<16x128xf32, #tpu.memory_space<vmem>>
      %dma_start3A_111 = arith.constant 0 : i32
      %dma_start3A_112 = tpu.memref_slice %arg4[%dma_start3A_111, %multiple_of3A_104] : memref<16x1000000xf32, #tpu.memory_space<hbm>> -> memref<16x128xf32, #tpu.memory_space<hbm>>
      tpu.enqueue_dma source(%dma_start3A_112 : memref<16x128xf32, #tpu.memory_space<hbm>>) target(%dma_start3A_110 : memref<16x128xf32, #tpu.memory_space<vmem>>) target_semaphore(%arg16 : memref<!tpu.dma_semaphore, #tpu.memory_space<semaphore_mem>>)
      %slice3A_113 = vector.extract_strided_slice %shift_left3A_29 {offsets = [3], sizes = [1], strides = [1]} : vector<16xi32> to vector<1xi32>
      %squeeze3A_114 = vector.extract %slice3A_113[0] : i32 from vector<1xi32>
      %multiple_of3A_115 = tpu.assume_multiple %squeeze3A_114, 128 : i32
      %dma_start3A_116 = arith.constant 0 : i32
      %dma_start3A_117 = tpu.memref_slice %arg11[%dma_start3A_116, %multiple_of3A_101] : memref<16x2048xf32, #tpu.memory_space<vmem>> -> memref<16x128xf32, #tpu.memory_space<vmem>>
      %dma_start3A_118 = arith.constant 0 : i32
      %dma_start3A_119 = tpu.memref_slice %arg4[%dma_start3A_118, %multiple_of3A_115] : memref<16x1000000xf32, #tpu.memory_space<hbm>> -> memref<16x128xf32, #tpu.memory_space<hbm>>
      %dma_start3A_120 = arith.constant 0 : i32
      %dma_start3A_121 = tpu.memref_slice %arg11[%dma_start3A_120, %multiple_of3A_101] : memref<16x2048xf32, #tpu.memory_space<vmem>> -> memref<16x128xf32, #tpu.memory_space<vmem>>
      %dma_start3A_122 = arith.constant 0 : i32
      %dma_start3A_123 = tpu.memref_slice %arg4[%dma_start3A_122, %multiple_of3A_115] : memref<16x1000000xf32, #tpu.memory_space<hbm>> -> memref<16x128xf32, #tpu.memory_space<hbm>>
      tpu.enqueue_dma source(%dma_start3A_123 : memref<16x128xf32, #tpu.memory_space<hbm>>) target(%dma_start3A_121 : memref<16x128xf32, #tpu.memory_space<vmem>>) target_semaphore(%arg16 : memref<!tpu.dma_semaphore, #tpu.memory_space<semaphore_mem>>)
      %multiple_of3A_124 = arith.constant 512 : i32
      %multiple_of3A_125 = tpu.assume_multiple %multiple_of3A_124, 128 : i32
      %slice3A_126 = vector.extract_strided_slice %shift_left3A_23 {offsets = [4], sizes = [1], strides = [1]} : vector<16xi32> to vector<1xi32>
      %squeeze3A_127 = vector.extract %slice3A_126[0] : i32 from vector<1xi32>
      %multiple_of3A_128 = tpu.assume_multiple %squeeze3A_127, 128 : i32
      %dma_start3A_129 = arith.constant 0 : i32
      %dma_start3A_130 = tpu.memref_slice %arg10[%dma_start3A_129, %multiple_of3A_125] : memref<16x2048xf32, #tpu.memory_space<vmem>> -> memref<16x128xf32, #tpu.memory_space<vmem>>
      %dma_start3A_131 = arith.constant 0 : i32
      %dma_start3A_132 = tpu.memref_slice %arg4[%dma_start3A_131, %multiple_of3A_128] : memref<16x1000000xf32, #tpu.memory_space<hbm>> -> memref<16x128xf32, #tpu.memory_space<hbm>>
      %dma_start3A_133 = arith.constant 0 : i32
      %dma_start3A_134 = tpu.memref_slice %arg10[%dma_start3A_133, %multiple_of3A_125] : memref<16x2048xf32, #tpu.memory_space<vmem>> -> memref<16x128xf32, #tpu.memory_space<vmem>>
      %dma_start3A_135 = arith.constant 0 : i32
      %dma_start3A_136 = tpu.memref_slice %arg4[%dma_start3A_135, %multiple_of3A_128] : memref<16x1000000xf32, #tpu.memory_space<hbm>> -> memref<16x128xf32, #tpu.memory_space<hbm>>
      tpu.enqueue_dma source(%dma_start3A_136 : memref<16x128xf32, #tpu.memory_space<hbm>>) target(%dma_start3A_134 : memref<16x128xf32, #tpu.memory_space<vmem>>) target_semaphore(%arg16 : memref<!tpu.dma_semaphore, #tpu.memory_space<semaphore_mem>>)
      %slice3A_137 = vector.extract_strided_slice %shift_left3A_29 {offsets = [4], sizes = [1], strides = [1]} : vector<16xi32> to vector<1xi32>
      %squeeze3A_138 = vector.extract %slice3A_137[0] : i32 from vector<1xi32>
      %multiple_of3A_139 = tpu.assume_multiple %squeeze3A_138, 128 : i32
      %dma_start3A_140 = arith.constant 0 : i32
      %dma_start3A_141 = tpu.memref_slice %arg11[%dma_start3A_140, %multiple_of3A_125] : memref<16x2048xf32, #tpu.memory_space<vmem>> -> memref<16x128xf32, #tpu.memory_space<vmem>>
      %dma_start3A_142 = arith.constant 0 : i32
      %dma_start3A_143 = tpu.memref_slice %arg4[%dma_start3A_142, %multiple_of3A_139] : memref<16x1000000xf32, #tpu.memory_space<hbm>> -> memref<16x128xf32, #tpu.memory_space<hbm>>
      %dma_start3A_144 = arith.constant 0 : i32
      %dma_start3A_145 = tpu.memref_slice %arg11[%dma_start3A_144, %multiple_of3A_125] : memref<16x2048xf32, #tpu.memory_space<vmem>> -> memref<16x128xf32, #tpu.memory_space<vmem>>
      %dma_start3A_146 = arith.constant 0 : i32
      %dma_start3A_147 = tpu.memref_slice %arg4[%dma_start3A_146, %multiple_of3A_139] : memref<16x1000000xf32, #tpu.memory_space<hbm>> -> memref<16x128xf32, #tpu.memory_space<hbm>>
      tpu.enqueue_dma source(%dma_start3A_147 : memref<16x128xf32, #tpu.memory_space<hbm>>) target(%dma_start3A_145 : memref<16x128xf32, #tpu.memory_space<vmem>>) target_semaphore(%arg16 : memref<!tpu.dma_semaphore, #tpu.memory_space<semaphore_mem>>)
      %multiple_of3A_148 = arith.constant 640 : i32
      %multiple_of3A_149 = tpu.assume_multiple %multiple_of3A_148, 128 : i32
      %slice3A_150 = vector.extract_strided_slice %shift_left3A_23 {offsets = [5], sizes = [1], strides = [1]} : vector<16xi32> to vector<1xi32>
      %squeeze3A_151 = vector.extract %slice3A_150[0] : i32 from vector<1xi32>
      %multiple_of3A_152 = tpu.assume_multiple %squeeze3A_151, 128 : i32
      %dma_start3A_153 = arith.constant 0 : i32
      %dma_start3A_154 = tpu.memref_slice %arg10[%dma_start3A_153, %multiple_of3A_149] : memref<16x2048xf32, #tpu.memory_space<vmem>> -> memref<16x128xf32, #tpu.memory_space<vmem>>
      %dma_start3A_155 = arith.constant 0 : i32
      %dma_start3A_156 = tpu.memref_slice %arg4[%dma_start3A_155, %multiple_of3A_152] : memref<16x1000000xf32, #tpu.memory_space<hbm>> -> memref<16x128xf32, #tpu.memory_space<hbm>>
      %dma_start3A_157 = arith.constant 0 : i32
      %dma_start3A_158 = tpu.memref_slice %arg10[%dma_start3A_157, %multiple_of3A_149] : memref<16x2048xf32, #tpu.memory_space<vmem>> -> memref<16x128xf32, #tpu.memory_space<vmem>>
      %dma_start3A_159 = arith.constant 0 : i32
      %dma_start3A_160 = tpu.memref_slice %arg4[%dma_start3A_159, %multiple_of3A_152] : memref<16x1000000xf32, #tpu.memory_space<hbm>> -> memref<16x128xf32, #tpu.memory_space<hbm>>
      tpu.enqueue_dma source(%dma_start3A_160 : memref<16x128xf32, #tpu.memory_space<hbm>>) target(%dma_start3A_158 : memref<16x128xf32, #tpu.memory_space<vmem>>) target_semaphore(%arg16 : memref<!tpu.dma_semaphore, #tpu.memory_space<semaphore_mem>>)
      %slice3A_161 = vector.extract_strided_slice %shift_left3A_29 {offsets = [5], sizes = [1], strides = [1]} : vector<16xi32> to vector<1xi32>
      %squeeze3A_162 = vector.extract %slice3A_161[0] : i32 from vector<1xi32>
      %multiple_of3A_163 = tpu.assume_multiple %squeeze3A_162, 128 : i32
      %dma_start3A_164 = arith.constant 0 : i32
      %dma_start3A_165 = tpu.memref_slice %arg11[%dma_start3A_164, %multiple_of3A_149] : memref<16x2048xf32, #tpu.memory_space<vmem>> -> memref<16x128xf32, #tpu.memory_space<vmem>>
      %dma_start3A_166 = arith.constant 0 : i32
      %dma_start3A_167 = tpu.memref_slice %arg4[%dma_start3A_166, %multiple_of3A_163] : memref<16x1000000xf32, #tpu.memory_space<hbm>> -> memref<16x128xf32, #tpu.memory_space<hbm>>
      %dma_start3A_168 = arith.constant 0 : i32
      %dma_start3A_169 = tpu.memref_slice %arg11[%dma_start3A_168, %multiple_of3A_149] : memref<16x2048xf32, #tpu.memory_space<vmem>> -> memref<16x128xf32, #tpu.memory_space<vmem>>
      %dma_start3A_170 = arith.constant 0 : i32
      %dma_start3A_171 = tpu.memref_slice %arg4[%dma_start3A_170, %multiple_of3A_163] : memref<16x1000000xf32, #tpu.memory_space<hbm>> -> memref<16x128xf32, #tpu.memory_space<hbm>>
      tpu.enqueue_dma source(%dma_start3A_171 : memref<16x128xf32, #tpu.memory_space<hbm>>) target(%dma_start3A_169 : memref<16x128xf32, #tpu.memory_space<vmem>>) target_semaphore(%arg16 : memref<!tpu.dma_semaphore, #tpu.memory_space<semaphore_mem>>)
      %multiple_of3A_172 = arith.constant 768 : i32
      %multiple_of3A_173 = tpu.assume_multiple %multiple_of3A_172, 128 : i32
      %slice3A_174 = vector.extract_strided_slice %shift_left3A_23 {offsets = [6], sizes = [1], strides = [1]} : vector<16xi32> to vector<1xi32>
      %squeeze3A_175 = vector.extract %slice3A_174[0] : i32 from vector<1xi32>
      %multiple_of3A_176 = tpu.assume_multiple %squeeze3A_175, 128 : i32
      %dma_start3A_177 = arith.constant 0 : i32
      %dma_start3A_178 = tpu.memref_slice %arg10[%dma_start3A_177, %multiple_of3A_173] : memref<16x2048xf32, #tpu.memory_space<vmem>> -> memref<16x128xf32, #tpu.memory_space<vmem>>
      %dma_start3A_179 = arith.constant 0 : i32
      %dma_start3A_180 = tpu.memref_slice %arg4[%dma_start3A_179, %multiple_of3A_176] : memref<16x1000000xf32, #tpu.memory_space<hbm>> -> memref<16x128xf32, #tpu.memory_space<hbm>>
      %dma_start3A_181 = arith.constant 0 : i32
      %dma_start3A_182 = tpu.memref_slice %arg10[%dma_start3A_181, %multiple_of3A_173] : memref<16x2048xf32, #tpu.memory_space<vmem>> -> memref<16x128xf32, #tpu.memory_space<vmem>>
      %dma_start3A_183 = arith.constant 0 : i32
      %dma_start3A_184 = tpu.memref_slice %arg4[%dma_start3A_183, %multiple_of3A_176] : memref<16x1000000xf32, #tpu.memory_space<hbm>> -> memref<16x128xf32, #tpu.memory_space<hbm>>
      tpu.enqueue_dma source(%dma_start3A_184 : memref<16x128xf32, #tpu.memory_space<hbm>>) target(%dma_start3A_182 : memref<16x128xf32, #tpu.memory_space<vmem>>) target_semaphore(%arg16 : memref<!tpu.dma_semaphore, #tpu.memory_space<semaphore_mem>>)
      %slice3A_185 = vector.extract_strided_slice %shift_left3A_29 {offsets = [6], sizes = [1], strides = [1]} : vector<16xi32> to vector<1xi32>
      %squeeze3A_186 = vector.extract %slice3A_185[0] : i32 from vector<1xi32>
      %multiple_of3A_187 = tpu.assume_multiple %squeeze3A_186, 128 : i32
      %dma_start3A_188 = arith.constant 0 : i32
      %dma_start3A_189 = tpu.memref_slice %arg11[%dma_start3A_188, %multiple_of3A_173] : memref<16x2048xf32, #tpu.memory_space<vmem>> -> memref<16x128xf32, #tpu.memory_space<vmem>>
      %dma_start3A_190 = arith.constant 0 : i32
      %dma_start3A_191 = tpu.memref_slice %arg4[%dma_start3A_190, %multiple_of3A_187] : memref<16x1000000xf32, #tpu.memory_space<hbm>> -> memref<16x128xf32, #tpu.memory_space<hbm>>
      %dma_start3A_192 = arith.constant 0 : i32
      %dma_start3A_193 = tpu.memref_slice %arg11[%dma_start3A_192, %multiple_of3A_173] : memref<16x2048xf32, #tpu.memory_space<vmem>> -> memref<16x128xf32, #tpu.memory_space<vmem>>
      %dma_start3A_194 = arith.constant 0 : i32
      %dma_start3A_195 = tpu.memref_slice %arg4[%dma_start3A_194, %multiple_of3A_187] : memref<16x1000000xf32, #tpu.memory_space<hbm>> -> memref<16x128xf32, #tpu.memory_space<hbm>>
      tpu.enqueue_dma source(%dma_start3A_195 : memref<16x128xf32, #tpu.memory_space<hbm>>) target(%dma_start3A_193 : memref<16x128xf32, #tpu.memory_space<vmem>>) target_semaphore(%arg16 : memref<!tpu.dma_semaphore, #tpu.memory_space<semaphore_mem>>)
      %multiple_of3A_196 = arith.constant 896 : i32
      %multiple_of3A_197 = tpu.assume_multiple %multiple_of3A_196, 128 : i32
      %slice3A_198 = vector.extract_strided_slice %shift_left3A_23 {offsets = [7], sizes = [1], strides = [1]} : vector<16xi32> to vector<1xi32>
      %squeeze3A_199 = vector.extract %slice3A_198[0] : i32 from vector<1xi32>
      %multiple_of3A_200 = tpu.assume_multiple %squeeze3A_199, 128 : i32
      %dma_start3A_201 = arith.constant 0 : i32
      %dma_start3A_202 = tpu.memref_slice %arg10[%dma_start3A_201, %multiple_of3A_197] : memref<16x2048xf32, #tpu.memory_space<vmem>> -> memref<16x128xf32, #tpu.memory_space<vmem>>
      %dma_start3A_203 = arith.constant 0 : i32
      %dma_start3A_204 = tpu.memref_slice %arg4[%dma_start3A_203, %multiple_of3A_200] : memref<16x1000000xf32, #tpu.memory_space<hbm>> -> memref<16x128xf32, #tpu.memory_space<hbm>>
      %dma_start3A_205 = arith.constant 0 : i32
      %dma_start3A_206 = tpu.memref_slice %arg10[%dma_start3A_205, %multiple_of3A_197] : memref<16x2048xf32, #tpu.memory_space<vmem>> -> memref<16x128xf32, #tpu.memory_space<vmem>>
      %dma_start3A_207 = arith.constant 0 : i32
      %dma_start3A_208 = tpu.memref_slice %arg4[%dma_start3A_207, %multiple_of3A_200] : memref<16x1000000xf32, #tpu.memory_space<hbm>> -> memref<16x128xf32, #tpu.memory_space<hbm>>
      tpu.enqueue_dma source(%dma_start3A_208 : memref<16x128xf32, #tpu.memory_space<hbm>>) target(%dma_start3A_206 : memref<16x128xf32, #tpu.memory_space<vmem>>) target_semaphore(%arg16 : memref<!tpu.dma_semaphore, #tpu.memory_space<semaphore_mem>>)
      %slice3A_209 = vector.extract_strided_slice %shift_left3A_29 {offsets = [7], sizes = [1], strides = [1]} : vector<16xi32> to vector<1xi32>
      %squeeze3A_210 = vector.extract %slice3A_209[0] : i32 from vector<1xi32>
      %multiple_of3A_211 = tpu.assume_multiple %squeeze3A_210, 128 : i32
      %dma_start3A_212 = arith.constant 0 : i32
      %dma_start3A_213 = tpu.memref_slice %arg11[%dma_start3A_212, %multiple_of3A_197] : memref<16x2048xf32, #tpu.memory_space<vmem>> -> memref<16x128xf32, #tpu.memory_space<vmem>>
      %dma_start3A_214 = arith.constant 0 : i32
      %dma_start3A_215 = tpu.memref_slice %arg4[%dma_start3A_214, %multiple_of3A_211] : memref<16x1000000xf32, #tpu.memory_space<hbm>> -> memref<16x128xf32, #tpu.memory_space<hbm>>
      %dma_start3A_216 = arith.constant 0 : i32
      %dma_start3A_217 = tpu.memref_slice %arg11[%dma_start3A_216, %multiple_of3A_197] : memref<16x2048xf32, #tpu.memory_space<vmem>> -> memref<16x128xf32, #tpu.memory_space<vmem>>
      %dma_start3A_218 = arith.constant 0 : i32
      %dma_start3A_219 = tpu.memref_slice %arg4[%dma_start3A_218, %multiple_of3A_211] : memref<16x1000000xf32, #tpu.memory_space<hbm>> -> memref<16x128xf32, #tpu.memory_space<hbm>>
      tpu.enqueue_dma source(%dma_start3A_219 : memref<16x128xf32, #tpu.memory_space<hbm>>) target(%dma_start3A_217 : memref<16x128xf32, #tpu.memory_space<vmem>>) target_semaphore(%arg16 : memref<!tpu.dma_semaphore, #tpu.memory_space<semaphore_mem>>)
      %multiple_of3A_220 = arith.constant 1024 : i32
      %multiple_of3A_221 = tpu.assume_multiple %multiple_of3A_220, 128 : i32
      %slice3A_222 = vector.extract_strided_slice %shift_left3A_23 {offsets = [8], sizes = [1], strides = [1]} : vector<16xi32> to vector<1xi32>
      %squeeze3A_223 = vector.extract %slice3A_222[0] : i32 from vector<1xi32>
      %multiple_of3A_224 = tpu.assume_multiple %squeeze3A_223, 128 : i32
      %dma_start3A_225 = arith.constant 0 : i32
      %dma_start3A_226 = tpu.memref_slice %arg10[%dma_start3A_225, %multiple_of3A_221] : memref<16x2048xf32, #tpu.memory_space<vmem>> -> memref<16x128xf32, #tpu.memory_space<vmem>>
      %dma_start3A_227 = arith.constant 0 : i32
      %dma_start3A_228 = tpu.memref_slice %arg4[%dma_start3A_227, %multiple_of3A_224] : memref<16x1000000xf32, #tpu.memory_space<hbm>> -> memref<16x128xf32, #tpu.memory_space<hbm>>
      %dma_start3A_229 = arith.constant 0 : i32
      %dma_start3A_230 = tpu.memref_slice %arg10[%dma_start3A_229, %multiple_of3A_221] : memref<16x2048xf32, #tpu.memory_space<vmem>> -> memref<16x128xf32, #tpu.memory_space<vmem>>
      %dma_start3A_231 = arith.constant 0 : i32
      %dma_start3A_232 = tpu.memref_slice %arg4[%dma_start3A_231, %multiple_of3A_224] : memref<16x1000000xf32, #tpu.memory_space<hbm>> -> memref<16x128xf32, #tpu.memory_space<hbm>>
      tpu.enqueue_dma source(%dma_start3A_232 : memref<16x128xf32, #tpu.memory_space<hbm>>) target(%dma_start3A_230 : memref<16x128xf32, #tpu.memory_space<vmem>>) target_semaphore(%arg16 : memref<!tpu.dma_semaphore, #tpu.memory_space<semaphore_mem>>)
      %slice3A_233 = vector.extract_strided_slice %shift_left3A_29 {offsets = [8], sizes = [1], strides = [1]} : vector<16xi32> to vector<1xi32>
      %squeeze3A_234 = vector.extract %slice3A_233[0] : i32 from vector<1xi32>
      %multiple_of3A_235 = tpu.assume_multiple %squeeze3A_234, 128 : i32
      %dma_start3A_236 = arith.constant 0 : i32
      %dma_start3A_237 = tpu.memref_slice %arg11[%dma_start3A_236, %multiple_of3A_221] : memref<16x2048xf32, #tpu.memory_space<vmem>> -> memref<16x128xf32, #tpu.memory_space<vmem>>
      %dma_start3A_238 = arith.constant 0 : i32
      %dma_start3A_239 = tpu.memref_slice %arg4[%dma_start3A_238, %multiple_of3A_235] : memref<16x1000000xf32, #tpu.memory_space<hbm>> -> memref<16x128xf32, #tpu.memory_space<hbm>>
      %dma_start3A_240 = arith.constant 0 : i32
      %dma_start3A_241 = tpu.memref_slice %arg11[%dma_start3A_240, %multiple_of3A_221] : memref<16x2048xf32, #tpu.memory_space<vmem>> -> memref<16x128xf32, #tpu.memory_space<vmem>>
      %dma_start3A_242 = arith.constant 0 : i32
      %dma_start3A_243 = tpu.memref_slice %arg4[%dma_start3A_242, %multiple_of3A_235] : memref<16x1000000xf32, #tpu.memory_space<hbm>> -> memref<16x128xf32, #tpu.memory_space<hbm>>
      tpu.enqueue_dma source(%dma_start3A_243 : memref<16x128xf32, #tpu.memory_space<hbm>>) target(%dma_start3A_241 : memref<16x128xf32, #tpu.memory_space<vmem>>) target_semaphore(%arg16 : memref<!tpu.dma_semaphore, #tpu.memory_space<semaphore_mem>>)
      %multiple_of3A_244 = arith.constant 1152 : i32
      %multiple_of3A_245 = tpu.assume_multiple %multiple_of3A_244, 128 : i32
      %slice3A_246 = vector.extract_strided_slice %shift_left3A_23 {offsets = [9], sizes = [1], strides = [1]} : vector<16xi32> to vector<1xi32>
      %squeeze3A_247 = vector.extract %slice3A_246[0] : i32 from vector<1xi32>
      %multiple_of3A_248 = tpu.assume_multiple %squeeze3A_247, 128 : i32
      %dma_start3A_249 = arith.constant 0 : i32
      %dma_start3A_250 = tpu.memref_slice %arg10[%dma_start3A_249, %multiple_of3A_245] : memref<16x2048xf32, #tpu.memory_space<vmem>> -> memref<16x128xf32, #tpu.memory_space<vmem>>
      %dma_start3A_251 = arith.constant 0 : i32
      %dma_start3A_252 = tpu.memref_slice %arg4[%dma_start3A_251, %multiple_of3A_248] : memref<16x1000000xf32, #tpu.memory_space<hbm>> -> memref<16x128xf32, #tpu.memory_space<hbm>>
      %dma_start3A_253 = arith.constant 0 : i32
      %dma_start3A_254 = tpu.memref_slice %arg10[%dma_start3A_253, %multiple_of3A_245] : memref<16x2048xf32, #tpu.memory_space<vmem>> -> memref<16x128xf32, #tpu.memory_space<vmem>>
      %dma_start3A_255 = arith.constant 0 : i32
      %dma_start3A_256 = tpu.memref_slice %arg4[%dma_start3A_255, %multiple_of3A_248] : memref<16x1000000xf32, #tpu.memory_space<hbm>> -> memref<16x128xf32, #tpu.memory_space<hbm>>
      tpu.enqueue_dma source(%dma_start3A_256 : memref<16x128xf32, #tpu.memory_space<hbm>>) target(%dma_start3A_254 : memref<16x128xf32, #tpu.memory_space<vmem>>) target_semaphore(%arg16 : memref<!tpu.dma_semaphore, #tpu.memory_space<semaphore_mem>>)
      %slice3A_257 = vector.extract_strided_slice %shift_left3A_29 {offsets = [9], sizes = [1], strides = [1]} : vector<16xi32> to vector<1xi32>
      %squeeze3A_258 = vector.extract %slice3A_257[0] : i32 from vector<1xi32>
      %multiple_of3A_259 = tpu.assume_multiple %squeeze3A_258, 128 : i32
      %dma_start3A_260 = arith.constant 0 : i32
      %dma_start3A_261 = tpu.memref_slice %arg11[%dma_start3A_260, %multiple_of3A_245] : memref<16x2048xf32, #tpu.memory_space<vmem>> -> memref<16x128xf32, #tpu.memory_space<vmem>>
      %dma_start3A_262 = arith.constant 0 : i32
      %dma_start3A_263 = tpu.memref_slice %arg4[%dma_start3A_262, %multiple_of3A_259] : memref<16x1000000xf32, #tpu.memory_space<hbm>> -> memref<16x128xf32, #tpu.memory_space<hbm>>
      %dma_start3A_264 = arith.constant 0 : i32
      %dma_start3A_265 = tpu.memref_slice %arg11[%dma_start3A_264, %multiple_of3A_245] : memref<16x2048xf32, #tpu.memory_space<vmem>> -> memref<16x128xf32, #tpu.memory_space<vmem>>
      %dma_start3A_266 = arith.constant 0 : i32
      %dma_start3A_267 = tpu.memref_slice %arg4[%dma_start3A_266, %multiple_of3A_259] : memref<16x1000000xf32, #tpu.memory_space<hbm>> -> memref<16x128xf32, #tpu.memory_space<hbm>>
      tpu.enqueue_dma source(%dma_start3A_267 : memref<16x128xf32, #tpu.memory_space<hbm>>) target(%dma_start3A_265 : memref<16x128xf32, #tpu.memory_space<vmem>>) target_semaphore(%arg16 : memref<!tpu.dma_semaphore, #tpu.memory_space<semaphore_mem>>)
      %multiple_of3A_268 = arith.constant 1280 : i32
      %multiple_of3A_269 = tpu.assume_multiple %multiple_of3A_268, 128 : i32
      %slice3A_270 = vector.extract_strided_slice %shift_left3A_23 {offsets = [10], sizes = [1], strides = [1]} : vector<16xi32> to vector<1xi32>
      %squeeze3A_271 = vector.extract %slice3A_270[0] : i32 from vector<1xi32>
      %multiple_of3A_272 = tpu.assume_multiple %squeeze3A_271, 128 : i32
      %dma_start3A_273 = arith.constant 0 : i32
      %dma_start3A_274 = tpu.memref_slice %arg10[%dma_start3A_273, %multiple_of3A_269] : memref<16x2048xf32, #tpu.memory_space<vmem>> -> memref<16x128xf32, #tpu.memory_space<vmem>>
      %dma_start3A_275 = arith.constant 0 : i32
      %dma_start3A_276 = tpu.memref_slice %arg4[%dma_start3A_275, %multiple_of3A_272] : memref<16x1000000xf32, #tpu.memory_space<hbm>> -> memref<16x128xf32, #tpu.memory_space<hbm>>
      %dma_start3A_277 = arith.constant 0 : i32
      %dma_start3A_278 = tpu.memref_slice %arg10[%dma_start3A_277, %multiple_of3A_269] : memref<16x2048xf32, #tpu.memory_space<vmem>> -> memref<16x128xf32, #tpu.memory_space<vmem>>
      %dma_start3A_279 = arith.constant 0 : i32
      %dma_start3A_280 = tpu.memref_slice %arg4[%dma_start3A_279, %multiple_of3A_272] : memref<16x1000000xf32, #tpu.memory_space<hbm>> -> memref<16x128xf32, #tpu.memory_space<hbm>>
      tpu.enqueue_dma source(%dma_start3A_280 : memref<16x128xf32, #tpu.memory_space<hbm>>) target(%dma_start3A_278 : memref<16x128xf32, #tpu.memory_space<vmem>>) target_semaphore(%arg16 : memref<!tpu.dma_semaphore, #tpu.memory_space<semaphore_mem>>)
      %slice3A_281 = vector.extract_strided_slice %shift_left3A_29 {offsets = [10], sizes = [1], strides = [1]} : vector<16xi32> to vector<1xi32>
      %squeeze3A_282 = vector.extract %slice3A_281[0] : i32 from vector<1xi32>
      %multiple_of3A_283 = tpu.assume_multiple %squeeze3A_282, 128 : i32
      %dma_start3A_284 = arith.constant 0 : i32
      %dma_start3A_285 = tpu.memref_slice %arg11[%dma_start3A_284, %multiple_of3A_269] : memref<16x2048xf32, #tpu.memory_space<vmem>> -> memref<16x128xf32, #tpu.memory_space<vmem>>
      %dma_start3A_286 = arith.constant 0 : i32
      %dma_start3A_287 = tpu.memref_slice %arg4[%dma_start3A_286, %multiple_of3A_283] : memref<16x1000000xf32, #tpu.memory_space<hbm>> -> memref<16x128xf32, #tpu.memory_space<hbm>>
      %dma_start3A_288 = arith.constant 0 : i32
      %dma_start3A_289 = tpu.memref_slice %arg11[%dma_start3A_288, %multiple_of3A_269] : memref<16x2048xf32, #tpu.memory_space<vmem>> -> memref<16x128xf32, #tpu.memory_space<vmem>>
      %dma_start3A_290 = arith.constant 0 : i32
      %dma_start3A_291 = tpu.memref_slice %arg4[%dma_start3A_290, %multiple_of3A_283] : memref<16x1000000xf32, #tpu.memory_space<hbm>> -> memref<16x128xf32, #tpu.memory_space<hbm>>
      tpu.enqueue_dma source(%dma_start3A_291 : memref<16x128xf32, #tpu.memory_space<hbm>>) target(%dma_start3A_289 : memref<16x128xf32, #tpu.memory_space<vmem>>) target_semaphore(%arg16 : memref<!tpu.dma_semaphore, #tpu.memory_space<semaphore_mem>>)
      %multiple_of3A_292 = arith.constant 1408 : i32
      %multiple_of3A_293 = tpu.assume_multiple %multiple_of3A_292, 128 : i32
      %slice3A_294 = vector.extract_strided_slice %shift_left3A_23 {offsets = [11], sizes = [1], strides = [1]} : vector<16xi32> to vector<1xi32>
      %squeeze3A_295 = vector.extract %slice3A_294[0] : i32 from vector<1xi32>
      %multiple_of3A_296 = tpu.assume_multiple %squeeze3A_295, 128 : i32
      %dma_start3A_297 = arith.constant 0 : i32
      %dma_start3A_298 = tpu.memref_slice %arg10[%dma_start3A_297, %multiple_of3A_293] : memref<16x2048xf32, #tpu.memory_space<vmem>> -> memref<16x128xf32, #tpu.memory_space<vmem>>
      %dma_start3A_299 = arith.constant 0 : i32
      %dma_start3A_300 = tpu.memref_slice %arg4[%dma_start3A_299, %multiple_of3A_296] : memref<16x1000000xf32, #tpu.memory_space<hbm>> -> memref<16x128xf32, #tpu.memory_space<hbm>>
      %dma_start3A_301 = arith.constant 0 : i32
      %dma_start3A_302 = tpu.memref_slice %arg10[%dma_start3A_301, %multiple_of3A_293] : memref<16x2048xf32, #tpu.memory_space<vmem>> -> memref<16x128xf32, #tpu.memory_space<vmem>>
      %dma_start3A_303 = arith.constant 0 : i32
      %dma_start3A_304 = tpu.memref_slice %arg4[%dma_start3A_303, %multiple_of3A_296] : memref<16x1000000xf32, #tpu.memory_space<hbm>> -> memref<16x128xf32, #tpu.memory_space<hbm>>
      tpu.enqueue_dma source(%dma_start3A_304 : memref<16x128xf32, #tpu.memory_space<hbm>>) target(%dma_start3A_302 : memref<16x128xf32, #tpu.memory_space<vmem>>) target_semaphore(%arg16 : memref<!tpu.dma_semaphore, #tpu.memory_space<semaphore_mem>>)
      %slice3A_305 = vector.extract_strided_slice %shift_left3A_29 {offsets = [11], sizes = [1], strides = [1]} : vector<16xi32> to vector<1xi32>
      %squeeze3A_306 = vector.extract %slice3A_305[0] : i32 from vector<1xi32>
      %multiple_of3A_307 = tpu.assume_multiple %squeeze3A_306, 128 : i32
      %dma_start3A_308 = arith.constant 0 : i32
      %dma_start3A_309 = tpu.memref_slice %arg11[%dma_start3A_308, %multiple_of3A_293] : memref<16x2048xf32, #tpu.memory_space<vmem>> -> memref<16x128xf32, #tpu.memory_space<vmem>>
      %dma_start3A_310 = arith.constant 0 : i32
      %dma_start3A_311 = tpu.memref_slice %arg4[%dma_start3A_310, %multiple_of3A_307] : memref<16x1000000xf32, #tpu.memory_space<hbm>> -> memref<16x128xf32, #tpu.memory_space<hbm>>
      %dma_start3A_312 = arith.constant 0 : i32
      %dma_start3A_313 = tpu.memref_slice %arg11[%dma_start3A_312, %multiple_of3A_293] : memref<16x2048xf32, #tpu.memory_space<vmem>> -> memref<16x128xf32, #tpu.memory_space<vmem>>
      %dma_start3A_314 = arith.constant 0 : i32
      %dma_start3A_315 = tpu.memref_slice %arg4[%dma_start3A_314, %multiple_of3A_307] : memref<16x1000000xf32, #tpu.memory_space<hbm>> -> memref<16x128xf32, #tpu.memory_space<hbm>>
      tpu.enqueue_dma source(%dma_start3A_315 : memref<16x128xf32, #tpu.memory_space<hbm>>) target(%dma_start3A_313 : memref<16x128xf32, #tpu.memory_space<vmem>>) target_semaphore(%arg16 : memref<!tpu.dma_semaphore, #tpu.memory_space<semaphore_mem>>)
      %multiple_of3A_316 = arith.constant 1536 : i32
      %multiple_of3A_317 = tpu.assume_multiple %multiple_of3A_316, 128 : i32
      %slice3A_318 = vector.extract_strided_slice %shift_left3A_23 {offsets = [12], sizes = [1], strides = [1]} : vector<16xi32> to vector<1xi32>
      %squeeze3A_319 = vector.extract %slice3A_318[0] : i32 from vector<1xi32>
      %multiple_of3A_320 = tpu.assume_multiple %squeeze3A_319, 128 : i32
      %dma_start3A_321 = arith.constant 0 : i32
      %dma_start3A_322 = tpu.memref_slice %arg10[%dma_start3A_321, %multiple_of3A_317] : memref<16x2048xf32, #tpu.memory_space<vmem>> -> memref<16x128xf32, #tpu.memory_space<vmem>>
      %dma_start3A_323 = arith.constant 0 : i32
      %dma_start3A_324 = tpu.memref_slice %arg4[%dma_start3A_323, %multiple_of3A_320] : memref<16x1000000xf32, #tpu.memory_space<hbm>> -> memref<16x128xf32, #tpu.memory_space<hbm>>
      %dma_start3A_325 = arith.constant 0 : i32
      %dma_start3A_326 = tpu.memref_slice %arg10[%dma_start3A_325, %multiple_of3A_317] : memref<16x2048xf32, #tpu.memory_space<vmem>> -> memref<16x128xf32, #tpu.memory_space<vmem>>
      %dma_start3A_327 = arith.constant 0 : i32
      %dma_start3A_328 = tpu.memref_slice %arg4[%dma_start3A_327, %multiple_of3A_320] : memref<16x1000000xf32, #tpu.memory_space<hbm>> -> memref<16x128xf32, #tpu.memory_space<hbm>>
      tpu.enqueue_dma source(%dma_start3A_328 : memref<16x128xf32, #tpu.memory_space<hbm>>) target(%dma_start3A_326 : memref<16x128xf32, #tpu.memory_space<vmem>>) target_semaphore(%arg16 : memref<!tpu.dma_semaphore, #tpu.memory_space<semaphore_mem>>)
      %slice3A_329 = vector.extract_strided_slice %shift_left3A_29 {offsets = [12], sizes = [1], strides = [1]} : vector<16xi32> to vector<1xi32>
      %squeeze3A_330 = vector.extract %slice3A_329[0] : i32 from vector<1xi32>
      %multiple_of3A_331 = tpu.assume_multiple %squeeze3A_330, 128 : i32
      %dma_start3A_332 = arith.constant 0 : i32
      %dma_start3A_333 = tpu.memref_slice %arg11[%dma_start3A_332, %multiple_of3A_317] : memref<16x2048xf32, #tpu.memory_space<vmem>> -> memref<16x128xf32, #tpu.memory_space<vmem>>
      %dma_start3A_334 = arith.constant 0 : i32
      %dma_start3A_335 = tpu.memref_slice %arg4[%dma_start3A_334, %multiple_of3A_331] : memref<16x1000000xf32, #tpu.memory_space<hbm>> -> memref<16x128xf32, #tpu.memory_space<hbm>>
      %dma_start3A_336 = arith.constant 0 : i32
      %dma_start3A_337 = tpu.memref_slice %arg11[%dma_start3A_336, %multiple_of3A_317] : memref<16x2048xf32, #tpu.memory_space<vmem>> -> memref<16x128xf32, #tpu.memory_space<vmem>>
      %dma_start3A_338 = arith.constant 0 : i32
      %dma_start3A_339 = tpu.memref_slice %arg4[%dma_start3A_338, %multiple_of3A_331] : memref<16x1000000xf32, #tpu.memory_space<hbm>> -> memref<16x128xf32, #tpu.memory_space<hbm>>
      tpu.enqueue_dma source(%dma_start3A_339 : memref<16x128xf32, #tpu.memory_space<hbm>>) target(%dma_start3A_337 : memref<16x128xf32, #tpu.memory_space<vmem>>) target_semaphore(%arg16 : memref<!tpu.dma_semaphore, #tpu.memory_space<semaphore_mem>>)
      %multiple_of3A_340 = arith.constant 1664 : i32
      %multiple_of3A_341 = tpu.assume_multiple %multiple_of3A_340, 128 : i32
      %slice3A_342 = vector.extract_strided_slice %shift_left3A_23 {offsets = [13], sizes = [1], strides = [1]} : vector<16xi32> to vector<1xi32>
      %squeeze3A_343 = vector.extract %slice3A_342[0] : i32 from vector<1xi32>
      %multiple_of3A_344 = tpu.assume_multiple %squeeze3A_343, 128 : i32
      %dma_start3A_345 = arith.constant 0 : i32
      %dma_start3A_346 = tpu.memref_slice %arg10[%dma_start3A_345, %multiple_of3A_341] : memref<16x2048xf32, #tpu.memory_space<vmem>> -> memref<16x128xf32, #tpu.memory_space<vmem>>
      %dma_start3A_347 = arith.constant 0 : i32
      %dma_start3A_348 = tpu.memref_slice %arg4[%dma_start3A_347, %multiple_of3A_344] : memref<16x1000000xf32, #tpu.memory_space<hbm>> -> memref<16x128xf32, #tpu.memory_space<hbm>>
      %dma_start3A_349 = arith.constant 0 : i32
      %dma_start3A_350 = tpu.memref_slice %arg10[%dma_start3A_349, %multiple_of3A_341] : memref<16x2048xf32, #tpu.memory_space<vmem>> -> memref<16x128xf32, #tpu.memory_space<vmem>>
      %dma_start3A_351 = arith.constant 0 : i32
      %dma_start3A_352 = tpu.memref_slice %arg4[%dma_start3A_351, %multiple_of3A_344] : memref<16x1000000xf32, #tpu.memory_space<hbm>> -> memref<16x128xf32, #tpu.memory_space<hbm>>
      tpu.enqueue_dma source(%dma_start3A_352 : memref<16x128xf32, #tpu.memory_space<hbm>>) target(%dma_start3A_350 : memref<16x128xf32, #tpu.memory_space<vmem>>) target_semaphore(%arg16 : memref<!tpu.dma_semaphore, #tpu.memory_space<semaphore_mem>>)
      %slice3A_353 = vector.extract_strided_slice %shift_left3A_29 {offsets = [13], sizes = [1], strides = [1]} : vector<16xi32> to vector<1xi32>
      %squeeze3A_354 = vector.extract %slice3A_353[0] : i32 from vector<1xi32>
      %multiple_of3A_355 = tpu.assume_multiple %squeeze3A_354, 128 : i32
      %dma_start3A_356 = arith.constant 0 : i32
      %dma_start3A_357 = tpu.memref_slice %arg11[%dma_start3A_356, %multiple_of3A_341] : memref<16x2048xf32, #tpu.memory_space<vmem>> -> memref<16x128xf32, #tpu.memory_space<vmem>>
      %dma_start3A_358 = arith.constant 0 : i32
      %dma_start3A_359 = tpu.memref_slice %arg4[%dma_start3A_358, %multiple_of3A_355] : memref<16x1000000xf32, #tpu.memory_space<hbm>> -> memref<16x128xf32, #tpu.memory_space<hbm>>
      %dma_start3A_360 = arith.constant 0 : i32
      %dma_start3A_361 = tpu.memref_slice %arg11[%dma_start3A_360, %multiple_of3A_341] : memref<16x2048xf32, #tpu.memory_space<vmem>> -> memref<16x128xf32, #tpu.memory_space<vmem>>
      %dma_start3A_362 = arith.constant 0 : i32
      %dma_start3A_363 = tpu.memref_slice %arg4[%dma_start3A_362, %multiple_of3A_355] : memref<16x1000000xf32, #tpu.memory_space<hbm>> -> memref<16x128xf32, #tpu.memory_space<hbm>>
      tpu.enqueue_dma source(%dma_start3A_363 : memref<16x128xf32, #tpu.memory_space<hbm>>) target(%dma_start3A_361 : memref<16x128xf32, #tpu.memory_space<vmem>>) target_semaphore(%arg16 : memref<!tpu.dma_semaphore, #tpu.memory_space<semaphore_mem>>)
      %multiple_of3A_364 = arith.constant 1792 : i32
      %multiple_of3A_365 = tpu.assume_multiple %multiple_of3A_364, 128 : i32
      %slice3A_366 = vector.extract_strided_slice %shift_left3A_23 {offsets = [14], sizes = [1], strides = [1]} : vector<16xi32> to vector<1xi32>
      %squeeze3A_367 = vector.extract %slice3A_366[0] : i32 from vector<1xi32>
      %multiple_of3A_368 = tpu.assume_multiple %squeeze3A_367, 128 : i32
      %dma_start3A_369 = arith.constant 0 : i32
      %dma_start3A_370 = tpu.memref_slice %arg10[%dma_start3A_369, %multiple_of3A_365] : memref<16x2048xf32, #tpu.memory_space<vmem>> -> memref<16x128xf32, #tpu.memory_space<vmem>>
      %dma_start3A_371 = arith.constant 0 : i32
      %dma_start3A_372 = tpu.memref_slice %arg4[%dma_start3A_371, %multiple_of3A_368] : memref<16x1000000xf32, #tpu.memory_space<hbm>> -> memref<16x128xf32, #tpu.memory_space<hbm>>
      %dma_start3A_373 = arith.constant 0 : i32
      %dma_start3A_374 = tpu.memref_slice %arg10[%dma_start3A_373, %multiple_of3A_365] : memref<16x2048xf32, #tpu.memory_space<vmem>> -> memref<16x128xf32, #tpu.memory_space<vmem>>
      %dma_start3A_375 = arith.constant 0 : i32
      %dma_start3A_376 = tpu.memref_slice %arg4[%dma_start3A_375, %multiple_of3A_368] : memref<16x1000000xf32, #tpu.memory_space<hbm>> -> memref<16x128xf32, #tpu.memory_space<hbm>>
      tpu.enqueue_dma source(%dma_start3A_376 : memref<16x128xf32, #tpu.memory_space<hbm>>) target(%dma_start3A_374 : memref<16x128xf32, #tpu.memory_space<vmem>>) target_semaphore(%arg16 : memref<!tpu.dma_semaphore, #tpu.memory_space<semaphore_mem>>)
      %slice3A_377 = vector.extract_strided_slice %shift_left3A_29 {offsets = [14], sizes = [1], strides = [1]} : vector<16xi32> to vector<1xi32>
      %squeeze3A_378 = vector.extract %slice3A_377[0] : i32 from vector<1xi32>
      %multiple_of3A_379 = tpu.assume_multiple %squeeze3A_378, 128 : i32
      %dma_start3A_380 = arith.constant 0 : i32
      %dma_start3A_381 = tpu.memref_slice %arg11[%dma_start3A_380, %multiple_of3A_365] : memref<16x2048xf32, #tpu.memory_space<vmem>> -> memref<16x128xf32, #tpu.memory_space<vmem>>
      %dma_start3A_382 = arith.constant 0 : i32
      %dma_start3A_383 = tpu.memref_slice %arg4[%dma_start3A_382, %multiple_of3A_379] : memref<16x1000000xf32, #tpu.memory_space<hbm>> -> memref<16x128xf32, #tpu.memory_space<hbm>>
      %dma_start3A_384 = arith.constant 0 : i32
      %dma_start3A_385 = tpu.memref_slice %arg11[%dma_start3A_384, %multiple_of3A_365] : memref<16x2048xf32, #tpu.memory_space<vmem>> -> memref<16x128xf32, #tpu.memory_space<vmem>>
      %dma_start3A_386 = arith.constant 0 : i32
      %dma_start3A_387 = tpu.memref_slice %arg4[%dma_start3A_386, %multiple_of3A_379] : memref<16x1000000xf32, #tpu.memory_space<hbm>> -> memref<16x128xf32, #tpu.memory_space<hbm>>
      tpu.enqueue_dma source(%dma_start3A_387 : memref<16x128xf32, #tpu.memory_space<hbm>>) target(%dma_start3A_385 : memref<16x128xf32, #tpu.memory_space<vmem>>) target_semaphore(%arg16 : memref<!tpu.dma_semaphore, #tpu.memory_space<semaphore_mem>>)
      %multiple_of3A_388 = arith.constant 1920 : i32
      %multiple_of3A_389 = tpu.assume_multiple %multiple_of3A_388, 128 : i32
      %slice3A_390 = vector.extract_strided_slice %shift_left3A_23 {offsets = [15], sizes = [1], strides = [1]} : vector<16xi32> to vector<1xi32>
      %squeeze3A_391 = vector.extract %slice3A_390[0] : i32 from vector<1xi32>
      %multiple_of3A_392 = tpu.assume_multiple %squeeze3A_391, 128 : i32
      %dma_start3A_393 = arith.constant 0 : i32
      %dma_start3A_394 = tpu.memref_slice %arg10[%dma_start3A_393, %multiple_of3A_389] : memref<16x2048xf32, #tpu.memory_space<vmem>> -> memref<16x128xf32, #tpu.memory_space<vmem>>
      %dma_start3A_395 = arith.constant 0 : i32
      %dma_start3A_396 = tpu.memref_slice %arg4[%dma_start3A_395, %multiple_of3A_392] : memref<16x1000000xf32, #tpu.memory_space<hbm>> -> memref<16x128xf32, #tpu.memory_space<hbm>>
      %dma_start3A_397 = arith.constant 0 : i32
      %dma_start3A_398 = tpu.memref_slice %arg10[%dma_start3A_397, %multiple_of3A_389] : memref<16x2048xf32, #tpu.memory_space<vmem>> -> memref<16x128xf32, #tpu.memory_space<vmem>>
      %dma_start3A_399 = arith.constant 0 : i32
      %dma_start3A_400 = tpu.memref_slice %arg4[%dma_start3A_399, %multiple_of3A_392] : memref<16x1000000xf32, #tpu.memory_space<hbm>> -> memref<16x128xf32, #tpu.memory_space<hbm>>
      tpu.enqueue_dma source(%dma_start3A_400 : memref<16x128xf32, #tpu.memory_space<hbm>>) target(%dma_start3A_398 : memref<16x128xf32, #tpu.memory_space<vmem>>) target_semaphore(%arg16 : memref<!tpu.dma_semaphore, #tpu.memory_space<semaphore_mem>>)
      %slice3A_401 = vector.extract_strided_slice %shift_left3A_29 {offsets = [15], sizes = [1], strides = [1]} : vector<16xi32> to vector<1xi32>
      %squeeze3A_402 = vector.extract %slice3A_401[0] : i32 from vector<1xi32>
      %multiple_of3A_403 = tpu.assume_multiple %squeeze3A_402, 128 : i32
      %dma_start3A_404 = arith.constant 0 : i32
      %dma_start3A_405 = tpu.memref_slice %arg11[%dma_start3A_404, %multiple_of3A_389] : memref<16x2048xf32, #tpu.memory_space<vmem>> -> memref<16x128xf32, #tpu.memory_space<vmem>>
      %dma_start3A_406 = arith.constant 0 : i32
      %dma_start3A_407 = tpu.memref_slice %arg4[%dma_start3A_406, %multiple_of3A_403] : memref<16x1000000xf32, #tpu.memory_space<hbm>> -> memref<16x128xf32, #tpu.memory_space<hbm>>
      %dma_start3A_408 = arith.constant 0 : i32
      %dma_start3A_409 = tpu.memref_slice %arg11[%dma_start3A_408, %multiple_of3A_389] : memref<16x2048xf32, #tpu.memory_space<vmem>> -> memref<16x128xf32, #tpu.memory_space<vmem>>
      %dma_start3A_410 = arith.constant 0 : i32
      %dma_start3A_411 = tpu.memref_slice %arg4[%dma_start3A_410, %multiple_of3A_403] : memref<16x1000000xf32, #tpu.memory_space<hbm>> -> memref<16x128xf32, #tpu.memory_space<hbm>>
      tpu.enqueue_dma source(%dma_start3A_411 : memref<16x128xf32, #tpu.memory_space<hbm>>) target(%dma_start3A_409 : memref<16x128xf32, #tpu.memory_space<vmem>>) target_semaphore(%arg16 : memref<!tpu.dma_semaphore, #tpu.memory_space<semaphore_mem>>)
      %multiple_of3A_412 = arith.constant 0 : i32
      %multiple_of3A_413 = tpu.assume_multiple %multiple_of3A_412, 128 : i32
      %dma_wait3A_414 = arith.constant 0 : i32
      %dma_wait3A_415 = tpu.memref_slice %arg10[%dma_wait3A_414, %multiple_of3A_413] : memref<16x2048xf32, #tpu.memory_space<vmem>> -> memref<16x128xf32, #tpu.memory_space<vmem>>
      %dma_wait3A_416 = arith.constant 0 : i32
      %dma_wait3A_417 = arith.constant 0 : i32
      %dma_wait3A_418 = tpu.memref_slice %arg4[%dma_wait3A_416, %dma_wait3A_417] : memref<16x1000000xf32, #tpu.memory_space<hbm>> -> memref<16x128xf32, #tpu.memory_space<hbm>>
      %dma_wait3A_419 = arith.constant 0 : i32
      %dma_wait3A_420 = tpu.memref_slice %arg10[%dma_wait3A_419, %multiple_of3A_413] : memref<16x2048xf32, #tpu.memory_space<vmem>> -> memref<16x128xf32, #tpu.memory_space<vmem>>
      %dma_wait3A_421 = arith.constant 0 : i32
      %dma_wait3A_422 = arith.constant 0 : i32
      %dma_wait3A_423 = tpu.memref_slice %arg4[%dma_wait3A_421, %dma_wait3A_422] : memref<16x1000000xf32, #tpu.memory_space<hbm>> -> memref<16x128xf32, #tpu.memory_space<hbm>>
      tpu.wait_dma2 semaphore(%arg16 : memref<!tpu.dma_semaphore, #tpu.memory_space<semaphore_mem>>) src(%dma_wait3A_423 : memref<16x128xf32, #tpu.memory_space<hbm>>) dst(%dma_wait3A_420 : memref<16x128xf32, #tpu.memory_space<vmem>>)
      %dma_wait3A_424 = arith.constant 0 : i32
      %dma_wait3A_425 = tpu.memref_slice %arg11[%dma_wait3A_424, %multiple_of3A_413] : memref<16x2048xf32, #tpu.memory_space<vmem>> -> memref<16x128xf32, #tpu.memory_space<vmem>>
      %dma_wait3A_426 = arith.constant 0 : i32
      %dma_wait3A_427 = arith.constant 0 : i32
      %dma_wait3A_428 = tpu.memref_slice %arg4[%dma_wait3A_426, %dma_wait3A_427] : memref<16x1000000xf32, #tpu.memory_space<hbm>> -> memref<16x128xf32, #tpu.memory_space<hbm>>
      %dma_wait3A_429 = arith.constant 0 : i32
      %dma_wait3A_430 = tpu.memref_slice %arg11[%dma_wait3A_429, %multiple_of3A_413] : memref<16x2048xf32, #tpu.memory_space<vmem>> -> memref<16x128xf32, #tpu.memory_space<vmem>>
      %dma_wait3A_431 = arith.constant 0 : i32
      %dma_wait3A_432 = arith.constant 0 : i32
      %dma_wait3A_433 = tpu.memref_slice %arg4[%dma_wait3A_431, %dma_wait3A_432] : memref<16x1000000xf32, #tpu.memory_space<hbm>> -> memref<16x128xf32, #tpu.memory_space<hbm>>
      tpu.wait_dma2 semaphore(%arg16 : memref<!tpu.dma_semaphore, #tpu.memory_space<semaphore_mem>>) src(%dma_wait3A_433 : memref<16x128xf32, #tpu.memory_space<hbm>>) dst(%dma_wait3A_430 : memref<16x128xf32, #tpu.memory_space<vmem>>)
      %multiple_of3A_434 = arith.constant 128 : i32
      %multiple_of3A_435 = tpu.assume_multiple %multiple_of3A_434, 128 : i32
      %dma_wait3A_436 = arith.constant 0 : i32
      %dma_wait3A_437 = tpu.memref_slice %arg10[%dma_wait3A_436, %multiple_of3A_435] : memref<16x2048xf32, #tpu.memory_space<vmem>> -> memref<16x128xf32, #tpu.memory_space<vmem>>
      %dma_wait3A_438 = arith.constant 0 : i32
      %dma_wait3A_439 = arith.constant 0 : i32
      %dma_wait3A_440 = tpu.memref_slice %arg4[%dma_wait3A_438, %dma_wait3A_439] : memref<16x1000000xf32, #tpu.memory_space<hbm>> -> memref<16x128xf32, #tpu.memory_space<hbm>>
      %dma_wait3A_441 = arith.constant 0 : i32
      %dma_wait3A_442 = tpu.memref_slice %arg10[%dma_wait3A_441, %multiple_of3A_435] : memref<16x2048xf32, #tpu.memory_space<vmem>> -> memref<16x128xf32, #tpu.memory_space<vmem>>
      %dma_wait3A_443 = arith.constant 0 : i32
      %dma_wait3A_444 = arith.constant 0 : i32
      %dma_wait3A_445 = tpu.memref_slice %arg4[%dma_wait3A_443, %dma_wait3A_444] : memref<16x1000000xf32, #tpu.memory_space<hbm>> -> memref<16x128xf32, #tpu.memory_space<hbm>>
      tpu.wait_dma2 semaphore(%arg16 : memref<!tpu.dma_semaphore, #tpu.memory_space<semaphore_mem>>) src(%dma_wait3A_445 : memref<16x128xf32, #tpu.memory_space<hbm>>) dst(%dma_wait3A_442 : memref<16x128xf32, #tpu.memory_space<vmem>>)
      %dma_wait3A_446 = arith.constant 0 : i32
      %dma_wait3A_447 = tpu.memref_slice %arg11[%dma_wait3A_446, %multiple_of3A_435] : memref<16x2048xf32, #tpu.memory_space<vmem>> -> memref<16x128xf32, #tpu.memory_space<vmem>>
      %dma_wait3A_448 = arith.constant 0 : i32
      %dma_wait3A_449 = arith.constant 0 : i32
      %dma_wait3A_450 = tpu.memref_slice %arg4[%dma_wait3A_448, %dma_wait3A_449] : memref<16x1000000xf32, #tpu.memory_space<hbm>> -> memref<16x128xf32, #tpu.memory_space<hbm>>
      %dma_wait3A_451 = arith.constant 0 : i32
      %dma_wait3A_452 = tpu.memref_slice %arg11[%dma_wait3A_451, %multiple_of3A_435] : memref<16x2048xf32, #tpu.memory_space<vmem>> -> memref<16x128xf32, #tpu.memory_space<vmem>>
      %dma_wait3A_453 = arith.constant 0 : i32
      %dma_wait3A_454 = arith.constant 0 : i32
      %dma_wait3A_455 = tpu.memref_slice %arg4[%dma_wait3A_453, %dma_wait3A_454] : memref<16x1000000xf32, #tpu.memory_space<hbm>> -> memref<16x128xf32, #tpu.memory_space<hbm>>
      tpu.wait_dma2 semaphore(%arg16 : memref<!tpu.dma_semaphore, #tpu.memory_space<semaphore_mem>>) src(%dma_wait3A_455 : memref<16x128xf32, #tpu.memory_space<hbm>>) dst(%dma_wait3A_452 : memref<16x128xf32, #tpu.memory_space<vmem>>)
      %multiple_of3A_456 = arith.constant 256 : i32
      %multiple_of3A_457 = tpu.assume_multiple %multiple_of3A_456, 128 : i32
      %dma_wait3A_458 = arith.constant 0 : i32
      %dma_wait3A_459 = tpu.memref_slice %arg10[%dma_wait3A_458, %multiple_of3A_457] : memref<16x2048xf32, #tpu.memory_space<vmem>> -> memref<16x128xf32, #tpu.memory_space<vmem>>
      %dma_wait3A_460 = arith.constant 0 : i32
      %dma_wait3A_461 = arith.constant 0 : i32
      %dma_wait3A_462 = tpu.memref_slice %arg4[%dma_wait3A_460, %dma_wait3A_461] : memref<16x1000000xf32, #tpu.memory_space<hbm>> -> memref<16x128xf32, #tpu.memory_space<hbm>>
      %dma_wait3A_463 = arith.constant 0 : i32
      %dma_wait3A_464 = tpu.memref_slice %arg10[%dma_wait3A_463, %multiple_of3A_457] : memref<16x2048xf32, #tpu.memory_space<vmem>> -> memref<16x128xf32, #tpu.memory_space<vmem>>
      %dma_wait3A_465 = arith.constant 0 : i32
      %dma_wait3A_466 = arith.constant 0 : i32
      %dma_wait3A_467 = tpu.memref_slice %arg4[%dma_wait3A_465, %dma_wait3A_466] : memref<16x1000000xf32, #tpu.memory_space<hbm>> -> memref<16x128xf32, #tpu.memory_space<hbm>>
      tpu.wait_dma2 semaphore(%arg16 : memref<!tpu.dma_semaphore, #tpu.memory_space<semaphore_mem>>) src(%dma_wait3A_467 : memref<16x128xf32, #tpu.memory_space<hbm>>) dst(%dma_wait3A_464 : memref<16x128xf32, #tpu.memory_space<vmem>>)
      %dma_wait3A_468 = arith.constant 0 : i32
      %dma_wait3A_469 = tpu.memref_slice %arg11[%dma_wait3A_468, %multiple_of3A_457] : memref<16x2048xf32, #tpu.memory_space<vmem>> -> memref<16x128xf32, #tpu.memory_space<vmem>>
      %dma_wait3A_470 = arith.constant 0 : i32
      %dma_wait3A_471 = arith.constant 0 : i32
      %dma_wait3A_472 = tpu.memref_slice %arg4[%dma_wait3A_470, %dma_wait3A_471] : memref<16x1000000xf32, #tpu.memory_space<hbm>> -> memref<16x128xf32, #tpu.memory_space<hbm>>
      %dma_wait3A_473 = arith.constant 0 : i32
      %dma_wait3A_474 = tpu.memref_slice %arg11[%dma_wait3A_473, %multiple_of3A_457] : memref<16x2048xf32, #tpu.memory_space<vmem>> -> memref<16x128xf32, #tpu.memory_space<vmem>>
      %dma_wait3A_475 = arith.constant 0 : i32
      %dma_wait3A_476 = arith.constant 0 : i32
      %dma_wait3A_477 = tpu.memref_slice %arg4[%dma_wait3A_475, %dma_wait3A_476] : memref<16x1000000xf32, #tpu.memory_space<hbm>> -> memref<16x128xf32, #tpu.memory_space<hbm>>
      tpu.wait_dma2 semaphore(%arg16 : memref<!tpu.dma_semaphore, #tpu.memory_space<semaphore_mem>>) src(%dma_wait3A_477 : memref<16x128xf32, #tpu.memory_space<hbm>>) dst(%dma_wait3A_474 : memref<16x128xf32, #tpu.memory_space<vmem>>)
      %multiple_of3A_478 = arith.constant 384 : i32
      %multiple_of3A_479 = tpu.assume_multiple %multiple_of3A_478, 128 : i32
      %dma_wait3A_480 = arith.constant 0 : i32
      %dma_wait3A_481 = tpu.memref_slice %arg10[%dma_wait3A_480, %multiple_of3A_479] : memref<16x2048xf32, #tpu.memory_space<vmem>> -> memref<16x128xf32, #tpu.memory_space<vmem>>
      %dma_wait3A_482 = arith.constant 0 : i32
      %dma_wait3A_483 = arith.constant 0 : i32
      %dma_wait3A_484 = tpu.memref_slice %arg4[%dma_wait3A_482, %dma_wait3A_483] : memref<16x1000000xf32, #tpu.memory_space<hbm>> -> memref<16x128xf32, #tpu.memory_space<hbm>>
      %dma_wait3A_485 = arith.constant 0 : i32
      %dma_wait3A_486 = tpu.memref_slice %arg10[%dma_wait3A_485, %multiple_of3A_479] : memref<16x2048xf32, #tpu.memory_space<vmem>> -> memref<16x128xf32, #tpu.memory_space<vmem>>
      %dma_wait3A_487 = arith.constant 0 : i32
      %dma_wait3A_488 = arith.constant 0 : i32
      %dma_wait3A_489 = tpu.memref_slice %arg4[%dma_wait3A_487, %dma_wait3A_488] : memref<16x1000000xf32, #tpu.memory_space<hbm>> -> memref<16x128xf32, #tpu.memory_space<hbm>>
      tpu.wait_dma2 semaphore(%arg16 : memref<!tpu.dma_semaphore, #tpu.memory_space<semaphore_mem>>) src(%dma_wait3A_489 : memref<16x128xf32, #tpu.memory_space<hbm>>) dst(%dma_wait3A_486 : memref<16x128xf32, #tpu.memory_space<vmem>>)
      %dma_wait3A_490 = arith.constant 0 : i32
      %dma_wait3A_491 = tpu.memref_slice %arg11[%dma_wait3A_490, %multiple_of3A_479] : memref<16x2048xf32, #tpu.memory_space<vmem>> -> memref<16x128xf32, #tpu.memory_space<vmem>>
      %dma_wait3A_492 = arith.constant 0 : i32
      %dma_wait3A_493 = arith.constant 0 : i32
      %dma_wait3A_494 = tpu.memref_slice %arg4[%dma_wait3A_492, %dma_wait3A_493] : memref<16x1000000xf32, #tpu.memory_space<hbm>> -> memref<16x128xf32, #tpu.memory_space<hbm>>
      %dma_wait3A_495 = arith.constant 0 : i32
      %dma_wait3A_496 = tpu.memref_slice %arg11[%dma_wait3A_495, %multiple_of3A_479] : memref<16x2048xf32, #tpu.memory_space<vmem>> -> memref<16x128xf32, #tpu.memory_space<vmem>>
      %dma_wait3A_497 = arith.constant 0 : i32
      %dma_wait3A_498 = arith.constant 0 : i32
      %dma_wait3A_499 = tpu.memref_slice %arg4[%dma_wait3A_497, %dma_wait3A_498] : memref<16x1000000xf32, #tpu.memory_space<hbm>> -> memref<16x128xf32, #tpu.memory_space<hbm>>
      tpu.wait_dma2 semaphore(%arg16 : memref<!tpu.dma_semaphore, #tpu.memory_space<semaphore_mem>>) src(%dma_wait3A_499 : memref<16x128xf32, #tpu.memory_space<hbm>>) dst(%dma_wait3A_496 : memref<16x128xf32, #tpu.memory_space<vmem>>)
      %multiple_of3A_500 = arith.constant 512 : i32
      %multiple_of3A_501 = tpu.assume_multiple %multiple_of3A_500, 128 : i32
      %dma_wait3A_502 = arith.constant 0 : i32
      %dma_wait3A_503 = tpu.memref_slice %arg10[%dma_wait3A_502, %multiple_of3A_501] : memref<16x2048xf32, #tpu.memory_space<vmem>> -> memref<16x128xf32, #tpu.memory_space<vmem>>
      %dma_wait3A_504 = arith.constant 0 : i32
      %dma_wait3A_505 = arith.constant 0 : i32
      %dma_wait3A_506 = tpu.memref_slice %arg4[%dma_wait3A_504, %dma_wait3A_505] : memref<16x1000000xf32, #tpu.memory_space<hbm>> -> memref<16x128xf32, #tpu.memory_space<hbm>>
      %dma_wait3A_507 = arith.constant 0 : i32
      %dma_wait3A_508 = tpu.memref_slice %arg10[%dma_wait3A_507, %multiple_of3A_501] : memref<16x2048xf32, #tpu.memory_space<vmem>> -> memref<16x128xf32, #tpu.memory_space<vmem>>
      %dma_wait3A_509 = arith.constant 0 : i32
      %dma_wait3A_510 = arith.constant 0 : i32
      %dma_wait3A_511 = tpu.memref_slice %arg4[%dma_wait3A_509, %dma_wait3A_510] : memref<16x1000000xf32, #tpu.memory_space<hbm>> -> memref<16x128xf32, #tpu.memory_space<hbm>>
      tpu.wait_dma2 semaphore(%arg16 : memref<!tpu.dma_semaphore, #tpu.memory_space<semaphore_mem>>) src(%dma_wait3A_511 : memref<16x128xf32, #tpu.memory_space<hbm>>) dst(%dma_wait3A_508 : memref<16x128xf32, #tpu.memory_space<vmem>>)
      %dma_wait3A_512 = arith.constant 0 : i32
      %dma_wait3A_513 = tpu.memref_slice %arg11[%dma_wait3A_512, %multiple_of3A_501] : memref<16x2048xf32, #tpu.memory_space<vmem>> -> memref<16x128xf32, #tpu.memory_space<vmem>>
      %dma_wait3A_514 = arith.constant 0 : i32
      %dma_wait3A_515 = arith.constant 0 : i32
      %dma_wait3A_516 = tpu.memref_slice %arg4[%dma_wait3A_514, %dma_wait3A_515] : memref<16x1000000xf32, #tpu.memory_space<hbm>> -> memref<16x128xf32, #tpu.memory_space<hbm>>
      %dma_wait3A_517 = arith.constant 0 : i32
      %dma_wait3A_518 = tpu.memref_slice %arg11[%dma_wait3A_517, %multiple_of3A_501] : memref<16x2048xf32, #tpu.memory_space<vmem>> -> memref<16x128xf32, #tpu.memory_space<vmem>>
      %dma_wait3A_519 = arith.constant 0 : i32
      %dma_wait3A_520 = arith.constant 0 : i32
      %dma_wait3A_521 = tpu.memref_slice %arg4[%dma_wait3A_519, %dma_wait3A_520] : memref<16x1000000xf32, #tpu.memory_space<hbm>> -> memref<16x128xf32, #tpu.memory_space<hbm>>
      tpu.wait_dma2 semaphore(%arg16 : memref<!tpu.dma_semaphore, #tpu.memory_space<semaphore_mem>>) src(%dma_wait3A_521 : memref<16x128xf32, #tpu.memory_space<hbm>>) dst(%dma_wait3A_518 : memref<16x128xf32, #tpu.memory_space<vmem>>)
      %multiple_of3A_522 = arith.constant 640 : i32
      %multiple_of3A_523 = tpu.assume_multiple %multiple_of3A_522, 128 : i32
      %dma_wait3A_524 = arith.constant 0 : i32
      %dma_wait3A_525 = tpu.memref_slice %arg10[%dma_wait3A_524, %multiple_of3A_523] : memref<16x2048xf32, #tpu.memory_space<vmem>> -> memref<16x128xf32, #tpu.memory_space<vmem>>
      %dma_wait3A_526 = arith.constant 0 : i32
      %dma_wait3A_527 = arith.constant 0 : i32
      %dma_wait3A_528 = tpu.memref_slice %arg4[%dma_wait3A_526, %dma_wait3A_527] : memref<16x1000000xf32, #tpu.memory_space<hbm>> -> memref<16x128xf32, #tpu.memory_space<hbm>>
      %dma_wait3A_529 = arith.constant 0 : i32
      %dma_wait3A_530 = tpu.memref_slice %arg10[%dma_wait3A_529, %multiple_of3A_523] : memref<16x2048xf32, #tpu.memory_space<vmem>> -> memref<16x128xf32, #tpu.memory_space<vmem>>
      %dma_wait3A_531 = arith.constant 0 : i32
      %dma_wait3A_532 = arith.constant 0 : i32
      %dma_wait3A_533 = tpu.memref_slice %arg4[%dma_wait3A_531, %dma_wait3A_532] : memref<16x1000000xf32, #tpu.memory_space<hbm>> -> memref<16x128xf32, #tpu.memory_space<hbm>>
      tpu.wait_dma2 semaphore(%arg16 : memref<!tpu.dma_semaphore, #tpu.memory_space<semaphore_mem>>) src(%dma_wait3A_533 : memref<16x128xf32, #tpu.memory_space<hbm>>) dst(%dma_wait3A_530 : memref<16x128xf32, #tpu.memory_space<vmem>>)
      %dma_wait3A_534 = arith.constant 0 : i32
      %dma_wait3A_535 = tpu.memref_slice %arg11[%dma_wait3A_534, %multiple_of3A_523] : memref<16x2048xf32, #tpu.memory_space<vmem>> -> memref<16x128xf32, #tpu.memory_space<vmem>>
      %dma_wait3A_536 = arith.constant 0 : i32
      %dma_wait3A_537 = arith.constant 0 : i32
      %dma_wait3A_538 = tpu.memref_slice %arg4[%dma_wait3A_536, %dma_wait3A_537] : memref<16x1000000xf32, #tpu.memory_space<hbm>> -> memref<16x128xf32, #tpu.memory_space<hbm>>
      %dma_wait3A_539 = arith.constant 0 : i32
      %dma_wait3A_540 = tpu.memref_slice %arg11[%dma_wait3A_539, %multiple_of3A_523] : memref<16x2048xf32, #tpu.memory_space<vmem>> -> memref<16x128xf32, #tpu.memory_space<vmem>>
      %dma_wait3A_541 = arith.constant 0 : i32
      %dma_wait3A_542 = arith.constant 0 : i32
      %dma_wait3A_543 = tpu.memref_slice %arg4[%dma_wait3A_541, %dma_wait3A_542] : memref<16x1000000xf32, #tpu.memory_space<hbm>> -> memref<16x128xf32, #tpu.memory_space<hbm>>
      tpu.wait_dma2 semaphore(%arg16 : memref<!tpu.dma_semaphore, #tpu.memory_space<semaphore_mem>>) src(%dma_wait3A_543 : memref<16x128xf32, #tpu.memory_space<hbm>>) dst(%dma_wait3A_540 : memref<16x128xf32, #tpu.memory_space<vmem>>)
      %multiple_of3A_544 = arith.constant 768 : i32
      %multiple_of3A_545 = tpu.assume_multiple %multiple_of3A_544, 128 : i32
      %dma_wait3A_546 = arith.constant 0 : i32
      %dma_wait3A_547 = tpu.memref_slice %arg10[%dma_wait3A_546, %multiple_of3A_545] : memref<16x2048xf32, #tpu.memory_space<vmem>> -> memref<16x128xf32, #tpu.memory_space<vmem>>
      %dma_wait3A_548 = arith.constant 0 : i32
      %dma_wait3A_549 = arith.constant 0 : i32
      %dma_wait3A_550 = tpu.memref_slice %arg4[%dma_wait3A_548, %dma_wait3A_549] : memref<16x1000000xf32, #tpu.memory_space<hbm>> -> memref<16x128xf32, #tpu.memory_space<hbm>>
      %dma_wait3A_551 = arith.constant 0 : i32
      %dma_wait3A_552 = tpu.memref_slice %arg10[%dma_wait3A_551, %multiple_of3A_545] : memref<16x2048xf32, #tpu.memory_space<vmem>> -> memref<16x128xf32, #tpu.memory_space<vmem>>
      %dma_wait3A_553 = arith.constant 0 : i32
      %dma_wait3A_554 = arith.constant 0 : i32
      %dma_wait3A_555 = tpu.memref_slice %arg4[%dma_wait3A_553, %dma_wait3A_554] : memref<16x1000000xf32, #tpu.memory_space<hbm>> -> memref<16x128xf32, #tpu.memory_space<hbm>>
      tpu.wait_dma2 semaphore(%arg16 : memref<!tpu.dma_semaphore, #tpu.memory_space<semaphore_mem>>) src(%dma_wait3A_555 : memref<16x128xf32, #tpu.memory_space<hbm>>) dst(%dma_wait3A_552 : memref<16x128xf32, #tpu.memory_space<vmem>>)
      %dma_wait3A_556 = arith.constant 0 : i32
      %dma_wait3A_557 = tpu.memref_slice %arg11[%dma_wait3A_556, %multiple_of3A_545] : memref<16x2048xf32, #tpu.memory_space<vmem>> -> memref<16x128xf32, #tpu.memory_space<vmem>>
      %dma_wait3A_558 = arith.constant 0 : i32
      %dma_wait3A_559 = arith.constant 0 : i32
      %dma_wait3A_560 = tpu.memref_slice %arg4[%dma_wait3A_558, %dma_wait3A_559] : memref<16x1000000xf32, #tpu.memory_space<hbm>> -> memref<16x128xf32, #tpu.memory_space<hbm>>
      %dma_wait3A_561 = arith.constant 0 : i32
      %dma_wait3A_562 = tpu.memref_slice %arg11[%dma_wait3A_561, %multiple_of3A_545] : memref<16x2048xf32, #tpu.memory_space<vmem>> -> memref<16x128xf32, #tpu.memory_space<vmem>>
      %dma_wait3A_563 = arith.constant 0 : i32
      %dma_wait3A_564 = arith.constant 0 : i32
      %dma_wait3A_565 = tpu.memref_slice %arg4[%dma_wait3A_563, %dma_wait3A_564] : memref<16x1000000xf32, #tpu.memory_space<hbm>> -> memref<16x128xf32, #tpu.memory_space<hbm>>
      tpu.wait_dma2 semaphore(%arg16 : memref<!tpu.dma_semaphore, #tpu.memory_space<semaphore_mem>>) src(%dma_wait3A_565 : memref<16x128xf32, #tpu.memory_space<hbm>>) dst(%dma_wait3A_562 : memref<16x128xf32, #tpu.memory_space<vmem>>)
      %multiple_of3A_566 = arith.constant 896 : i32
      %multiple_of3A_567 = tpu.assume_multiple %multiple_of3A_566, 128 : i32
      %dma_wait3A_568 = arith.constant 0 : i32
      %dma_wait3A_569 = tpu.memref_slice %arg10[%dma_wait3A_568, %multiple_of3A_567] : memref<16x2048xf32, #tpu.memory_space<vmem>> -> memref<16x128xf32, #tpu.memory_space<vmem>>
      %dma_wait3A_570 = arith.constant 0 : i32
      %dma_wait3A_571 = arith.constant 0 : i32
      %dma_wait3A_572 = tpu.memref_slice %arg4[%dma_wait3A_570, %dma_wait3A_571] : memref<16x1000000xf32, #tpu.memory_space<hbm>> -> memref<16x128xf32, #tpu.memory_space<hbm>>
      %dma_wait3A_573 = arith.constant 0 : i32
      %dma_wait3A_574 = tpu.memref_slice %arg10[%dma_wait3A_573, %multiple_of3A_567] : memref<16x2048xf32, #tpu.memory_space<vmem>> -> memref<16x128xf32, #tpu.memory_space<vmem>>
      %dma_wait3A_575 = arith.constant 0 : i32
      %dma_wait3A_576 = arith.constant 0 : i32
      %dma_wait3A_577 = tpu.memref_slice %arg4[%dma_wait3A_575, %dma_wait3A_576] : memref<16x1000000xf32, #tpu.memory_space<hbm>> -> memref<16x128xf32, #tpu.memory_space<hbm>>
      tpu.wait_dma2 semaphore(%arg16 : memref<!tpu.dma_semaphore, #tpu.memory_space<semaphore_mem>>) src(%dma_wait3A_577 : memref<16x128xf32, #tpu.memory_space<hbm>>) dst(%dma_wait3A_574 : memref<16x128xf32, #tpu.memory_space<vmem>>)
      %dma_wait3A_578 = arith.constant 0 : i32
      %dma_wait3A_579 = tpu.memref_slice %arg11[%dma_wait3A_578, %multiple_of3A_567] : memref<16x2048xf32, #tpu.memory_space<vmem>> -> memref<16x128xf32, #tpu.memory_space<vmem>>
      %dma_wait3A_580 = arith.constant 0 : i32
      %dma_wait3A_581 = arith.constant 0 : i32
      %dma_wait3A_582 = tpu.memref_slice %arg4[%dma_wait3A_580, %dma_wait3A_581] : memref<16x1000000xf32, #tpu.memory_space<hbm>> -> memref<16x128xf32, #tpu.memory_space<hbm>>
      %dma_wait3A_583 = arith.constant 0 : i32
      %dma_wait3A_584 = tpu.memref_slice %arg11[%dma_wait3A_583, %multiple_of3A_567] : memref<16x2048xf32, #tpu.memory_space<vmem>> -> memref<16x128xf32, #tpu.memory_space<vmem>>
      %dma_wait3A_585 = arith.constant 0 : i32
      %dma_wait3A_586 = arith.constant 0 : i32
      %dma_wait3A_587 = tpu.memref_slice %arg4[%dma_wait3A_585, %dma_wait3A_586] : memref<16x1000000xf32, #tpu.memory_space<hbm>> -> memref<16x128xf32, #tpu.memory_space<hbm>>
      tpu.wait_dma2 semaphore(%arg16 : memref<!tpu.dma_semaphore, #tpu.memory_space<semaphore_mem>>) src(%dma_wait3A_587 : memref<16x128xf32, #tpu.memory_space<hbm>>) dst(%dma_wait3A_584 : memref<16x128xf32, #tpu.memory_space<vmem>>)
      %multiple_of3A_588 = arith.constant 1024 : i32
      %multiple_of3A_589 = tpu.assume_multiple %multiple_of3A_588, 128 : i32
      %dma_wait3A_590 = arith.constant 0 : i32
      %dma_wait3A_591 = tpu.memref_slice %arg10[%dma_wait3A_590, %multiple_of3A_589] : memref<16x2048xf32, #tpu.memory_space<vmem>> -> memref<16x128xf32, #tpu.memory_space<vmem>>
      %dma_wait3A_592 = arith.constant 0 : i32
      %dma_wait3A_593 = arith.constant 0 : i32
      %dma_wait3A_594 = tpu.memref_slice %arg4[%dma_wait3A_592, %dma_wait3A_593] : memref<16x1000000xf32, #tpu.memory_space<hbm>> -> memref<16x128xf32, #tpu.memory_space<hbm>>
      %dma_wait3A_595 = arith.constant 0 : i32
      %dma_wait3A_596 = tpu.memref_slice %arg10[%dma_wait3A_595, %multiple_of3A_589] : memref<16x2048xf32, #tpu.memory_space<vmem>> -> memref<16x128xf32, #tpu.memory_space<vmem>>
      %dma_wait3A_597 = arith.constant 0 : i32
      %dma_wait3A_598 = arith.constant 0 : i32
      %dma_wait3A_599 = tpu.memref_slice %arg4[%dma_wait3A_597, %dma_wait3A_598] : memref<16x1000000xf32, #tpu.memory_space<hbm>> -> memref<16x128xf32, #tpu.memory_space<hbm>>
      tpu.wait_dma2 semaphore(%arg16 : memref<!tpu.dma_semaphore, #tpu.memory_space<semaphore_mem>>) src(%dma_wait3A_599 : memref<16x128xf32, #tpu.memory_space<hbm>>) dst(%dma_wait3A_596 : memref<16x128xf32, #tpu.memory_space<vmem>>)
      %dma_wait3A_600 = arith.constant 0 : i32
      %dma_wait3A_601 = tpu.memref_slice %arg11[%dma_wait3A_600, %multiple_of3A_589] : memref<16x2048xf32, #tpu.memory_space<vmem>> -> memref<16x128xf32, #tpu.memory_space<vmem>>
      %dma_wait3A_602 = arith.constant 0 : i32
      %dma_wait3A_603 = arith.constant 0 : i32
      %dma_wait3A_604 = tpu.memref_slice %arg4[%dma_wait3A_602, %dma_wait3A_603] : memref<16x1000000xf32, #tpu.memory_space<hbm>> -> memref<16x128xf32, #tpu.memory_space<hbm>>
      %dma_wait3A_605 = arith.constant 0 : i32
      %dma_wait3A_606 = tpu.memref_slice %arg11[%dma_wait3A_605, %multiple_of3A_589] : memref<16x2048xf32, #tpu.memory_space<vmem>> -> memref<16x128xf32, #tpu.memory_space<vmem>>
      %dma_wait3A_607 = arith.constant 0 : i32
      %dma_wait3A_608 = arith.constant 0 : i32
      %dma_wait3A_609 = tpu.memref_slice %arg4[%dma_wait3A_607, %dma_wait3A_608] : memref<16x1000000xf32, #tpu.memory_space<hbm>> -> memref<16x128xf32, #tpu.memory_space<hbm>>
      tpu.wait_dma2 semaphore(%arg16 : memref<!tpu.dma_semaphore, #tpu.memory_space<semaphore_mem>>) src(%dma_wait3A_609 : memref<16x128xf32, #tpu.memory_space<hbm>>) dst(%dma_wait3A_606 : memref<16x128xf32, #tpu.memory_space<vmem>>)
      %multiple_of3A_610 = arith.constant 1152 : i32
      %multiple_of3A_611 = tpu.assume_multiple %multiple_of3A_610, 128 : i32
      %dma_wait3A_612 = arith.constant 0 : i32
      %dma_wait3A_613 = tpu.memref_slice %arg10[%dma_wait3A_612, %multiple_of3A_611] : memref<16x2048xf32, #tpu.memory_space<vmem>> -> memref<16x128xf32, #tpu.memory_space<vmem>>
      %dma_wait3A_614 = arith.constant 0 : i32
      %dma_wait3A_615 = arith.constant 0 : i32
      %dma_wait3A_616 = tpu.memref_slice %arg4[%dma_wait3A_614, %dma_wait3A_615] : memref<16x1000000xf32, #tpu.memory_space<hbm>> -> memref<16x128xf32, #tpu.memory_space<hbm>>
      %dma_wait3A_617 = arith.constant 0 : i32
      %dma_wait3A_618 = tpu.memref_slice %arg10[%dma_wait3A_617, %multiple_of3A_611] : memref<16x2048xf32, #tpu.memory_space<vmem>> -> memref<16x128xf32, #tpu.memory_space<vmem>>
      %dma_wait3A_619 = arith.constant 0 : i32
      %dma_wait3A_620 = arith.constant 0 : i32
      %dma_wait3A_621 = tpu.memref_slice %arg4[%dma_wait3A_619, %dma_wait3A_620] : memref<16x1000000xf32, #tpu.memory_space<hbm>> -> memref<16x128xf32, #tpu.memory_space<hbm>>
      tpu.wait_dma2 semaphore(%arg16 : memref<!tpu.dma_semaphore, #tpu.memory_space<semaphore_mem>>) src(%dma_wait3A_621 : memref<16x128xf32, #tpu.memory_space<hbm>>) dst(%dma_wait3A_618 : memref<16x128xf32, #tpu.memory_space<vmem>>)
      %dma_wait3A_622 = arith.constant 0 : i32
      %dma_wait3A_623 = tpu.memref_slice %arg11[%dma_wait3A_622, %multiple_of3A_611] : memref<16x2048xf32, #tpu.memory_space<vmem>> -> memref<16x128xf32, #tpu.memory_space<vmem>>
      %dma_wait3A_624 = arith.constant 0 : i32
      %dma_wait3A_625 = arith.constant 0 : i32
      %dma_wait3A_626 = tpu.memref_slice %arg4[%dma_wait3A_624, %dma_wait3A_625] : memref<16x1000000xf32, #tpu.memory_space<hbm>> -> memref<16x128xf32, #tpu.memory_space<hbm>>
      %dma_wait3A_627 = arith.constant 0 : i32
      %dma_wait3A_628 = tpu.memref_slice %arg11[%dma_wait3A_627, %multiple_of3A_611] : memref<16x2048xf32, #tpu.memory_space<vmem>> -> memref<16x128xf32, #tpu.memory_space<vmem>>
      %dma_wait3A_629 = arith.constant 0 : i32
      %dma_wait3A_630 = arith.constant 0 : i32
      %dma_wait3A_631 = tpu.memref_slice %arg4[%dma_wait3A_629, %dma_wait3A_630] : memref<16x1000000xf32, #tpu.memory_space<hbm>> -> memref<16x128xf32, #tpu.memory_space<hbm>>
      tpu.wait_dma2 semaphore(%arg16 : memref<!tpu.dma_semaphore, #tpu.memory_space<semaphore_mem>>) src(%dma_wait3A_631 : memref<16x128xf32, #tpu.memory_space<hbm>>) dst(%dma_wait3A_628 : memref<16x128xf32, #tpu.memory_space<vmem>>)
      %multiple_of3A_632 = arith.constant 1280 : i32
      %multiple_of3A_633 = tpu.assume_multiple %multiple_of3A_632, 128 : i32
      %dma_wait3A_634 = arith.constant 0 : i32
      %dma_wait3A_635 = tpu.memref_slice %arg10[%dma_wait3A_634, %multiple_of3A_633] : memref<16x2048xf32, #tpu.memory_space<vmem>> -> memref<16x128xf32, #tpu.memory_space<vmem>>
      %dma_wait3A_636 = arith.constant 0 : i32
      %dma_wait3A_637 = arith.constant 0 : i32
      %dma_wait3A_638 = tpu.memref_slice %arg4[%dma_wait3A_636, %dma_wait3A_637] : memref<16x1000000xf32, #tpu.memory_space<hbm>> -> memref<16x128xf32, #tpu.memory_space<hbm>>
      %dma_wait3A_639 = arith.constant 0 : i32
      %dma_wait3A_640 = tpu.memref_slice %arg10[%dma_wait3A_639, %multiple_of3A_633] : memref<16x2048xf32, #tpu.memory_space<vmem>> -> memref<16x128xf32, #tpu.memory_space<vmem>>
      %dma_wait3A_641 = arith.constant 0 : i32
      %dma_wait3A_642 = arith.constant 0 : i32
      %dma_wait3A_643 = tpu.memref_slice %arg4[%dma_wait3A_641, %dma_wait3A_642] : memref<16x1000000xf32, #tpu.memory_space<hbm>> -> memref<16x128xf32, #tpu.memory_space<hbm>>
      tpu.wait_dma2 semaphore(%arg16 : memref<!tpu.dma_semaphore, #tpu.memory_space<semaphore_mem>>) src(%dma_wait3A_643 : memref<16x128xf32, #tpu.memory_space<hbm>>) dst(%dma_wait3A_640 : memref<16x128xf32, #tpu.memory_space<vmem>>)
      %dma_wait3A_644 = arith.constant 0 : i32
      %dma_wait3A_645 = tpu.memref_slice %arg11[%dma_wait3A_644, %multiple_of3A_633] : memref<16x2048xf32, #tpu.memory_space<vmem>> -> memref<16x128xf32, #tpu.memory_space<vmem>>
      %dma_wait3A_646 = arith.constant 0 : i32
      %dma_wait3A_647 = arith.constant 0 : i32
      %dma_wait3A_648 = tpu.memref_slice %arg4[%dma_wait3A_646, %dma_wait3A_647] : memref<16x1000000xf32, #tpu.memory_space<hbm>> -> memref<16x128xf32, #tpu.memory_space<hbm>>
      %dma_wait3A_649 = arith.constant 0 : i32
      %dma_wait3A_650 = tpu.memref_slice %arg11[%dma_wait3A_649, %multiple_of3A_633] : memref<16x2048xf32, #tpu.memory_space<vmem>> -> memref<16x128xf32, #tpu.memory_space<vmem>>
      %dma_wait3A_651 = arith.constant 0 : i32
      %dma_wait3A_652 = arith.constant 0 : i32
      %dma_wait3A_653 = tpu.memref_slice %arg4[%dma_wait3A_651, %dma_wait3A_652] : memref<16x1000000xf32, #tpu.memory_space<hbm>> -> memref<16x128xf32, #tpu.memory_space<hbm>>
      tpu.wait_dma2 semaphore(%arg16 : memref<!tpu.dma_semaphore, #tpu.memory_space<semaphore_mem>>) src(%dma_wait3A_653 : memref<16x128xf32, #tpu.memory_space<hbm>>) dst(%dma_wait3A_650 : memref<16x128xf32, #tpu.memory_space<vmem>>)
      %multiple_of3A_654 = arith.constant 1408 : i32
      %multiple_of3A_655 = tpu.assume_multiple %multiple_of3A_654, 128 : i32
      %dma_wait3A_656 = arith.constant 0 : i32
      %dma_wait3A_657 = tpu.memref_slice %arg10[%dma_wait3A_656, %multiple_of3A_655] : memref<16x2048xf32, #tpu.memory_space<vmem>> -> memref<16x128xf32, #tpu.memory_space<vmem>>
      %dma_wait3A_658 = arith.constant 0 : i32
      %dma_wait3A_659 = arith.constant 0 : i32
      %dma_wait3A_660 = tpu.memref_slice %arg4[%dma_wait3A_658, %dma_wait3A_659] : memref<16x1000000xf32, #tpu.memory_space<hbm>> -> memref<16x128xf32, #tpu.memory_space<hbm>>
      %dma_wait3A_661 = arith.constant 0 : i32
      %dma_wait3A_662 = tpu.memref_slice %arg10[%dma_wait3A_661, %multiple_of3A_655] : memref<16x2048xf32, #tpu.memory_space<vmem>> -> memref<16x128xf32, #tpu.memory_space<vmem>>
      %dma_wait3A_663 = arith.constant 0 : i32
      %dma_wait3A_664 = arith.constant 0 : i32
      %dma_wait3A_665 = tpu.memref_slice %arg4[%dma_wait3A_663, %dma_wait3A_664] : memref<16x1000000xf32, #tpu.memory_space<hbm>> -> memref<16x128xf32, #tpu.memory_space<hbm>>
      tpu.wait_dma2 semaphore(%arg16 : memref<!tpu.dma_semaphore, #tpu.memory_space<semaphore_mem>>) src(%dma_wait3A_665 : memref<16x128xf32, #tpu.memory_space<hbm>>) dst(%dma_wait3A_662 : memref<16x128xf32, #tpu.memory_space<vmem>>)
      %dma_wait3A_666 = arith.constant 0 : i32
      %dma_wait3A_667 = tpu.memref_slice %arg11[%dma_wait3A_666, %multiple_of3A_655] : memref<16x2048xf32, #tpu.memory_space<vmem>> -> memref<16x128xf32, #tpu.memory_space<vmem>>
      %dma_wait3A_668 = arith.constant 0 : i32
      %dma_wait3A_669 = arith.constant 0 : i32
      %dma_wait3A_670 = tpu.memref_slice %arg4[%dma_wait3A_668, %dma_wait3A_669] : memref<16x1000000xf32, #tpu.memory_space<hbm>> -> memref<16x128xf32, #tpu.memory_space<hbm>>
      %dma_wait3A_671 = arith.constant 0 : i32
      %dma_wait3A_672 = tpu.memref_slice %arg11[%dma_wait3A_671, %multiple_of3A_655] : memref<16x2048xf32, #tpu.memory_space<vmem>> -> memref<16x128xf32, #tpu.memory_space<vmem>>
      %dma_wait3A_673 = arith.constant 0 : i32
      %dma_wait3A_674 = arith.constant 0 : i32
      %dma_wait3A_675 = tpu.memref_slice %arg4[%dma_wait3A_673, %dma_wait3A_674] : memref<16x1000000xf32, #tpu.memory_space<hbm>> -> memref<16x128xf32, #tpu.memory_space<hbm>>
      tpu.wait_dma2 semaphore(%arg16 : memref<!tpu.dma_semaphore, #tpu.memory_space<semaphore_mem>>) src(%dma_wait3A_675 : memref<16x128xf32, #tpu.memory_space<hbm>>) dst(%dma_wait3A_672 : memref<16x128xf32, #tpu.memory_space<vmem>>)
      %multiple_of3A_676 = arith.constant 1536 : i32
      %multiple_of3A_677 = tpu.assume_multiple %multiple_of3A_676, 128 : i32
      %dma_wait3A_678 = arith.constant 0 : i32
      %dma_wait3A_679 = tpu.memref_slice %arg10[%dma_wait3A_678, %multiple_of3A_677] : memref<16x2048xf32, #tpu.memory_space<vmem>> -> memref<16x128xf32, #tpu.memory_space<vmem>>
      %dma_wait3A_680 = arith.constant 0 : i32
      %dma_wait3A_681 = arith.constant 0 : i32
      %dma_wait3A_682 = tpu.memref_slice %arg4[%dma_wait3A_680, %dma_wait3A_681] : memref<16x1000000xf32, #tpu.memory_space<hbm>> -> memref<16x128xf32, #tpu.memory_space<hbm>>
      %dma_wait3A_683 = arith.constant 0 : i32
      %dma_wait3A_684 = tpu.memref_slice %arg10[%dma_wait3A_683, %multiple_of3A_677] : memref<16x2048xf32, #tpu.memory_space<vmem>> -> memref<16x128xf32, #tpu.memory_space<vmem>>
      %dma_wait3A_685 = arith.constant 0 : i32
      %dma_wait3A_686 = arith.constant 0 : i32
      %dma_wait3A_687 = tpu.memref_slice %arg4[%dma_wait3A_685, %dma_wait3A_686] : memref<16x1000000xf32, #tpu.memory_space<hbm>> -> memref<16x128xf32, #tpu.memory_space<hbm>>
      tpu.wait_dma2 semaphore(%arg16 : memref<!tpu.dma_semaphore, #tpu.memory_space<semaphore_mem>>) src(%dma_wait3A_687 : memref<16x128xf32, #tpu.memory_space<hbm>>) dst(%dma_wait3A_684 : memref<16x128xf32, #tpu.memory_space<vmem>>)
      %dma_wait3A_688 = arith.constant 0 : i32
      %dma_wait3A_689 = tpu.memref_slice %arg11[%dma_wait3A_688, %multiple_of3A_677] : memref<16x2048xf32, #tpu.memory_space<vmem>> -> memref<16x128xf32, #tpu.memory_space<vmem>>
      %dma_wait3A_690 = arith.constant 0 : i32
      %dma_wait3A_691 = arith.constant 0 : i32
      %dma_wait3A_692 = tpu.memref_slice %arg4[%dma_wait3A_690, %dma_wait3A_691] : memref<16x1000000xf32, #tpu.memory_space<hbm>> -> memref<16x128xf32, #tpu.memory_space<hbm>>
      %dma_wait3A_693 = arith.constant 0 : i32
      %dma_wait3A_694 = tpu.memref_slice %arg11[%dma_wait3A_693, %multiple_of3A_677] : memref<16x2048xf32, #tpu.memory_space<vmem>> -> memref<16x128xf32, #tpu.memory_space<vmem>>
      %dma_wait3A_695 = arith.constant 0 : i32
      %dma_wait3A_696 = arith.constant 0 : i32
      %dma_wait3A_697 = tpu.memref_slice %arg4[%dma_wait3A_695, %dma_wait3A_696] : memref<16x1000000xf32, #tpu.memory_space<hbm>> -> memref<16x128xf32, #tpu.memory_space<hbm>>
      tpu.wait_dma2 semaphore(%arg16 : memref<!tpu.dma_semaphore, #tpu.memory_space<semaphore_mem>>) src(%dma_wait3A_697 : memref<16x128xf32, #tpu.memory_space<hbm>>) dst(%dma_wait3A_694 : memref<16x128xf32, #tpu.memory_space<vmem>>)
      %multiple_of3A_698 = arith.constant 1664 : i32
      %multiple_of3A_699 = tpu.assume_multiple %multiple_of3A_698, 128 : i32
      %dma_wait3A_700 = arith.constant 0 : i32
      %dma_wait3A_701 = tpu.memref_slice %arg10[%dma_wait3A_700, %multiple_of3A_699] : memref<16x2048xf32, #tpu.memory_space<vmem>> -> memref<16x128xf32, #tpu.memory_space<vmem>>
      %dma_wait3A_702 = arith.constant 0 : i32
      %dma_wait3A_703 = arith.constant 0 : i32
      %dma_wait3A_704 = tpu.memref_slice %arg4[%dma_wait3A_702, %dma_wait3A_703] : memref<16x1000000xf32, #tpu.memory_space<hbm>> -> memref<16x128xf32, #tpu.memory_space<hbm>>
      %dma_wait3A_705 = arith.constant 0 : i32
      %dma_wait3A_706 = tpu.memref_slice %arg10[%dma_wait3A_705, %multiple_of3A_699] : memref<16x2048xf32, #tpu.memory_space<vmem>> -> memref<16x128xf32, #tpu.memory_space<vmem>>
      %dma_wait3A_707 = arith.constant 0 : i32
      %dma_wait3A_708 = arith.constant 0 : i32
      %dma_wait3A_709 = tpu.memref_slice %arg4[%dma_wait3A_707, %dma_wait3A_708] : memref<16x1000000xf32, #tpu.memory_space<hbm>> -> memref<16x128xf32, #tpu.memory_space<hbm>>
      tpu.wait_dma2 semaphore(%arg16 : memref<!tpu.dma_semaphore, #tpu.memory_space<semaphore_mem>>) src(%dma_wait3A_709 : memref<16x128xf32, #tpu.memory_space<hbm>>) dst(%dma_wait3A_706 : memref<16x128xf32, #tpu.memory_space<vmem>>)
      %dma_wait3A_710 = arith.constant 0 : i32
      %dma_wait3A_711 = tpu.memref_slice %arg11[%dma_wait3A_710, %multiple_of3A_699] : memref<16x2048xf32, #tpu.memory_space<vmem>> -> memref<16x128xf32, #tpu.memory_space<vmem>>
      %dma_wait3A_712 = arith.constant 0 : i32
      %dma_wait3A_713 = arith.constant 0 : i32
      %dma_wait3A_714 = tpu.memref_slice %arg4[%dma_wait3A_712, %dma_wait3A_713] : memref<16x1000000xf32, #tpu.memory_space<hbm>> -> memref<16x128xf32, #tpu.memory_space<hbm>>
      %dma_wait3A_715 = arith.constant 0 : i32
      %dma_wait3A_716 = tpu.memref_slice %arg11[%dma_wait3A_715, %multiple_of3A_699] : memref<16x2048xf32, #tpu.memory_space<vmem>> -> memref<16x128xf32, #tpu.memory_space<vmem>>
      %dma_wait3A_717 = arith.constant 0 : i32
      %dma_wait3A_718 = arith.constant 0 : i32
      %dma_wait3A_719 = tpu.memref_slice %arg4[%dma_wait3A_717, %dma_wait3A_718] : memref<16x1000000xf32, #tpu.memory_space<hbm>> -> memref<16x128xf32, #tpu.memory_space<hbm>>
      tpu.wait_dma2 semaphore(%arg16 : memref<!tpu.dma_semaphore, #tpu.memory_space<semaphore_mem>>) src(%dma_wait3A_719 : memref<16x128xf32, #tpu.memory_space<hbm>>) dst(%dma_wait3A_716 : memref<16x128xf32, #tpu.memory_space<vmem>>)
      %multiple_of3A_720 = arith.constant 1792 : i32
      %multiple_of3A_721 = tpu.assume_multiple %multiple_of3A_720, 128 : i32
      %dma_wait3A_722 = arith.constant 0 : i32
      %dma_wait3A_723 = tpu.memref_slice %arg10[%dma_wait3A_722, %multiple_of3A_721] : memref<16x2048xf32, #tpu.memory_space<vmem>> -> memref<16x128xf32, #tpu.memory_space<vmem>>
      %dma_wait3A_724 = arith.constant 0 : i32
      %dma_wait3A_725 = arith.constant 0 : i32
      %dma_wait3A_726 = tpu.memref_slice %arg4[%dma_wait3A_724, %dma_wait3A_725] : memref<16x1000000xf32, #tpu.memory_space<hbm>> -> memref<16x128xf32, #tpu.memory_space<hbm>>
      %dma_wait3A_727 = arith.constant 0 : i32
      %dma_wait3A_728 = tpu.memref_slice %arg10[%dma_wait3A_727, %multiple_of3A_721] : memref<16x2048xf32, #tpu.memory_space<vmem>> -> memref<16x128xf32, #tpu.memory_space<vmem>>
      %dma_wait3A_729 = arith.constant 0 : i32
      %dma_wait3A_730 = arith.constant 0 : i32
      %dma_wait3A_731 = tpu.memref_slice %arg4[%dma_wait3A_729, %dma_wait3A_730] : memref<16x1000000xf32, #tpu.memory_space<hbm>> -> memref<16x128xf32, #tpu.memory_space<hbm>>
      tpu.wait_dma2 semaphore(%arg16 : memref<!tpu.dma_semaphore, #tpu.memory_space<semaphore_mem>>) src(%dma_wait3A_731 : memref<16x128xf32, #tpu.memory_space<hbm>>) dst(%dma_wait3A_728 : memref<16x128xf32, #tpu.memory_space<vmem>>)
      %dma_wait3A_732 = arith.constant 0 : i32
      %dma_wait3A_733 = tpu.memref_slice %arg11[%dma_wait3A_732, %multiple_of3A_721] : memref<16x2048xf32, #tpu.memory_space<vmem>> -> memref<16x128xf32, #tpu.memory_space<vmem>>
      %dma_wait3A_734 = arith.constant 0 : i32
      %dma_wait3A_735 = arith.constant 0 : i32
      %dma_wait3A_736 = tpu.memref_slice %arg4[%dma_wait3A_734, %dma_wait3A_735] : memref<16x1000000xf32, #tpu.memory_space<hbm>> -> memref<16x128xf32, #tpu.memory_space<hbm>>
      %dma_wait3A_737 = arith.constant 0 : i32
      %dma_wait3A_738 = tpu.memref_slice %arg11[%dma_wait3A_737, %multiple_of3A_721] : memref<16x2048xf32, #tpu.memory_space<vmem>> -> memref<16x128xf32, #tpu.memory_space<vmem>>
      %dma_wait3A_739 = arith.constant 0 : i32
      %dma_wait3A_740 = arith.constant 0 : i32
      %dma_wait3A_741 = tpu.memref_slice %arg4[%dma_wait3A_739, %dma_wait3A_740] : memref<16x1000000xf32, #tpu.memory_space<hbm>> -> memref<16x128xf32, #tpu.memory_space<hbm>>
      tpu.wait_dma2 semaphore(%arg16 : memref<!tpu.dma_semaphore, #tpu.memory_space<semaphore_mem>>) src(%dma_wait3A_741 : memref<16x128xf32, #tpu.memory_space<hbm>>) dst(%dma_wait3A_738 : memref<16x128xf32, #tpu.memory_space<vmem>>)
      %multiple_of3A_742 = arith.constant 1920 : i32
      %multiple_of3A_743 = tpu.assume_multiple %multiple_of3A_742, 128 : i32
      %dma_wait3A_744 = arith.constant 0 : i32
      %dma_wait3A_745 = tpu.memref_slice %arg10[%dma_wait3A_744, %multiple_of3A_743] : memref<16x2048xf32, #tpu.memory_space<vmem>> -> memref<16x128xf32, #tpu.memory_space<vmem>>
      %dma_wait3A_746 = arith.constant 0 : i32
      %dma_wait3A_747 = arith.constant 0 : i32
      %dma_wait3A_748 = tpu.memref_slice %arg4[%dma_wait3A_746, %dma_wait3A_747] : memref<16x1000000xf32, #tpu.memory_space<hbm>> -> memref<16x128xf32, #tpu.memory_space<hbm>>
      %dma_wait3A_749 = arith.constant 0 : i32
      %dma_wait3A_750 = tpu.memref_slice %arg10[%dma_wait3A_749, %multiple_of3A_743] : memref<16x2048xf32, #tpu.memory_space<vmem>> -> memref<16x128xf32, #tpu.memory_space<vmem>>
      %dma_wait3A_751 = arith.constant 0 : i32
      %dma_wait3A_752 = arith.constant 0 : i32
      %dma_wait3A_753 = tpu.memref_slice %arg4[%dma_wait3A_751, %dma_wait3A_752] : memref<16x1000000xf32, #tpu.memory_space<hbm>> -> memref<16x128xf32, #tpu.memory_space<hbm>>
      tpu.wait_dma2 semaphore(%arg16 : memref<!tpu.dma_semaphore, #tpu.memory_space<semaphore_mem>>) src(%dma_wait3A_753 : memref<16x128xf32, #tpu.memory_space<hbm>>) dst(%dma_wait3A_750 : memref<16x128xf32, #tpu.memory_space<vmem>>)
      %dma_wait3A_754 = arith.constant 0 : i32
      %dma_wait3A_755 = tpu.memref_slice %arg11[%dma_wait3A_754, %multiple_of3A_743] : memref<16x2048xf32, #tpu.memory_space<vmem>> -> memref<16x128xf32, #tpu.memory_space<vmem>>
      %dma_wait3A_756 = arith.constant 0 : i32
      %dma_wait3A_757 = arith.constant 0 : i32
      %dma_wait3A_758 = tpu.memref_slice %arg4[%dma_wait3A_756, %dma_wait3A_757] : memref<16x1000000xf32, #tpu.memory_space<hbm>> -> memref<16x128xf32, #tpu.memory_space<hbm>>
      %dma_wait3A_759 = arith.constant 0 : i32
      %dma_wait3A_760 = tpu.memref_slice %arg11[%dma_wait3A_759, %multiple_of3A_743] : memref<16x2048xf32, #tpu.memory_space<vmem>> -> memref<16x128xf32, #tpu.memory_space<vmem>>
      %dma_wait3A_761 = arith.constant 0 : i32
      %dma_wait3A_762 = arith.constant 0 : i32
      %dma_wait3A_763 = tpu.memref_slice %arg4[%dma_wait3A_761, %dma_wait3A_762] : memref<16x1000000xf32, #tpu.memory_space<hbm>> -> memref<16x128xf32, #tpu.memory_space<hbm>>
      tpu.wait_dma2 semaphore(%arg16 : memref<!tpu.dma_semaphore, #tpu.memory_space<semaphore_mem>>) src(%dma_wait3A_763 : memref<16x128xf32, #tpu.memory_space<hbm>>) dst(%dma_wait3A_760 : memref<16x128xf32, #tpu.memory_space<vmem>>)
      %mul3A_764 = arith.constant 128 : i32
      %mul3A_765 = vector.broadcast %mul3A_764 : i32 to vector<16xi32>
      %mul3A_766 = arith.muli %mul3A_765, %iota3A : vector<16xi32>
      %and3A = arith.constant 127 : i32
      %and3A_767 = vector.broadcast %and3A : i32 to vector<16xi32>
      %and3A_768 = arith.andi %get3A_17, %and3A_767 : vector<16xi32>
      %add3A_769 = arith.addi %mul3A_766, %and3A_768 : vector<16xi32>
      %mul3A_770 = arith.constant 128 : i32
      %mul3A_771 = vector.broadcast %mul3A_770 : i32 to vector<16xi32>
      %mul3A_772 = arith.muli %mul3A_771, %iota3A : vector<16xi32>
      %and3A_773 = arith.constant 127 : i32
      %and3A_774 = vector.broadcast %and3A_773 : i32 to vector<16xi32>
      %and3A_775 = arith.andi %get3A_19, %and3A_774 : vector<16xi32>
      %add3A_776 = arith.addi %mul3A_772, %and3A_775 : vector<16xi32>
      %broadcast_in_dim3A = arith.constant 0.000000e+00 : f32
      %broadcast_in_dim3A_777 = vector.broadcast %broadcast_in_dim3A : f32 to vector<16xf32>
      %broadcast_in_dim3A_778 = arith.constant 0 : i32
      %broadcast_in_dim3A_779 = vector.broadcast %broadcast_in_dim3A_778 : i32 to vector<16xi32>
      %gather3A = tpu.vector_load_idx %arg10[%broadcast_in_dim3A_779, %add3A_769] : memref<16x2048xf32, #tpu.memory_space<vmem>>[vector<16xi32>, vector<16xi32>], vector<16xf32>,
      %gather3A_780 = tpu.vector_load_idx %arg11[%broadcast_in_dim3A_779, %add3A_776] : memref<16x2048xf32, #tpu.memory_space<vmem>>[vector<16xi32>, vector<16xi32>], vector<16xf32>,
      %mul3A_781 = arith.mulf %gather3A, %gather3A_780 : vector<16xf32>
      %add3A_782 = arith.addf %broadcast_in_dim3A_777, %mul3A_781 : vector<16xf32>
      %broadcast_in_dim3A_783 = arith.constant 1 : i32
      %broadcast_in_dim3A_784 = vector.broadcast %broadcast_in_dim3A_783 : i32 to vector<16xi32>
      %gather3A_785 = tpu.vector_load_idx %arg10[%broadcast_in_dim3A_784, %add3A_769] : memref<16x2048xf32, #tpu.memory_space<vmem>>[vector<16xi32>, vector<16xi32>], vector<16xf32>,
      %gather3A_786 = tpu.vector_load_idx %arg11[%broadcast_in_dim3A_784, %add3A_776] : memref<16x2048xf32, #tpu.memory_space<vmem>>[vector<16xi32>, vector<16xi32>], vector<16xf32>,
      %mul3A_787 = arith.mulf %gather3A_785, %gather3A_786 : vector<16xf32>
      %add3A_788 = arith.addf %add3A_782, %mul3A_787 : vector<16xf32>
      %broadcast_in_dim3A_789 = arith.constant 2 : i32
      %broadcast_in_dim3A_790 = vector.broadcast %broadcast_in_dim3A_789 : i32 to vector<16xi32>
      %gather3A_791 = tpu.vector_load_idx %arg10[%broadcast_in_dim3A_790, %add3A_769] : memref<16x2048xf32, #tpu.memory_space<vmem>>[vector<16xi32>, vector<16xi32>], vector<16xf32>,
      %gather3A_792 = tpu.vector_load_idx %arg11[%broadcast_in_dim3A_790, %add3A_776] : memref<16x2048xf32, #tpu.memory_space<vmem>>[vector<16xi32>, vector<16xi32>], vector<16xf32>,
      %mul3A_793 = arith.mulf %gather3A_791, %gather3A_792 : vector<16xf32>
      %add3A_794 = arith.addf %add3A_788, %mul3A_793 : vector<16xf32>
      %broadcast_in_dim3A_795 = arith.constant 3 : i32
      %broadcast_in_dim3A_796 = vector.broadcast %broadcast_in_dim3A_795 : i32 to vector<16xi32>
      %gather3A_797 = tpu.vector_load_idx %arg10[%broadcast_in_dim3A_796, %add3A_769] : memref<16x2048xf32, #tpu.memory_space<vmem>>[vector<16xi32>, vector<16xi32>], vector<16xf32>,
      %gather3A_798 = tpu.vector_load_idx %arg11[%broadcast_in_dim3A_796, %add3A_776] : memref<16x2048xf32, #tpu.memory_space<vmem>>[vector<16xi32>, vector<16xi32>], vector<16xf32>,
      %mul3A_799 = arith.mulf %gather3A_797, %gather3A_798 : vector<16xf32>
      %add3A_800 = arith.addf %add3A_794, %mul3A_799 : vector<16xf32>
      %broadcast_in_dim3A_801 = arith.constant 4 : i32
      %broadcast_in_dim3A_802 = vector.broadcast %broadcast_in_dim3A_801 : i32 to vector<16xi32>
      %gather3A_803 = tpu.vector_load_idx %arg10[%broadcast_in_dim3A_802, %add3A_769] : memref<16x2048xf32, #tpu.memory_space<vmem>>[vector<16xi32>, vector<16xi32>], vector<16xf32>,
      %gather3A_804 = tpu.vector_load_idx %arg11[%broadcast_in_dim3A_802, %add3A_776] : memref<16x2048xf32, #tpu.memory_space<vmem>>[vector<16xi32>, vector<16xi32>], vector<16xf32>,
      %mul3A_805 = arith.mulf %gather3A_803, %gather3A_804 : vector<16xf32>
      %add3A_806 = arith.addf %add3A_800, %mul3A_805 : vector<16xf32>
      %broadcast_in_dim3A_807 = arith.constant 5 : i32
      %broadcast_in_dim3A_808 = vector.broadcast %broadcast_in_dim3A_807 : i32 to vector<16xi32>
      %gather3A_809 = tpu.vector_load_idx %arg10[%broadcast_in_dim3A_808, %add3A_769] : memref<16x2048xf32, #tpu.memory_space<vmem>>[vector<16xi32>, vector<16xi32>], vector<16xf32>,
      %gather3A_810 = tpu.vector_load_idx %arg11[%broadcast_in_dim3A_808, %add3A_776] : memref<16x2048xf32, #tpu.memory_space<vmem>>[vector<16xi32>, vector<16xi32>], vector<16xf32>,
      %mul3A_811 = arith.mulf %gather3A_809, %gather3A_810 : vector<16xf32>
      %add3A_812 = arith.addf %add3A_806, %mul3A_811 : vector<16xf32>
      %broadcast_in_dim3A_813 = arith.constant 6 : i32
      %broadcast_in_dim3A_814 = vector.broadcast %broadcast_in_dim3A_813 : i32 to vector<16xi32>
      %gather3A_815 = tpu.vector_load_idx %arg10[%broadcast_in_dim3A_814, %add3A_769] : memref<16x2048xf32, #tpu.memory_space<vmem>>[vector<16xi32>, vector<16xi32>], vector<16xf32>,
      %gather3A_816 = tpu.vector_load_idx %arg11[%broadcast_in_dim3A_814, %add3A_776] : memref<16x2048xf32, #tpu.memory_space<vmem>>[vector<16xi32>, vector<16xi32>], vector<16xf32>,
      %mul3A_817 = arith.mulf %gather3A_815, %gather3A_816 : vector<16xf32>
      %add3A_818 = arith.addf %add3A_812, %mul3A_817 : vector<16xf32>
      %broadcast_in_dim3A_819 = arith.constant 7 : i32
      %broadcast_in_dim3A_820 = vector.broadcast %broadcast_in_dim3A_819 : i32 to vector<16xi32>
      %gather3A_821 = tpu.vector_load_idx %arg10[%broadcast_in_dim3A_820, %add3A_769] : memref<16x2048xf32, #tpu.memory_space<vmem>>[vector<16xi32>, vector<16xi32>], vector<16xf32>,
      %gather3A_822 = tpu.vector_load_idx %arg11[%broadcast_in_dim3A_820, %add3A_776] : memref<16x2048xf32, #tpu.memory_space<vmem>>[vector<16xi32>, vector<16xi32>], vector<16xf32>,
      %mul3A_823 = arith.mulf %gather3A_821, %gather3A_822 : vector<16xf32>
      %add3A_824 = arith.addf %add3A_818, %mul3A_823 : vector<16xf32>
      %broadcast_in_dim3A_825 = arith.constant 8 : i32
      %broadcast_in_dim3A_826 = vector.broadcast %broadcast_in_dim3A_825 : i32 to vector<16xi32>
      %gather3A_827 = tpu.vector_load_idx %arg10[%broadcast_in_dim3A_826, %add3A_769] : memref<16x2048xf32, #tpu.memory_space<vmem>>[vector<16xi32>, vector<16xi32>], vector<16xf32>,
      %gather3A_828 = tpu.vector_load_idx %arg11[%broadcast_in_dim3A_826, %add3A_776] : memref<16x2048xf32, #tpu.memory_space<vmem>>[vector<16xi32>, vector<16xi32>], vector<16xf32>,
      %mul3A_829 = arith.mulf %gather3A_827, %gather3A_828 : vector<16xf32>
      %add3A_830 = arith.addf %add3A_824, %mul3A_829 : vector<16xf32>
      %broadcast_in_dim3A_831 = arith.constant 9 : i32
      %broadcast_in_dim3A_832 = vector.broadcast %broadcast_in_dim3A_831 : i32 to vector<16xi32>
      %gather3A_833 = tpu.vector_load_idx %arg10[%broadcast_in_dim3A_832, %add3A_769] : memref<16x2048xf32, #tpu.memory_space<vmem>>[vector<16xi32>, vector<16xi32>], vector<16xf32>,
      %gather3A_834 = tpu.vector_load_idx %arg11[%broadcast_in_dim3A_832, %add3A_776] : memref<16x2048xf32, #tpu.memory_space<vmem>>[vector<16xi32>, vector<16xi32>], vector<16xf32>,
      %mul3A_835 = arith.mulf %gather3A_833, %gather3A_834 : vector<16xf32>
      %add3A_836 = arith.addf %add3A_830, %mul3A_835 : vector<16xf32>
      %broadcast_in_dim3A_837 = arith.constant 10 : i32
      %broadcast_in_dim3A_838 = vector.broadcast %broadcast_in_dim3A_837 : i32 to vector<16xi32>
      %gather3A_839 = tpu.vector_load_idx %arg10[%broadcast_in_dim3A_838, %add3A_769] : memref<16x2048xf32, #tpu.memory_space<vmem>>[vector<16xi32>, vector<16xi32>], vector<16xf32>,
      %gather3A_840 = tpu.vector_load_idx %arg11[%broadcast_in_dim3A_838, %add3A_776] : memref<16x2048xf32, #tpu.memory_space<vmem>>[vector<16xi32>, vector<16xi32>], vector<16xf32>,
      %mul3A_841 = arith.mulf %gather3A_839, %gather3A_840 : vector<16xf32>
      %add3A_842 = arith.addf %add3A_836, %mul3A_841 : vector<16xf32>
      %broadcast_in_dim3A_843 = arith.constant 11 : i32
      %broadcast_in_dim3A_844 = vector.broadcast %broadcast_in_dim3A_843 : i32 to vector<16xi32>
      %gather3A_845 = tpu.vector_load_idx %arg10[%broadcast_in_dim3A_844, %add3A_769] : memref<16x2048xf32, #tpu.memory_space<vmem>>[vector<16xi32>, vector<16xi32>], vector<16xf32>,
      %gather3A_846 = tpu.vector_load_idx %arg11[%broadcast_in_dim3A_844, %add3A_776] : memref<16x2048xf32, #tpu.memory_space<vmem>>[vector<16xi32>, vector<16xi32>], vector<16xf32>,
      %mul3A_847 = arith.mulf %gather3A_845, %gather3A_846 : vector<16xf32>
      %add3A_848 = arith.addf %add3A_842, %mul3A_847 : vector<16xf32>
      %broadcast_in_dim3A_849 = arith.constant 12 : i32
      %broadcast_in_dim3A_850 = vector.broadcast %broadcast_in_dim3A_849 : i32 to vector<16xi32>
      %gather3A_851 = tpu.vector_load_idx %arg10[%broadcast_in_dim3A_850, %add3A_769] : memref<16x2048xf32, #tpu.memory_space<vmem>>[vector<16xi32>, vector<16xi32>], vector<16xf32>,
      %gather3A_852 = tpu.vector_load_idx %arg11[%broadcast_in_dim3A_850, %add3A_776] : memref<16x2048xf32, #tpu.memory_space<vmem>>[vector<16xi32>, vector<16xi32>], vector<16xf32>,
      %mul3A_853 = arith.mulf %gather3A_851, %gather3A_852 : vector<16xf32>
      %add3A_854 = arith.addf %add3A_848, %mul3A_853 : vector<16xf32>
      %broadcast_in_dim3A_855 = arith.constant 13 : i32
      %broadcast_in_dim3A_856 = vector.broadcast %broadcast_in_dim3A_855 : i32 to vector<16xi32>
      %gather3A_857 = tpu.vector_load_idx %arg10[%broadcast_in_dim3A_856, %add3A_769] : memref<16x2048xf32, #tpu.memory_space<vmem>>[vector<16xi32>, vector<16xi32>], vector<16xf32>,
      %gather3A_858 = tpu.vector_load_idx %arg11[%broadcast_in_dim3A_856, %add3A_776] : memref<16x2048xf32, #tpu.memory_space<vmem>>[vector<16xi32>, vector<16xi32>], vector<16xf32>,
      %mul3A_859 = arith.mulf %gather3A_857, %gather3A_858 : vector<16xf32>
      %add3A_860 = arith.addf %add3A_854, %mul3A_859 : vector<16xf32>
      %broadcast_in_dim3A_861 = arith.constant 14 : i32
      %broadcast_in_dim3A_862 = vector.broadcast %broadcast_in_dim3A_861 : i32 to vector<16xi32>
      %gather3A_863 = tpu.vector_load_idx %arg10[%broadcast_in_dim3A_862, %add3A_769] : memref<16x2048xf32, #tpu.memory_space<vmem>>[vector<16xi32>, vector<16xi32>], vector<16xf32>,
      %gather3A_864 = tpu.vector_load_idx %arg11[%broadcast_in_dim3A_862, %add3A_776] : memref<16x2048xf32, #tpu.memory_space<vmem>>[vector<16xi32>, vector<16xi32>], vector<16xf32>,
      %mul3A_865 = arith.mulf %gather3A_863, %gather3A_864 : vector<16xf32>
      %add3A_866 = arith.addf %add3A_860, %mul3A_865 : vector<16xf32>
      %broadcast_in_dim3A_867 = arith.constant 15 : i32
      %broadcast_in_dim3A_868 = vector.broadcast %broadcast_in_dim3A_867 : i32 to vector<16xi32>
      %gather3A_869 = tpu.vector_load_idx %arg10[%broadcast_in_dim3A_868, %add3A_769] : memref<16x2048xf32, #tpu.memory_space<vmem>>[vector<16xi32>, vector<16xi32>], vector<16xf32>,
      %gather3A_870 = tpu.vector_load_idx %arg11[%broadcast_in_dim3A_868, %add3A_776] : memref<16x2048xf32, #tpu.memory_space<vmem>>[vector<16xi32>, vector<16xi32>], vector<16xf32>,
      %mul3A_871 = arith.mulf %gather3A_869, %gather3A_870 : vector<16xf32>
      %add3A_872 = arith.addf %add3A_866, %mul3A_871 : vector<16xf32>
      %swap3A = arith.index_cast %multiple_of3A : i32 to index
      %swap3A_873 = tpu.vector_load %arg14[%swap3A] {strides = array<i32>} : memref<128xf32, #tpu.memory_space<vmem>>, vector<16xf32>,
      tpu.vector_store %arg14[%swap3A], %add3A_872 {strides = array<i32>} : memref<128xf32, #tpu.memory_space<vmem>>, vector<16xf32>,
      %get3A_874 = arith.index_cast %multiple_of3A : i32 to index
      %get3A_875 = tpu.vector_load %arg12[%get3A_874] {strides = array<i32>} : memref<128xf32, #tpu.memory_space<vmem>>, vector<16xf32>,
      %get3A_876 = arith.index_cast %multiple_of3A : i32 to index
      %get3A_877 = tpu.vector_load %arg13[%get3A_876] {strides = array<i32>} : memref<128xf32, #tpu.memory_space<vmem>>, vector<16xf32>,
      %add3A_878 = arith.addf %get3A_875, %get3A_877 : vector<16xf32>
      %swap3A_879 = arith.index_cast %multiple_of3A : i32 to index
      %swap3A_880 = tpu.vector_load %arg15[%swap3A_879] {strides = array<i32>} : memref<128xf32, #tpu.memory_space<vmem>>, vector<16xf32>,
      tpu.vector_store %arg15[%swap3A_879], %add3A_878 {strides = array<i32>} : memref<128xf32, #tpu.memory_space<vmem>>, vector<16xf32>,
    }
    %scan3A_10 = arith.constant 8 : i32
    %dma_wait3A = arith.constant 0 : i32
    %dma_wait3A_11 = tpu.memref_slice %arg5[%dma_wait3A] : memref<1000000xf32, #tpu.memory_space<hbm>> -> memref<1000000xf32, #tpu.memory_space<hbm>>
    tpu.wait_indirect_dma semaphore(%arg17 : memref<!tpu.dma_semaphore, #tpu.memory_space<semaphore_mem>>) src(%dma_wait3A_11 : memref<1000000xf32, #tpu.memory_space<hbm>>) dst(%arg12 : memref<128xf32, #tpu.memory_space<vmem>>)
    %dma_wait3A_12 = arith.constant 0 : i32
    %dma_wait3A_13 = tpu.memref_slice %arg5[%dma_wait3A_12] : memref<1000000xf32, #tpu.memory_space<hbm>> -> memref<1000000xf32, #tpu.memory_space<hbm>>
    tpu.wait_indirect_dma semaphore(%arg17 : memref<!tpu.dma_semaphore, #tpu.memory_space<semaphore_mem>>) src(%dma_wait3A_13 : memref<1000000xf32, #tpu.memory_space<hbm>>) dst(%arg13 : memref<128xf32, #tpu.memory_space<vmem>>)
    "tpu.region"() ({
      %run_scoped3A = tpu.sem_alloc : memref<!tpu.dma_semaphore, #tpu.memory_space<semaphore_mem>>
      %dma_start3A_14 = tpu.memref_slice %arg6[%mul3A_2] : memref<4096xf32, #tpu.memory_space<hbm>> -> memref<128xf32, #tpu.memory_space<hbm>>
      %dma_start3A_15 = tpu.memref_slice %arg6[%mul3A_2] : memref<4096xf32, #tpu.memory_space<hbm>> -> memref<128xf32, #tpu.memory_space<hbm>>
      tpu.enqueue_dma source(%arg14 : memref<128xf32, #tpu.memory_space<vmem>>) target(%dma_start3A_15 : memref<128xf32, #tpu.memory_space<hbm>>) target_semaphore(%run_scoped3A : memref<!tpu.dma_semaphore, #tpu.memory_space<semaphore_mem>>)
      %dma_wait3A_16 = tpu.memref_slice %arg6[%mul3A_2] : memref<4096xf32, #tpu.memory_space<hbm>> -> memref<128xf32, #tpu.memory_space<hbm>>
      %dma_wait3A_17 = tpu.memref_slice %arg6[%mul3A_2] : memref<4096xf32, #tpu.memory_space<hbm>> -> memref<128xf32, #tpu.memory_space<hbm>>
      tpu.wait_dma2 semaphore(%run_scoped3A : memref<!tpu.dma_semaphore, #tpu.memory_space<semaphore_mem>>) src(%arg14 : memref<128xf32, #tpu.memory_space<vmem>>) dst(%dma_wait3A_17 : memref<128xf32, #tpu.memory_space<hbm>>)
      tpu.yield
    }) : () -> ()
    "tpu.region"() ({
      %run_scoped3A = tpu.sem_alloc : memref<!tpu.dma_semaphore, #tpu.memory_space<semaphore_mem>>
      %dma_start3A_14 = tpu.memref_slice %arg7[%mul3A_2] : memref<4096xf32, #tpu.memory_space<hbm>> -> memref<128xf32, #tpu.memory_space<hbm>>
      %dma_start3A_15 = tpu.memref_slice %arg7[%mul3A_2] : memref<4096xf32, #tpu.memory_space<hbm>> -> memref<128xf32, #tpu.memory_space<hbm>>
      tpu.enqueue_dma source(%arg15 : memref<128xf32, #tpu.memory_space<vmem>>) target(%dma_start3A_15 : memref<128xf32, #tpu.memory_space<hbm>>) target_semaphore(%run_scoped3A : memref<!tpu.dma_semaphore, #tpu.memory_space<semaphore_mem>>)
      %dma_wait3A_16 = tpu.memref_slice %arg7[%mul3A_2] : memref<4096xf32, #tpu.memory_space<hbm>> -> memref<128xf32, #tpu.memory_space<hbm>>
      %dma_wait3A_17 = tpu.memref_slice %arg7[%mul3A_2] : memref<4096xf32, #tpu.memory_space<hbm>> -> memref<128xf32, #tpu.memory_space<hbm>>
      tpu.wait_dma2 semaphore(%run_scoped3A : memref<!tpu.dma_semaphore, #tpu.memory_space<semaphore_mem>>) src(%arg15 : memref<128xf32, #tpu.memory_space<vmem>>) dst(%dma_wait3A_17 : memref<128xf32, #tpu.memory_space<hbm>>)
      tpu.yield
    }) : () -> ()
    return
  }
}

module attributes {stable_mosaic.version = 14 : i64} {
  func.func @_bcast_body(%arg0: i32, %arg1: memref<256x1xf32, #tpu.memory_space<vmem>>, %arg2: memref<1x4096xf32, #tpu.memory_space<vmem>>, %arg3: memref<256x4096xf32, #tpu.memory_space<vmem>>) attributes {dimension_semantics = [#tpu.dimension_semantics<arbitrary>], iteration_bounds = array<i64: 16>, scalar_prefetch = 0 : i64, scratch_operands = 0 : i64, tpu.core_type = #tpu.core_type<tc>, window_params = [{transform_indices = @transform_0, window_bounds = array<i64: 256, 1>}, {pipeline_mode = #tpu.pipeline_mode<synchronous>, transform_indices = @transform_1, window_bounds = array<i64: 1, 4096>}, {transform_indices = @transform_2, window_bounds = array<i64: 256, 4096>}]} {
    %get3A = arith.constant 0 : index
    %get3A_0 = arith.constant 0 : index
    %get3A_1 = vector.load %arg1[%get3A, %get3A_0] : memref<256x1xf32, #tpu.memory_space<vmem>>, vector<256x1xf32>
    %get3A_2 = arith.constant 0 : index
    %get3A_3 = arith.constant 0 : index
    %get3A_4 = vector.load %arg2[%get3A_2, %get3A_3] : memref<1x4096xf32, #tpu.memory_space<vmem>>, vector<1x4096xf32>
    %add3A = vector.broadcast %get3A_1 : vector<256x1xf32> to vector<256x4096xf32>
    %add3A_5 = vector.broadcast %get3A_4 : vector<1x4096xf32> to vector<256x4096xf32>
    %add3A_6 = arith.addf %add3A, %add3A_5 : vector<256x4096xf32>
    %swap3A = arith.constant 0 : index
    %swap3A_7 = arith.constant 0 : index
    %swap3A_8 = vector.load %arg3[%swap3A, %swap3A_7] : memref<256x4096xf32, #tpu.memory_space<vmem>>, vector<256x4096xf32>
    tpu.vector_store %arg3[%swap3A, %swap3A_7], %add3A_6 {strides = array<i32>} : memref<256x4096xf32, #tpu.memory_space<vmem>>, vector<256x4096xf32>,
    return
  }
  func.func @transform_0(%arg0: i32) -> (i32, i32) {
    %c0_i32 = arith.constant 0 : i32
    %c0_i32_0 = arith.constant 0 : i32
    return %arg0, %c0_i32 : i32, i32
  }
  func.func @transform_1(%arg0: i32) -> (i32, i32) {
    %c0_i32 = arith.constant 0 : i32
    %c0_i32_0 = arith.constant 0 : i32
    %c0_i32_1 = arith.constant 0 : i32
    return %c0_i32, %c0_i32_0 : i32, i32
  }
  func.func @transform_2(%arg0: i32) -> (i32, i32) {
    %c0_i32 = arith.constant 0 : i32
    %c0_i32_0 = arith.constant 0 : i32
    return %arg0, %c0_i32 : i32, i32
  }
}

</mosaic_0001>

<sc_bundles>
// kernel: kernel.4.cloned.1.call-start
scs
__scs_entry_jumppad:
0x0: {  	(pc) =	sbr.rel $0x88, $3  }
0x1: {  	(tag) =	ssettag $0x0;
	lr =	simm.s32 $0x1  }
0x2: {  	[smem:$0x3F9D] =	sst lr;
	_ =	strace $0xD0000000  }
0x3: {  	_ = 	snop  }
0x4: {  	_ = 	snop  }
0x5: {  	_ = 	snop  }
0x6: {  	_ = 	snop  }
0x7: {  	_ = 	snop  }
__scs_overlays_trampoline_lowered:
0x8: {  	[smem:$0x3FAC] =	sst s0  }
0x9: {  	[smem:$0x3FAD] =	sst s1  }
0xa: {  	[smem:$0x3FAE] =	sst s2  }
0xb: {  	[smem:$0x3FAF] =	sst s3  }
0xc: {  	[smem:$0x3FB0] =	sst s4  }
0xd: {  	[smem:$0x3FB1] =	sst s5  }
0xe: {  	[smem:$0x3FB2] =	sst s6  }
0xf: {  	[smem:$0x3FB3] =	sst s7  }
0x10: {  	[smem:$0x3FB4] =	sst s8  }
0x11: {  	[smem:$0x3FB5] =	sst s9;
	s0 =	simm.s32 @!p0 $0x0  }
0x12: {  	s1 =	sld [smem:$0x3F9B];
	s0 =	simm.s32 @p0 $0x1  }
0x13: {  	[smem:$0x3FB6] =	sst s0;
	s0 =	simm.s32 @!p1 $0x0  }
0x14: {  	s2 =	sld [smem:$0x3F9A];
	s0 =	simm.s32 @p1 $0x1  }
0x15: {  	[smem:$0x3FB7] =	sst s0;
	s0 =	simm.s32 @!p2 $0x0  }
0x16: {  	s3 =	sld [smem:$0x3FDB];
	s0 =	simm.s32 @p2 $0x1  }
0x17: {  	s4 =	simm.s32 $0x1BF5;
	[smem:$0x3FB9] =	sst s0  }
0x18: {  	s0 =	sld [smem:$0x3F9C];
	_ =	swait.ge [sflag:s4], $0x0  }
0x19: {  	s7 =	sld [smem:$0x3F9D]  }
0x1a: {  	s8 =	sadd.s32 $0xFFFFE003, lr  }
0x1b: {  	s9 =	sadd.s32 $0xFFFFFEF7, lr;
	s5 =	simm.s32 $0xFFFFFFFF;
	p2 =	slt.u32 s8, $0xFFFFF086  }
0x1c: {  	p1 =	slt.u32 s9, $0xF7A;
	s5 =	simm.s32 @!p2 $0x0  }
0x1d: {  	s5 =	simm.s32 @p1 $0x1;
	p0 =	seq.s32 s7, s2  }
0x1e: {  	s7 =	smul.u32 @!p0 $0xF7A, s2;
	p2 =	seq.s32 @!p0 s5, $0x0  }
0x1f: {  	s9 =	smul.u32 $0xF7A, s1;
	s8 =	simm.s32 @!p0 $0x1BF5;
	p2 =	por !p2, p0  }
0x20: {  	[sflag:s8] =	ssyncset.s32 @!p0 $0xFFFFF086;
	s6 =	sadd.s32 @!p0 s3, s7;
	s7 =	simm.s32 @!p0 $0x108  }
0x21: {  	s3 =	sadd.s32 s3, s9;
	s6 =	sadd.s32 @!p0 $0x88, s6;
	s7 =	simm.s32 @p2 $0x1082  }
0x22: {  	[simem:s7], [sflag:s8] =	dma.local @!p0 [hbm:s6], $0xF7A  }
0x23: {  	s9 =	sor.u32 $0xD0000000, s2;
	s6 =	simm.s32 $0x108;
	_ =	swait.ge @!p0 [sflag:s8], $0x0  }
0x24: {  	s3 =	sadd.s32 $0x88, s3;
	s6 =	simm.s32 @!p1 $0x1082;
	[sflag:s4] =	ssyncset.s32 $0xFFFFF086  }
0x25: {  	[simem:s6], [sflag:s4] =	dma.local [hbm:s3], $0xF7A  }
0x26: {  	[smem:$0x3F9D] =	sst s1;
	(tag) =	ssettag s2;
	_ =	strace s9  }
0x27: {  	s1 =	sld [smem:$0x3FAD]  }
0x28: {  	s2 =	sld [smem:$0x3FAE]  }
0x29: {  	s4 =	sld [smem:$0x3FB0]  }
0x2a: {  	p0 =	seq.s32 s5, $0x0;
	s5 =	sld [smem:$0x3FB1]  }
0x2b: {  	s6 =	sld [smem:$0x3FB2]  }
0x2c: {  	s7 =	sld [smem:$0x3FB3]  }
0x2d: {  	s3 =	simm.s32 $0x108;
	s8 =	sld [smem:$0x3FB4]  }
0x2e: {  	s3 =	simm.s32 @!p0 $0x1082;
	s9 =	sld [smem:$0x3FB5]  }
0x2f: {  	lr =	sadd.s32 s0, s3;
	s0 =	sld [smem:$0x3FAC]  }
0x30: {  	s3 =	sld [smem:$0x3FAF]  }
0x31: {  	[smem:$0x3FB8] =	sst s10  }
0x32: {  	s10 =	sld [smem:$0x3FB6];
	_ =	sdelay $0x3  }
0x33: {  	p0 =	seq.s32 s10, $0x1;
	s10 =	sld [smem:$0x3FB8];
	_ =	sdelay $0x3  }
0x34: {  	[smem:$0x3FB8] =	sst s10  }
0x35: {  	s10 =	sld [smem:$0x3FB7];
	_ =	sdelay $0x3  }
0x36: {  	p1 =	seq.s32 s10, $0x1;
	s10 =	sld [smem:$0x3FB8];
	_ =	sdelay $0x3  }
0x37: {  	[smem:$0x3FB8] =	sst s10  }
0x38: {  	s10 =	sld [smem:$0x3FB9]  }
0x39: {  	_ = 	snop;
	(pc) =	sbr.ind lr, $3  }
0x3a: {  	_ = 	snop  }
0x3b: {  	_ = 	snop  }
0x3c: {  	p2 =	seq.s32 s10, $0x1;
	s10 =	sld [smem:$0x3FB8]  }
0x3d: {  	_ =	shalt  }
0x3e: {  	_ =	shalt  }
0x3f: {  	_ =	shalt  }
0x40: {  	_ =	shalt  }
0x41: {  	_ =	shalt  }
0x42: {  	_ =	shalt  }
0x43: {  	_ =	shalt  }
0x44: {  	_ =	shalt  }
0x45: {  	_ =	shalt  }
0x46: {  	_ =	shalt  }
0x47: {  	_ =	shalt  }
0x48: {  	_ =	shalt  }
0x49: {  	_ =	shalt  }
0x4a: {  	_ =	shalt  }
0x4b: {  	_ =	shalt  }
0x4c: {  	_ =	shalt  }
0x4d: {  	_ =	shalt  }
0x4e: {  	_ =	shalt  }
0x4f: {  	_ =	shalt  }
0x50: {  	_ =	shalt  }
0x51: {  	_ =	shalt  }
0x52: {  	_ =	shalt  }
0x53: {  	_ =	shalt  }
0x54: {  	_ =	shalt  }
0x55: {  	_ =	shalt  }
0x56: {  	_ =	shalt  }
0x57: {  	_ =	shalt  }
0x58: {  	_ =	shalt  }
0x59: {  	_ =	shalt  }
0x5a: {  	_ =	shalt  }
0x5b: {  	_ =	shalt  }
0x5c: {  	_ =	shalt  }
0x5d: {  	_ =	shalt  }
0x5e: {  	_ =	shalt  }
0x5f: {  	_ =	shalt  }
0x60: {  	_ =	shalt  }
0x61: {  	_ =	shalt  }
0x62: {  	_ =	shalt  }
0x63: {  	_ =	shalt  }
0x64: {  	_ =	shalt  }
0x65: {  	_ =	shalt  }
0x66: {  	_ =	shalt  }
0x67: {  	_ =	shalt  }
0x68: {  	_ =	shalt  }
0x69: {  	_ =	shalt  }
0x6a: {  	_ =	shalt  }
0x6b: {  	_ =	shalt  }
0x6c: {  	_ =	shalt  }
0x6d: {  	_ =	shalt  }
0x6e: {  	_ =	shalt  }
0x6f: {  	_ =	shalt  }
0x70: {  	_ =	shalt  }
0x71: {  	_ =	shalt  }
0x72: {  	_ =	shalt  }
0x73: {  	_ =	shalt  }
0x74: {  	_ =	shalt  }
0x75: {  	_ =	shalt  }
0x76: {  	_ =	shalt  }
0x77: {  	_ =	shalt  }
0x78: {  	_ =	shalt  }
0x79: {  	_ =	shalt  }
0x7a: {  	_ =	shalt  }
0x7b: {  	_ =	shalt  }
0x7c: {  	_ =	shalt  }
0x7d: {  	_ =	shalt  }
0x7e: {  	_ =	shalt  }
0x7f: {  	_ =	shalt  }
0x80: {  	_ =	shalt  }
0x81: {  	_ =	shalt  }
0x82: {  	_ =	shalt  }
0x83: {  	_ =	shalt  }
0x84: {  	_ =	shalt  }
0x85: {  	_ =	shalt  }
0x86: {  	_ =	shalt  }
0x87: {  	_ =	shalt  }
.Lfunc_end0:
.L_simem_size_0:
called_computation_lowered:
.L_overlay_start_0:
0x88: {  	s2 =	sld [smem:$0x3FD9]  }
0x89: {  	s3 =	sld [smem:$0x3FFE];
	_ =	sdelay $0x1  }
0x8a: {  	s1 =	srdreg.scid  }
0x8b: {  	s0 =	sand.u32 $0x1, s1  }
0x8c: {  	s17 =	sshll.u32 s0, $0xA;
	s2 =	sadd.s32 s3, s2  }
0x8d: {  	s2 =	sadd.s32 s2, s17  }
0x8e: {  	[smem:$0x3FC4] =	sst s2  }
0x8f: {  	_ = 	snop  }
0x90: {  	s2 =	sld [smem:$0x3FC9]  }
0x91: {  	s18 =	sld [smem:$0x3FC8]  }
0x92: {  	s4 =	sld [smem:$0x3FC7]  }
0x93: {  	s5 =	sld [smem:$0x3FD0];
	(tm) =	ssettm $0x1  }
0x94: {  	s6 =	sld [smem:$0x3FFB];
	_ =	sdelay $0x3  }
0x95: {  	_ =	strace s6  }
0x96: {  	s6 =	sld [smem:$0x3FFC];
	_ =	sdelay $0x3  }
0x97: {  	_ =	strace s6  }
0x98: {  	s6 =	sld [smem:$0x3FFD];
	_ =	sdelay $0x3  }
0x99: {  	_ =	strace s6  }
0x9a: {  	_ =	strace $0x8FFFFFFF  }
0x9b: {  	s19 =	sld [smem:$0x3FDB];
	_ =	sdelay $0x1  }
0x9c: {  	s7 =	simm.s32 $_scs_section_size  }
0x9d: {  	s8 =	simm.s32 $_size__tile_overlayer_lowered;
	s9 =	simm.s32 $_tile_overlayer_lowered  }
0x9e: {  	s22 =	simm.s32 $0x1BFF;
	s21 =	sshll.u32 s9, $0x1;
	s6 =	sadd.s32 s7, s19  }
0x9f: {  	s10 =	simm.s32 $0x0;
	s20 =	sshll.u32 s8, $0x1;
	s8 =	sadd.s32 s21, s6  }
0xa0: {  	[timem:s10], [sflag:s22] =	dma.local [hbm:s8], s20  }
0xa1: {  	_ =	swait.ge [sflag:s22], s20  }
0xa2: {  	s7 =	ssub.s32 $0x0, s20;
	[sflag:s22] =	ssyncset.done $0x0  }
0xa3: {  	[sflag:s22] =	ssyncadd.s32 s7;
	_ =	sdelay $0x1  }
0xa4: {  	s23 =	simm.s32 $0x1B8B  }
0xa5: {  	_ =	swait.ge [sflag:s23], $0x1  }
0xa6: {  	[sflag:s23] =	ssyncset.done $0x0  }
0xa7: {  	s25 =	simm.s32 $0x1B8E;
	s24 =	sld [smem:$0x3FFE];
	[sflag:s23] =	ssyncadd.s32 $0xFFFFFFFF  }
0xa8: {  	s26 =	simm.s32 $execute0_lowered;
	[smem:$0x3FD2] =	sst s25  }
0xa9: {  	s8 =	sshll.u32 s26, $0x1;
	_ =	strace $0x80000046;
	[dreg:$0x1] =	wrdreg $0xFFFFFFFF  }
0xaa: {  	s28 =	simm.s32 $_size_execute0_lowered;
	s6 =	sadd.s32 s6, s8;
	[dreg:$0x0] =	wrdreg $0x0  }
0xab: {  	s8 =	sshll.u32 s28, $0x1;
	[dreg:$0x2] =	wrdreg s6  }
0xac: {  	[dreg:$0x3] =	wrdreg s8  }
0xad: {  	[dreg:$0x4] =	wrdreg $0xC0  }
0xae: {  	_ =	task [dreg:s10], $0x5FFFF  }
0xaf: {  	[dreg:$0x1] =	wrdreg $0xFFFFFFFF  }
0xb0: {  	[dreg:$0x0] =	wrdreg $0x60  }
0xb1: {  	[dreg:$0x2] =	wrdreg s2  }
0xb2: {  	[dreg:$0x3] =	wrdreg s18  }
0xb3: {  	[dreg:$0x4] =	wrdreg s4  }
0xb4: {  	[dreg:$0x5] =	wrdreg s5  }
0xb5: {  	[dreg:$0x6] =	wrdreg s24  }
0xb6: {  	[dreg:$0x7] =	wrdreg $0x9  }
0xb7: {  	_ =	task.clear_ibuf [dreg:s10], $0x8FFFF;
	_ =	strace $0x90000046  }
0xb8: {  	s29 =	simm.s32 $0x9;
	_ =	strace $0x80000048  }
0xb9: {  	_ =	swait.ge [sflag:s29], $0x1  }
0xba: {  	[sflag:s29] =	ssyncadd.s32 $0xFFFFFFFF  }
0xbb: {  	_ =	strace $0x90000048  }
0xbc: {  	_ =	sfence  }
0xbd: {  	s30 =	sld [smem:$0x0];
	_ =	sdelay $0x2  }
0xbe: {  	s31 =	sshll.u32 s1, $0xD;
	s1 =	sshrl.u32 s1, $0x2  }
0xbf: {  	s3 =	sand.u32 $0x4000, s31;
	s1 =	sadd.s32 s1, s30  }
0xc0: {  	s0 =	sor.u32 s3, s0;
	s1 =	sshll.u32 s1, $0x11  }
0xc1: {  	s0 =	sor.u32 s1, s0  }
0xc2: {  	s0 =	sadd.s32 $0x8F2B, s0  }
0xc3: {  	[sflag:s0] =	ssyncadd.remote.s32 $0x1  }
0xc4: {  	_ =	sfence.sel $0xFFFF  }
0xc5: {  	[dreg:$0x0] =	wrdreg $0xFFFFFFFF;
	(pc) =	sbr.abs _section_cstart, $3  }
0xc6: {  	[dreg:$0x1] =	wrdreg $0xFFFFFFFF  }
0xc7: {  	_ =	task.clear_ibuf [dreg:s10], $0x2FFFF;
	_ =	strace $0x9FFFFFFF  }
0xc8: {  	(tm) =	ssettm $0x7FFFFFFF  }
0xc9: {  	_ =	shalt  }
tec
execute0_lowered:
.L_overlay_start_1:
0x0: {  	(tag) =	ssettag $0x1  }
0x1: {  	s5 =	rddreg [dreg:$0x0]  }
0x2: {  	s6 =	rddreg [dreg:$0x1]  }
0x3: {  	s1 =	rddreg [dreg:$0x2]  }
0x4: {  	s2 =	rddreg [dreg:$0x3]  }
0x5: {  	s7 =	rddreg [dreg:$0x4]  }
0x6: {  	s0 =	rddreg [dreg:$0x5];
	s3 =	simm.s32 $0x0  }
0x7: {  	s4 =	simm.s32 $0x4100;
	[smem:$0x7FF] =	sst s3  }
0x8: {  	s21 =	simm.s32 $0xC100;
	_ =	strace $0x80000047;
	[dreg:$0x6] =	wrdreg s4  }
0x9: {  	s22 =	simm.s32 $0x500;
	[dreg:$0x7] =	wrdreg s21  }
0xa: {  	s23 =	simm.s32 $0x4500;
	[dreg:$0x8] =	wrdreg s22  }
0xb: {  	s24 =	simm.s32 $0x8500;
	[dreg:$0x9] =	wrdreg s23  }
0xc: {  	s25 =	simm.s32 $0xC500;
	[dreg:$0xa] =	wrdreg s24  }
0xd: {  	s26 =	simm.s32 $0x900;
	[dreg:$0xb] =	wrdreg s25  }
0xe: {  	s28 =	simm.s32 $0x4900;
	[dreg:$0xc] =	wrdreg s26  }
0xf: {  	s29 =	simm.s32 $0x8900;
	[dreg:$0xd] =	wrdreg s28  }
0x10: {  	s30 =	simm.s32 $0xC900;
	[dreg:$0xe] =	wrdreg s29  }
0x11: {  	s31 =	simm.s32 $0xD00;
	[dreg:$0xf] =	wrdreg s30  }
0x12: {  	s8 =	simm.s32 $0x4D00;
	[dreg:$0x10] =	wrdreg s31  }
0x13: {  	s9 =	simm.s32 $0x8D00;
	[dreg:$0x11] =	wrdreg s8  }
0x14: {  	s10 =	simm.s32 $0xCD00;
	[dreg:$0x12] =	wrdreg s9  }
0x15: {  	s11 =	simm.s32 $0x1100;
	[dreg:$0x13] =	wrdreg s10  }
0x16: {  	s12 =	simm.s32 $0x5100;
	[dreg:$0x14] =	wrdreg s11  }
0x17: {  	s13 =	simm.s32 $0x9100;
	[dreg:$0x15] =	wrdreg s12  }
0x18: {  	s14 =	simm.s32 $0xD100;
	[dreg:$0x16] =	wrdreg s13  }
0x19: {  	s15 =	simm.s32 $0x1500;
	[dreg:$0x17] =	wrdreg s14  }
0x1a: {  	s16 =	simm.s32 $0x5500;
	[dreg:$0x18] =	wrdreg s15  }
0x1b: {  	s17 =	simm.s32 $0x9500;
	[dreg:$0x19] =	wrdreg s16  }
0x1c: {  	s18 =	simm.s32 $0xD500;
	[dreg:$0x1a] =	wrdreg s17  }
0x1d: {  	s19 =	simm.s32 $0x1900;
	[dreg:$0x1b] =	wrdreg s18  }
0x1e: {  	s20 =	simm.s32 $0x5900;
	[dreg:$0x1c] =	wrdreg s19  }
0x1f: {  	[dreg:$0x1d] =	wrdreg s20;
	s21 =	simm.s32 $0x9900  }
0x20: {  	s22 =	simm.s32 $0xD900;
	[dreg:$0x1e] =	wrdreg s21  }
0x21: {  	s23 =	simm.s32 $0x1D00;
	[dreg:$0x1f] =	wrdreg s22  }
0x22: {  	s24 =	simm.s32 $0x5D00;
	[smem:$0x7DA] =	sst s23  }
0x23: {  	s25 =	simm.s32 $0x9D00;
	[smem:$0x7DB] =	sst s24  }
0x24: {  	s26 =	simm.s32 $0xDD00;
	[smem:$0x7DC] =	sst s25  }
0x25: {  	s28 =	simm.s32 $0x2100;
	[smem:$0x7DD] =	sst s26  }
0x26: {  	s29 =	simm.s32 $0x6100;
	[smem:$0x7DE] =	sst s28  }
0x27: {  	s30 =	simm.s32 $0xA100;
	[smem:$0x7DF] =	sst s29  }
0x28: {  	s31 =	simm.s32 $0xE100;
	[smem:$0x7E0] =	sst s30  }
0x29: {  	s8 =	simm.s32 $0x2500;
	[smem:$0x7E1] =	sst s31  }
0x2a: {  	s9 =	simm.s32 $0x6500;
	[smem:$0x7E2] =	sst s8  }
0x2b: {  	s10 =	simm.s32 $0xA500;
	[smem:$0x7E3] =	sst s9  }
0x2c: {  	s11 =	simm.s32 $0xE500;
	[smem:$0x7E4] =	sst s10  }
0x2d: {  	s12 =	simm.s32 $0x2900;
	[smem:$0x7E5] =	sst s11  }
0x2e: {  	s13 =	simm.s32 $0x6900;
	[smem:$0x7E6] =	sst s12  }
0x2f: {  	s14 =	simm.s32 $0xA900;
	[smem:$0x7E7] =	sst s13  }
0x30: {  	s15 =	simm.s32 $0x2D00;
	[smem:$0x7E8] =	sst s14  }
0x31: {  	s16 =	simm.s32 $0x6D00;
	[smem:$0x7EA] =	sst s15  }
0x32: {  	s17 =	simm.s32 $0xAD00;
	[smem:$0x7EB] =	sst s16  }
0x33: {  	s18 =	simm.s32 $0xED00;
	[smem:$0x7EC] =	sst s17  }
0x34: {  	s19 =	simm.s32 $0x3100;
	[smem:$0x7ED] =	sst s18  }
0x35: {  	s20 =	simm.s32 $0x7100;
	[smem:$0x7EE] =	sst s19  }
0x36: {  	s9 =	simm.s32 $0xE900;
	[smem:$0x7EF] =	sst s20  }
0x37: {  	s21 =	simm.s32 $0xB100;
	[smem:$0x7E9] =	sst s9  }
0x38: {  	s23 =	simm.s32 $0xF100;
	[smem:$0x7F0] =	sst s21  }
0x39: {  	s4 =	stileid.u32;
	s24 =	simm.s32 $0x3500;
	[smem:$0x7F1] =	sst s23  }
0x3a: {  	s8 =	srdreg.scid;
	s25 =	simm.s32 $0x7500;
	[smem:$0x7F2] =	sst s24  }
0x3b: {  	s10 =	sshll.u32 s4, $0x5;
	s26 =	simm.s32 $0xB500;
	[smem:$0x7F3] =	sst s25  }
0x3c: {  	s28 =	simm.s32 $0xF500;
	s29 =	simm.s32 $0x3900;
	[smem:$0x7F4] =	sst s26  }
0x3d: {  	s30 =	simm.s32 $0x7900;
	s12 =	simm.s32 $0xB900;
	[smem:$0x7F5] =	sst s28  }
0x3e: {  	s13 =	simm.s32 $0xF900;
	s14 =	simm.s32 $0x3D00;
	[smem:$0x7F6] =	sst s29  }
0x3f: {  	s15 =	simm.s32 $0x7D00;
	s16 =	simm.s32 $0xBD00;
	[smem:$0x7F7] =	sst s30  }
0x40: {  	s31 =	simm.s32 $0xFD00;
	s17 =	simm.s32 $0x2;
	[smem:$0x7F8] =	sst s12  }
0x41: {  	s18 =	simm.s32 $0x10200;
	s19 =	simm.s32 $0x10280;
	[smem:$0x7F9] =	sst s13  }
0x42: {  	v0 =	vlaneseq.u32;
	s20 =	simm.s32 $0x0;
	s8 =	sand.u32 $0x1, s8;
	[smem:$0x7FA] =	sst s14  }
0x43: {  	v0 =	vmul.u32 $0x400, v0;
	s12 =	simm.s32 $0x10100;
	s13 =	simm.s32 $0x10180;
	[smem:$0x7FB] =	sst s15  }
0x44: {  	s14 =	simm.s32 $0x100;
	s15 =	simm.s32 $0x8100;
	[smem:$0x7FC] =	sst s16  }
0x45: {  	v1 =	vor.u32 $0x80, v0;
	v2 =	vor.u32 $0x100, v0;
	v3 =	vor.u32 $0x180, v0;
	[smem:$0x7FD] =	sst s31;
	s11 =	sshll.u32 s8, $0x4;
	s8 =	ssub.s32 $0x2, s8  }
0x46: {  	v4 =	vor.u32 $0x200, v0;
	v5 =	vor.u32 $0x280, v0;
	v6 =	vor.u32 $0x300, v0;
	s16 =	simm.s32 $0x1;
	s10 =	sor.u32 s11, s10;
	s22 =	sshrl.u32 s8, $0x1  }
0x47: {  	v7 =	vor.u32 $0x380, v0;
	v8 =	vor.u32 $0x4000, v0;
	v9 =	vor.u32 $0x4080, v0;
	s11 =	sadd.s32 s10, s7;
	s9 =	ssub.s32 s8, s22;
	s5 =	sadd.s32 s5, s10  }
0x48: {  	v10 =	vor.u32 $0x4100, v0;
	v11 =	vor.u32 $0x4180, v0;
	v12 =	vor.u32 $0x4200, v0;
	s6 =	sadd.s32 s6, s10;
	s10 =	simm.s32 $0x3;
	s7 =	sadd.s32 $0x800, s11  }
0x49: {  	v13 =	vor.u32 $0x4280, v0;
	v14 =	vor.u32 $0x4300, v0;
	v15 =	vor.u32 $0x4380, v0;
	s8 =	sadd.s32 $0x600, s11;
	s9 =	smax.u32 s9, $0x1;
	s11 =	simm.s32 $0x80  }
.LBB2_1:
0x4a: {  	[tilespmem:s3], [sflag:$0x3] =	stream.linear.gather [hbm4b:s5+s3], $0x80, $0x38;
	[tilespmem:$0x10300] =	vst v63  }
0x4b: {  	_ =	swait.ge [sflag:s10], $0x80  }
0x4c: {  	[sflag:s10] =	ssyncset.done $0x0  }
0x4d: {  	[sflag:s10] =	ssyncadd.s32 $0xFFFFFF80  }
0x4e: {  	[tilespmem:s11], [sflag:$0x3] =	stream.linear.gather [hbm4b:s6+s3], $0x80, $0x38;
	[tilespmem:$0x10300] =	vst v63  }
0x4f: {  	_ =	swait.ge [sflag:s10], $0x80  }
0x50: {  	[sflag:s10] =	ssyncset.done $0x0  }
0x51: {  	[sflag:s10] =	ssyncadd.s32 $0xFFFFFF80  }
0x52: {  	[tilespmem:s12], [sflag:$0x2] =	stream.indirect.gather [hbm4b:s2+s11], $0x1, s3, s11, $0xb8;
	[tilespmem:$0x10300] =	vst v63  }
0x53: {  	s21 =	simm.s32 $0x0  }
0x54: {  	[tilespmem:s13], [sflag:$0x2] =	stream.indirect.gather [hbm4b:s2+s11], $0x1, s11, s11, $0xb8;
	[tilespmem:$0x10300] =	vst v63  }
0x55: {  	v17 =	vld [tilespmem:s21+$0x0];
	_ =	sdelay $0x3  }
0x56: {  	v16 =	vld [tilespmem:s21+$0x80]  }
0x57: {  	v18 =	vand.u32 $0xFFFFFF80, v17  }
0x58: {  	v19 =	vadd.s32 s1, v18  }
0x59: {  	(v2sf) =	vpush v19, $0x0;
	_ =	sdelay $0x1  }
0x5a: {  	v18 =	vand.u32 $0xFFFFFF80, v16  }
0x5b: {  	v18 =	vadd.s32 s1, v18  }
0x5c: {  	(v2sf) =	vpush v18, $0x0;
	_ =	sdelay $0x3  }
0x5d: {  	(v2sf) =	vpush v19, $0x1;
	_ =	sdelay $0x3  }
0x5e: {  	(v2sf) =	vpush v18, $0x1;
	_ =	sdelay $0x2  }
0x5f: {  	s23 =	spop (v2sf)  }
0x60: {  	(v2sf) =	vpush v19, $0x2;
	[tilespmem:s14], [sflag:$0x1] =	stream.linear.gather [hbm4b:s23+s3], $0x400, $0x38;
	[tilespmem:$0x10300] =	vst v63  }
0x61: {  	s22 =	rddreg [dreg:$0x6];
	s23 =	sadd.s32 $0xF4280, s23  }
0x62: {  	[tilespmem:s22], [sflag:$0x1] =	stream.linear.gather [hbm4b:s23+s3], $0x400, $0x38;
	[tilespmem:$0x10300] =	vst v63  }
0x63: {  	s31 =	rddreg [dreg:$0x7];
	s25 =	spop (v2sf)  }
0x64: {  	(v2sf) =	vpush v18, $0x2;
	[tilespmem:s15], [sflag:$0x1] =	stream.linear.gather [hbm4b:s25+s3], $0x400, $0x38;
	[tilespmem:$0x10300] =	vst v63  }
0x65: {  	s24 =	rddreg [dreg:$0x8];
	s23 =	sadd.s32 $0xF4280, s25  }
0x66: {  	[tilespmem:s31], [sflag:$0x1] =	stream.linear.gather [hbm4b:s23+s3], $0x400, $0x38;
	[tilespmem:$0x10300] =	vst v63  }
0x67: {  	s26 =	rddreg [dreg:$0x9];
	s28 =	spop (v2sf)  }
0x68: {  	(v2sf) =	vpush v19, $0x3;
	[tilespmem:s24], [sflag:$0x1] =	stream.linear.gather [hbm4b:s28+s3], $0x400, $0x38;
	[tilespmem:$0x10300] =	vst v63  }
0x69: {  	s29 =	rddreg [dreg:$0xa];
	s23 =	sadd.s32 $0xF4280, s28  }
0x6a: {  	[tilespmem:s26], [sflag:$0x1] =	stream.linear.gather [hbm4b:s23+s3], $0x400, $0x38;
	[tilespmem:$0x10300] =	vst v63  }
0x6b: {  	s30 =	rddreg [dreg:$0xb];
	s31 =	spop (v2sf)  }
0x6c: {  	(v2sf) =	vpush v18, $0x3;
	[tilespmem:s29], [sflag:$0x1] =	stream.linear.gather [hbm4b:s31+s3], $0x400, $0x38;
	[tilespmem:$0x10300] =	vst v63  }
0x6d: {  	s25 =	rddreg [dreg:$0xc];
	s23 =	sadd.s32 $0xF4280, s31  }
0x6e: {  	[tilespmem:s30], [sflag:$0x1] =	stream.linear.gather [hbm4b:s23+s3], $0x400, $0x38;
	[tilespmem:$0x10300] =	vst v63  }
0x6f: {  	s26 =	rddreg [dreg:$0xd];
	s28 =	spop (v2sf)  }
0x70: {  	(v2sf) =	vpush v19, $0x4;
	[tilespmem:s25], [sflag:$0x1] =	stream.linear.gather [hbm4b:s28+s3], $0x400, $0x38;
	[tilespmem:$0x10300] =	vst v63  }
0x71: {  	s29 =	rddreg [dreg:$0xe];
	s23 =	sadd.s32 $0xF4280, s28  }
0x72: {  	[tilespmem:s26], [sflag:$0x1] =	stream.linear.gather [hbm4b:s23+s3], $0x400, $0x38;
	[tilespmem:$0x10300] =	vst v63  }
0x73: {  	s30 =	rddreg [dreg:$0xf];
	s31 =	spop (v2sf)  }
0x74: {  	(v2sf) =	vpush v18, $0x4;
	[tilespmem:s29], [sflag:$0x1] =	stream.linear.gather [hbm4b:s31+s3], $0x400, $0x38;
	[tilespmem:$0x10300] =	vst v63  }
0x75: {  	s25 =	rddreg [dreg:$0x10];
	s23 =	sadd.s32 $0xF4280, s31  }
0x76: {  	[tilespmem:s30], [sflag:$0x1] =	stream.linear.gather [hbm4b:s23+s3], $0x400, $0x38;
	[tilespmem:$0x10300] =	vst v63  }
0x77: {  	s28 =	spop (v2sf);
	s26 =	rddreg [dreg:$0x11]  }
0x78: {  	(v2sf) =	vpush v19, $0x5;
	[tilespmem:s25], [sflag:$0x1] =	stream.linear.gather [hbm4b:s28+s3], $0x400, $0x38;
	[tilespmem:$0x10300] =	vst v63  }
0x79: {  	s29 =	rddreg [dreg:$0x12];
	s23 =	sadd.s32 $0xF4280, s28  }
0x7a: {  	[tilespmem:s26], [sflag:$0x1] =	stream.linear.gather [hbm4b:s23+s3], $0x400, $0x38;
	[tilespmem:$0x10300] =	vst v63  }
0x7b: {  	s31 =	spop (v2sf);
	s30 =	rddreg [dreg:$0x13]  }
0x7c: {  	(v2sf) =	vpush v18, $0x5;
	[tilespmem:s29], [sflag:$0x1] =	stream.linear.gather [hbm4b:s31+s3], $0x400, $0x38;
	[tilespmem:$0x10300] =	vst v63  }
0x7d: {  	s25 =	rddreg [dreg:$0x14];
	s23 =	sadd.s32 $0xF4280, s31  }
0x7e: {  	[tilespmem:s30], [sflag:$0x1] =	stream.linear.gather [hbm4b:s23+s3], $0x400, $0x38;
	[tilespmem:$0x10300] =	vst v63  }
0x7f: {  	s26 =	rddreg [dreg:$0x15];
	s28 =	spop (v2sf)  }
0x80: {  	(v2sf) =	vpush v19, $0x6;
	[tilespmem:s25], [sflag:$0x1] =	stream.linear.gather [hbm4b:s28+s3], $0x400, $0x38;
	[tilespmem:$0x10300] =	vst v63  }
0x81: {  	s29 =	rddreg [dreg:$0x16];
	s23 =	sadd.s32 $0xF4280, s28  }
0x82: {  	[tilespmem:s26], [sflag:$0x1] =	stream.linear.gather [hbm4b:s23+s3], $0x400, $0x38;
	[tilespmem:$0x10300] =	vst v63  }
0x83: {  	s30 =	rddreg [dreg:$0x17];
	s31 =	spop (v2sf)  }
0x84: {  	(v2sf) =	vpush v18, $0x6;
	[tilespmem:s29], [sflag:$0x1] =	stream.linear.gather [hbm4b:s31+s3], $0x400, $0x38;
	[tilespmem:$0x10300] =	vst v63  }
0x85: {  	s25 =	rddreg [dreg:$0x18];
	s23 =	sadd.s32 $0xF4280, s31  }
0x86: {  	[tilespmem:s30], [sflag:$0x1] =	stream.linear.gather [hbm4b:s23+s3], $0x400, $0x38;
	[tilespmem:$0x10300] =	vst v63  }
0x87: {  	s28 =	spop (v2sf);
	s26 =	rddreg [dreg:$0x19]  }
0x88: {  	(v2sf) =	vpush v19, $0x7;
	[tilespmem:s25], [sflag:$0x1] =	stream.linear.gather [hbm4b:s28+s3], $0x400, $0x38;
	[tilespmem:$0x10300] =	vst v63  }
0x89: {  	s29 =	rddreg [dreg:$0x1a];
	s23 =	sadd.s32 $0xF4280, s28  }
0x8a: {  	[tilespmem:s26], [sflag:$0x1] =	stream.linear.gather [hbm4b:s23+s3], $0x400, $0x38;
	[tilespmem:$0x10300] =	vst v63  }
0x8b: {  	s31 =	spop (v2sf);
	s30 =	rddreg [dreg:$0x1b]  }
0x8c: {  	(v2sf) =	vpush v18, $0x7;
	[tilespmem:s29], [sflag:$0x1] =	stream.linear.gather [hbm4b:s31+s3], $0x400, $0x38;
	[tilespmem:$0x10300] =	vst v63  }
0x8d: {  	s25 =	rddreg [dreg:$0x1c];
	s23 =	sadd.s32 $0xF4280, s31  }
0x8e: {  	[tilespmem:s30], [sflag:$0x1] =	stream.linear.gather [hbm4b:s23+s3], $0x400, $0x38;
	[tilespmem:$0x10300] =	vst v63  }
0x8f: {  	s26 =	rddreg [dreg:$0x1d];
	s28 =	spop (v2sf)  }
0x90: {  	(v2sf) =	vpush v19, $0x8;
	[tilespmem:s25], [sflag:$0x1] =	stream.linear.gather [hbm4b:s28+s3], $0x400, $0x38;
	[tilespmem:$0x10300] =	vst v63  }
0x91: {  	s29 =	rddreg [dreg:$0x1e];
	s23 =	sadd.s32 $0xF4280, s28  }
0x92: {  	[tilespmem:s26], [sflag:$0x1] =	stream.linear.gather [hbm4b:s23+s3], $0x400, $0x38;
	[tilespmem:$0x10300] =	vst v63  }
0x93: {  	s31 =	spop (v2sf);
	s30 =	rddreg [dreg:$0x1f]  }
0x94: {  	(v2sf) =	vpush v18, $0x8;
	[tilespmem:s29], [sflag:$0x1] =	stream.linear.gather [hbm4b:s31+s3], $0x400, $0x38;
	[tilespmem:$0x10300] =	vst v63  }
0x95: {  	s25 =	sld [smem:$0x7DA];
	s23 =	sadd.s32 $0xF4280, s31  }
0x96: {  	[tilespmem:s30], [sflag:$0x1] =	stream.linear.gather [hbm4b:s23+s3], $0x400, $0x38;
	[tilespmem:$0x10300] =	vst v63  }
0x97: {  	s28 =	spop (v2sf);
	s26 =	sld [smem:$0x7DB]  }
0x98: {  	(v2sf) =	vpush v19, $0x9;
	[tilespmem:s25], [sflag:$0x1] =	stream.linear.gather [hbm4b:s28+s3], $0x400, $0x38;
	[tilespmem:$0x10300] =	vst v63  }
0x99: {  	s29 =	sld [smem:$0x7DC];
	s23 =	sadd.s32 $0xF4280, s28  }
0x9a: {  	[tilespmem:s26], [sflag:$0x1] =	stream.linear.gather [hbm4b:s23+s3], $0x400, $0x38;
	[tilespmem:$0x10300] =	vst v63  }
0x9b: {  	s31 =	spop (v2sf);
	s30 =	sld [smem:$0x7DD]  }
0x9c: {  	(v2sf) =	vpush v18, $0x9;
	[tilespmem:s29], [sflag:$0x1] =	stream.linear.gather [hbm4b:s31+s3], $0x400, $0x38;
	[tilespmem:$0x10300] =	vst v63  }
0x9d: {  	s25 =	sld [smem:$0x7DE];
	s23 =	sadd.s32 $0xF4280, s31  }
0x9e: {  	[tilespmem:s30], [sflag:$0x1] =	stream.linear.gather [hbm4b:s23+s3], $0x400, $0x38;
	[tilespmem:$0x10300] =	vst v63  }
0x9f: {  	s26 =	sld [smem:$0x7DF];
	s28 =	spop (v2sf)  }
0xa0: {  	(v2sf) =	vpush v19, $0xA;
	[tilespmem:s25], [sflag:$0x1] =	stream.linear.gather [hbm4b:s28+s3], $0x400, $0x38;
	[tilespmem:$0x10300] =	vst v63  }
0xa1: {  	s29 =	sld [smem:$0x7E0];
	s23 =	sadd.s32 $0xF4280, s28  }
0xa2: {  	[tilespmem:s26], [sflag:$0x1] =	stream.linear.gather [hbm4b:s23+s3], $0x400, $0x38;
	[tilespmem:$0x10300] =	vst v63  }
0xa3: {  	s31 =	spop (v2sf);
	s30 =	sld [smem:$0x7E1]  }
0xa4: {  	(v2sf) =	vpush v18, $0xA;
	[tilespmem:s29], [sflag:$0x1] =	stream.linear.gather [hbm4b:s31+s3], $0x400, $0x38;
	[tilespmem:$0x10300] =	vst v63  }
0xa5: {  	s25 =	sld [smem:$0x7E2];
	s23 =	sadd.s32 $0xF4280, s31  }
0xa6: {  	[tilespmem:s30], [sflag:$0x1] =	stream.linear.gather [hbm4b:s23+s3], $0x400, $0x38;
	[tilespmem:$0x10300] =	vst v63  }
0xa7: {  	s28 =	spop (v2sf);
	s26 =	sld [smem:$0x7E3]  }
0xa8: {  	(v2sf) =	vpush v19, $0xB;
	[tilespmem:s25], [sflag:$0x1] =	stream.linear.gather [hbm4b:s28+s3], $0x400, $0x38;
	[tilespmem:$0x10300] =	vst v63  }
0xa9: {  	s29 =	sld [smem:$0x7E4];
	s23 =	sadd.s32 $0xF4280, s28  }
0xaa: {  	[tilespmem:s26], [sflag:$0x1] =	stream.linear.gather [hbm4b:s23+s3], $0x400, $0x38;
	[tilespmem:$0x10300] =	vst v63  }
0xab: {  	s31 =	spop (v2sf);
	s30 =	sld [smem:$0x7E5]  }
0xac: {  	(v2sf) =	vpush v18, $0xB;
	[tilespmem:s29], [sflag:$0x1] =	stream.linear.gather [hbm4b:s31+s3], $0x400, $0x38;
	[tilespmem:$0x10300] =	vst v63  }
0xad: {  	s25 =	sld [smem:$0x7E6];
	s23 =	sadd.s32 $0xF4280, s31  }
0xae: {  	[tilespmem:s30], [sflag:$0x1] =	stream.linear.gather [hbm4b:s23+s3], $0x400, $0x38;
	[tilespmem:$0x10300] =	vst v63  }
0xaf: {  	s26 =	sld [smem:$0x7E7];
	s28 =	spop (v2sf)  }
0xb0: {  	(v2sf) =	vpush v19, $0xC;
	[tilespmem:s25], [sflag:$0x1] =	stream.linear.gather [hbm4b:s28+s3], $0x400, $0x38;
	[tilespmem:$0x10300] =	vst v63  }
0xb1: {  	s29 =	sld [smem:$0x7E8];
	s23 =	sadd.s32 $0xF4280, s28  }
0xb2: {  	[tilespmem:s26], [sflag:$0x1] =	stream.linear.gather [hbm4b:s23+s3], $0x400, $0x38;
	[tilespmem:$0x10300] =	vst v63  }
0xb3: {  	s31 =	spop (v2sf);
	s30 =	sld [smem:$0x7E9]  }
0xb4: {  	(v2sf) =	vpush v18, $0xC;
	[tilespmem:s29], [sflag:$0x1] =	stream.linear.gather [hbm4b:s31+s3], $0x400, $0x38;
	[tilespmem:$0x10300] =	vst v63  }
0xb5: {  	s25 =	sld [smem:$0x7EA];
	s23 =	sadd.s32 $0xF4280, s31  }
0xb6: {  	[tilespmem:s30], [sflag:$0x1] =	stream.linear.gather [hbm4b:s23+s3], $0x400, $0x38;
	[tilespmem:$0x10300] =	vst v63  }
0xb7: {  	s28 =	spop (v2sf);
	s26 =	sld [smem:$0x7EB]  }
0xb8: {  	(v2sf) =	vpush v19, $0xD;
	[tilespmem:s25], [sflag:$0x1] =	stream.linear.gather [hbm4b:s28+s3], $0x400, $0x38;
	[tilespmem:$0x10300] =	vst v63  }
0xb9: {  	s29 =	sld [smem:$0x7EC];
	s23 =	sadd.s32 $0xF4280, s28  }
0xba: {  	[tilespmem:s26], [sflag:$0x1] =	stream.linear.gather [hbm4b:s23+s3], $0x400, $0x38;
	[tilespmem:$0x10300] =	vst v63  }
0xbb: {  	s31 =	spop (v2sf);
	s30 =	sld [smem:$0x7ED]  }
0xbc: {  	(v2sf) =	vpush v18, $0xD;
	[tilespmem:s29], [sflag:$0x1] =	stream.linear.gather [hbm4b:s31+s3], $0x400, $0x38;
	[tilespmem:$0x10300] =	vst v63  }
0xbd: {  	s25 =	sld [smem:$0x7EE];
	s23 =	sadd.s32 $0xF4280, s31  }
0xbe: {  	[tilespmem:s30], [sflag:$0x1] =	stream.linear.gather [hbm4b:s23+s3], $0x400, $0x38;
	[tilespmem:$0x10300] =	vst v63  }
0xbf: {  	s28 =	spop (v2sf);
	s26 =	sld [smem:$0x7EF]  }
0xc0: {  	(v2sf) =	vpush v19, $0xE;
	[tilespmem:s25], [sflag:$0x1] =	stream.linear.gather [hbm4b:s28+s3], $0x400, $0x38;
	[tilespmem:$0x10300] =	vst v63  }
0xc1: {  	s29 =	sld [smem:$0x7F0];
	s23 =	sadd.s32 $0xF4280, s28  }
0xc2: {  	[tilespmem:s26], [sflag:$0x1] =	stream.linear.gather [hbm4b:s23+s3], $0x400, $0x38;
	[tilespmem:$0x10300] =	vst v63  }
0xc3: {  	s31 =	spop (v2sf);
	s30 =	sld [smem:$0x7F1]  }
0xc4: {  	(v2sf) =	vpush v18, $0xE;
	[tilespmem:s29], [sflag:$0x1] =	stream.linear.gather [hbm4b:s31+s3], $0x400, $0x38;
	[tilespmem:$0x10300] =	vst v63  }
0xc5: {  	s25 =	sld [smem:$0x7F2];
	s23 =	sadd.s32 $0xF4280, s31  }
0xc6: {  	[tilespmem:s30], [sflag:$0x1] =	stream.linear.gather [hbm4b:s23+s3], $0x400, $0x38;
	[tilespmem:$0x10300] =	vst v63  }
0xc7: {  	s28 =	spop (v2sf);
	s26 =	sld [smem:$0x7F3]  }
0xc8: {  	(v2sf) =	vpush v19, $0xF;
	[tilespmem:s25], [sflag:$0x1] =	stream.linear.gather [hbm4b:s28+s3], $0x400, $0x38;
	[tilespmem:$0x10300] =	vst v63  }
0xc9: {  	s29 =	sld [smem:$0x7F4];
	s23 =	sadd.s32 $0xF4280, s28  }
0xca: {  	[tilespmem:s26], [sflag:$0x1] =	stream.linear.gather [hbm4b:s23+s3], $0x400, $0x38;
	[tilespmem:$0x10300] =	vst v63  }
0xcb: {  	s31 =	spop (v2sf);
	s30 =	sld [smem:$0x7F5]  }
0xcc: {  	(v2sf) =	vpush v18, $0xF;
	[tilespmem:s29], [sflag:$0x1] =	stream.linear.gather [hbm4b:s31+s3], $0x400, $0x38;
	[tilespmem:$0x10300] =	vst v63  }
0xcd: {  	s25 =	sld [smem:$0x7F6];
	s23 =	sadd.s32 $0xF4280, s31  }
0xce: {  	[tilespmem:s30], [sflag:$0x1] =	stream.linear.gather [hbm4b:s23+s3], $0x400, $0x38;
	[tilespmem:$0x10300] =	vst v63  }
0xcf: {  	s28 =	spop (v2sf);
	s26 =	sld [smem:$0x7F7]  }
0xd0: {  	[tilespmem:s25], [sflag:$0x1] =	stream.linear.gather [hbm4b:s28+s3], $0x400, $0x38;
	[tilespmem:$0x10300] =	vst v63  }
0xd1: {  	s29 =	sld [smem:$0x7F8];
	s23 =	sadd.s32 $0xF4280, s28  }
0xd2: {  	[tilespmem:s26], [sflag:$0x1] =	stream.linear.gather [hbm4b:s23+s3], $0x400, $0x38;
	[tilespmem:$0x10300] =	vst v63  }
0xd3: {  	s31 =	spop (v2sf);
	s30 =	sld [smem:$0x7F9]  }
0xd4: {  	[tilespmem:s29], [sflag:$0x1] =	stream.linear.gather [hbm4b:s31+s3], $0x400, $0x38;
	[tilespmem:$0x10300] =	vst v63  }
0xd5: {  	s25 =	sld [smem:$0x7FA];
	s23 =	sadd.s32 $0xF4280, s31  }
0xd6: {  	[tilespmem:s30], [sflag:$0x1] =	stream.linear.gather [hbm4b:s23+s3], $0x400, $0x38;
	[tilespmem:$0x10300] =	vst v63  }
0xd7: {  	s28 =	spop (v2sf);
	s26 =	sld [smem:$0x7FB]  }
0xd8: {  	[tilespmem:s25], [sflag:$0x1] =	stream.linear.gather [hbm4b:s28+s3], $0x400, $0x38;
	[tilespmem:$0x10300] =	vst v63  }
0xd9: {  	s29 =	sld [smem:$0x7FC];
	s23 =	sadd.s32 $0xF4280, s28  }
0xda: {  	[tilespmem:s26], [sflag:$0x1] =	stream.linear.gather [hbm4b:s23+s3], $0x400, $0x38;
	[tilespmem:$0x10300] =	vst v63  }
0xdb: {  	s31 =	spop (v2sf);
	s30 =	sld [smem:$0x7FD]  }
0xdc: {  	[tilespmem:s29], [sflag:$0x1] =	stream.linear.gather [hbm4b:s31+s3], $0x400, $0x38;
	[tilespmem:$0x10300] =	vst v63  }
0xdd: {  	s23 =	sadd.s32 $0xF4280, s31  }
0xde: {  	[tilespmem:s30], [sflag:$0x1] =	stream.linear.gather [hbm4b:s23+s3], $0x400, $0x38;
	[tilespmem:$0x10300] =	vst v63  }
0xdf: {  	_ =	swait.ge [sflag:s16], $0x800  }
0xe0: {  	[sflag:s16] =	ssyncset.done $0x0  }
0xe1: {  	[sflag:s16] =	ssyncadd.s32 $0xFFFFF800  }
0xe2: {  	_ =	swait.ge [sflag:s16], $0x800  }
0xe3: {  	[sflag:s16] =	ssyncset.done $0x0  }
0xe4: {  	[sflag:s16] =	ssyncadd.s32 $0xFFFFF800  }
0xe5: {  	_ =	swait.ge [sflag:s16], $0x800  }
0xe6: {  	[sflag:s16] =	ssyncset.done $0x0  }
0xe7: {  	[sflag:s16] =	ssyncadd.s32 $0xFFFFF800  }
0xe8: {  	_ =	swait.ge [sflag:s16], $0x800  }
0xe9: {  	[sflag:s16] =	ssyncset.done $0x0  }
0xea: {  	[sflag:s16] =	ssyncadd.s32 $0xFFFFF800  }
0xeb: {  	_ =	swait.ge [sflag:s16], $0x800  }
0xec: {  	[sflag:s16] =	ssyncset.done $0x0  }
0xed: {  	[sflag:s16] =	ssyncadd.s32 $0xFFFFF800  }
0xee: {  	_ =	swait.ge [sflag:s16], $0x800  }
0xef: {  	[sflag:s16] =	ssyncset.done $0x0  }
0xf0: {  	[sflag:s16] =	ssyncadd.s32 $0xFFFFF800  }
0xf1: {  	_ =	swait.ge [sflag:s16], $0x800  }
0xf2: {  	[sflag:s16] =	ssyncset.done $0x0  }
0xf3: {  	[sflag:s16] =	ssyncadd.s32 $0xFFFFF800  }
0xf4: {  	_ =	swait.ge [sflag:s16], $0x800  }
0xf5: {  	[sflag:s16] =	ssyncset.done $0x0  }
0xf6: {  	[sflag:s16] =	ssyncadd.s32 $0xFFFFF800  }
0xf7: {  	_ =	swait.ge [sflag:s16], $0x800  }
0xf8: {  	[sflag:s16] =	ssyncset.done $0x0  }
0xf9: {  	[sflag:s16] =	ssyncadd.s32 $0xFFFFF800  }
0xfa: {  	_ =	swait.ge [sflag:s16], $0x800  }
0xfb: {  	[sflag:s16] =	ssyncset.done $0x0  }
0xfc: {  	[sflag:s16] =	ssyncadd.s32 $0xFFFFF800  }
0xfd: {  	_ =	swait.ge [sflag:s16], $0x800  }
0xfe: {  	[sflag:s16] =	ssyncset.done $0x0  }
0xff: {  	[sflag:s16] =	ssyncadd.s32 $0xFFFFF800  }
0x100: {  	_ =	swait.ge [sflag:s16], $0x800  }
0x101: {  	[sflag:s16] =	ssyncset.done $0x0  }
0x102: {  	[sflag:s16] =	ssyncadd.s32 $0xFFFFF800  }
0x103: {  	_ =	swait.ge [sflag:s16], $0x800  }
0x104: {  	[sflag:s16] =	ssyncset.done $0x0  }
0x105: {  	[sflag:s16] =	ssyncadd.s32 $0xFFFFF800  }
0x106: {  	_ =	swait.ge [sflag:s16], $0x800  }
0x107: {  	[sflag:s16] =	ssyncset.done $0x0  }
0x108: {  	[sflag:s16] =	ssyncadd.s32 $0xFFFFF800  }
0x109: {  	_ =	swait.ge [sflag:s16], $0x800  }
0x10a: {  	[sflag:s16] =	ssyncset.done $0x0  }
0x10b: {  	[sflag:s16] =	ssyncadd.s32 $0xFFFFF800  }
0x10c: {  	_ =	swait.ge [sflag:s16], $0x800  }
0x10d: {  	[sflag:s16] =	ssyncset.done $0x0  }
0x10e: {  	[sflag:s16] =	ssyncadd.s32 $0xFFFFF800  }
0x10f: {  	_ =	swait.ge [sflag:s16], $0x800  }
0x110: {  	[sflag:s16] =	ssyncset.done $0x0  }
0x111: {  	[sflag:s16] =	ssyncadd.s32 $0xFFFFF800  }
0x112: {  	_ =	swait.ge [sflag:s16], $0x800  }
0x113: {  	[sflag:s16] =	ssyncset.done $0x0  }
0x114: {  	[sflag:s16] =	ssyncadd.s32 $0xFFFFF800  }
0x115: {  	_ =	swait.ge [sflag:s16], $0x800  }
0x116: {  	[sflag:s16] =	ssyncset.done $0x0  }
0x117: {  	[sflag:s16] =	ssyncadd.s32 $0xFFFFF800  }
0x118: {  	_ =	swait.ge [sflag:s16], $0x800  }
0x119: {  	[sflag:s16] =	ssyncset.done $0x0  }
0x11a: {  	[sflag:s16] =	ssyncadd.s32 $0xFFFFF800  }
0x11b: {  	_ =	swait.ge [sflag:s16], $0x800  }
0x11c: {  	[sflag:s16] =	ssyncset.done $0x0  }
0x11d: {  	[sflag:s16] =	ssyncadd.s32 $0xFFFFF800  }
0x11e: {  	_ =	swait.ge [sflag:s16], $0x800  }
0x11f: {  	[sflag:s16] =	ssyncset.done $0x0  }
0x120: {  	[sflag:s16] =	ssyncadd.s32 $0xFFFFF800  }
0x121: {  	_ =	swait.ge [sflag:s16], $0x800  }
0x122: {  	[sflag:s16] =	ssyncset.done $0x0  }
0x123: {  	[sflag:s16] =	ssyncadd.s32 $0xFFFFF800  }
0x124: {  	_ =	swait.ge [sflag:s16], $0x800  }
0x125: {  	[sflag:s16] =	ssyncset.done $0x0  }
0x126: {  	[sflag:s16] =	ssyncadd.s32 $0xFFFFF800  }
0x127: {  	_ =	swait.ge [sflag:s16], $0x800  }
0x128: {  	[sflag:s16] =	ssyncset.done $0x0  }
0x129: {  	[sflag:s16] =	ssyncadd.s32 $0xFFFFF800  }
0x12a: {  	_ =	swait.ge [sflag:s16], $0x800  }
0x12b: {  	[sflag:s16] =	ssyncset.done $0x0  }
0x12c: {  	[sflag:s16] =	ssyncadd.s32 $0xFFFFF800  }
0x12d: {  	_ =	swait.ge [sflag:s16], $0x800  }
0x12e: {  	[sflag:s16] =	ssyncset.done $0x0  }
0x12f: {  	[sflag:s16] =	ssyncadd.s32 $0xFFFFF800  }
0x130: {  	_ =	swait.ge [sflag:s16], $0x800  }
0x131: {  	[sflag:s16] =	ssyncset.done $0x0  }
0x132: {  	[sflag:s16] =	ssyncadd.s32 $0xFFFFF800  }
0x133: {  	_ =	swait.ge [sflag:s16], $0x800  }
0x134: {  	[sflag:s16] =	ssyncset.done $0x0  }
0x135: {  	[sflag:s16] =	ssyncadd.s32 $0xFFFFF800  }
0x136: {  	_ =	swait.ge [sflag:s16], $0x800  }
0x137: {  	[sflag:s16] =	ssyncset.done $0x0  }
0x138: {  	[sflag:s16] =	ssyncadd.s32 $0xFFFFF800  }
0x139: {  	v17 =	vand.u32 $0x7F, v17;
	_ =	swait.ge [sflag:s16], $0x800  }
0x13a: {  	v18 =	vor.u32 v2, v17;
	[sflag:s16] =	ssyncset.done $0x0  }
0x13b: {  	v16 =	vand.u32 $0x7F, v16;
	v19 =	vor.u32 v1, v17;
	[sflag:s16] =	ssyncadd.s32 $0xFFFFF800  }
0x13c: {  	v20 =	vor.u32 v1, v16;
	_ =	swait.ge [sflag:s16], $0x800  }
0x13d: {  	v21 =	vor.u32 v0, v17;
	[sflag:s16] =	ssyncset.done $0x0  }
0x13e: {  	v22 =	vor.u32 v0, v16;
	[sflag:s16] =	ssyncadd.s32 $0xFFFFF800  }
0x13f: {  	v23 =	vor.u32 v2, v16;
	v18 =	vld.idx.msk [tilespmem:v18+s14+$0x0], $0xffff  }
0x140: {  	v24 =	vor.u32 v3, v17;
	v19 =	vld.idx.msk [tilespmem:v19+s14+$0x0], $0xffff  }
0x141: {  	v25 =	vor.u32 v3, v16;
	v20 =	vld.idx.msk [tilespmem:v20+s15+$0x0], $0xffff  }
0x142: {  	v26 =	vor.u32 v4, v17;
	v21 =	vld.idx.msk [tilespmem:v21+s14+$0x0], $0xffff  }
0x143: {  	v27 =	vor.u32 v4, v16;
	v22 =	vld.idx.msk [tilespmem:v22+s15+$0x0], $0xffff  }
0x144: {  	v28 =	vor.u32 v5, v17;
	v23 =	vld.idx.msk [tilespmem:v23+s15+$0x0], $0xffff  }
0x145: {  	v30 =	vor.u32 v6, v17;
	v24 =	vld.idx.msk [tilespmem:v24+s14+$0x0], $0xffff  }
0x146: {  	v32 =	vor.u32 v7, v17;
	v25 =	vld.idx.msk [tilespmem:v25+s15+$0x0], $0xffff  }
0x147: {  	v57 =	vor.u32 v14, v17;
	v29 =	vor.u32 v5, v16;
	v35 =	vor.u32 v9, v16;
	v26 =	vld.idx.msk [tilespmem:v26+s14+$0x0], $0xffff  }
0x148: {  	v31 =	vor.u32 v6, v16;
	v33 =	vor.u32 v7, v16;
	v48 =	vor.u32 v10, v16;
	v27 =	vld.idx.msk [tilespmem:v27+s15+$0x0], $0xffff  }
0x149: {  	v34 =	vor.u32 v8, v16;
	v50 =	vor.u32 v11, v16;
	v53 =	vor.u32 v12, v16;
	v28 =	vld.idx.msk [tilespmem:v28+s14+$0x0], $0xffff  }
0x14a: {  	v56 =	vor.u32 v13, v16;
	v58 =	vor.u32 v14, v16;
	v16 =	vor.u32 v15, v16;
	v30 =	vld.idx.msk [tilespmem:v30+s14+$0x0], $0xffff  }
0x14b: {  	v32 =	vld.idx.msk [tilespmem:v32+s14+$0x0], $0xffff;
	v21 =	vmul.f32 v22, v21  }
0x14c: {  	v51 =	vld.idx.msk [tilespmem:v35+s15+$0x0], $0xffff  }
0x14d: {  	v54 =	vld.idx.msk [tilespmem:v48+s15+$0x0], $0xffff;
	v19 =	vmul.f32 v20, v19;
	v20 =	vadd.f32 $0.0e+00, v21  }
0x14e: {  	v46 =	vor.u32 v8, v17;
	v59 =	vld.idx.msk [tilespmem:v57+s14+$0x0], $0xffff  }
0x14f: {  	v61 =	vld.idx.msk [tilespmem:v16+s15+$0x0], $0xffff;
	v18 =	vmul.f32 v23, v18;
	v19 =	vadd.f32 v19, v20  }
0x150: {  	v49 =	vor.u32 v11, v17;
	v22 =	vld.idx.msk [tilespmem:v29+s15+$0x0], $0xffff  }
0x151: {  	v62 =	vld [tilespmem:s21+$0x10180];
	v24 =	vmul.f32 v25, v24;
	v18 =	vadd.f32 v18, v19  }
0x152: {  	v47 =	vor.u32 v9, v17;
	v21 =	vld.idx.msk [tilespmem:v31+s15+$0x0], $0xffff  }
0x153: {  	v23 =	vor.u32 v10, v17;
	v29 =	vld.idx.msk [tilespmem:v46+s14+$0x0], $0xffff;
	v26 =	vmul.f32 v27, v26;
	v18 =	vadd.f32 v24, v18  }
0x154: {  	v52 =	vor.u32 v12, v17;
	v20 =	vld.idx.msk [tilespmem:v33+s15+$0x0], $0xffff  }
0x155: {  	v55 =	vor.u32 v13, v17;
	v25 =	vld.idx.msk [tilespmem:v49+s14+$0x0], $0xffff;
	v22 =	vmul.f32 v22, v28;
	v18 =	vadd.f32 v26, v18  }
0x156: {  	v19 =	vld.idx.msk [tilespmem:v34+s15+$0x0], $0xffff  }
0x157: {  	v17 =	vor.u32 v15, v17;
	v31 =	vld.idx.msk [tilespmem:v47+s14+$0x0], $0xffff;
	v21 =	vmul.f32 v21, v30;
	v18 =	vadd.f32 v22, v18  }
0x158: {  	v23 =	vld.idx.msk [tilespmem:v23+s14+$0x0], $0xffff  }
0x159: {  	v27 =	vld.idx.msk [tilespmem:v52+s14+$0x0], $0xffff;
	v20 =	vmul.f32 v20, v32;
	v18 =	vadd.f32 v21, v18  }
0x15a: {  	v28 =	vld.idx.msk [tilespmem:v55+s14+$0x0], $0xffff  }
0x15b: {  	v19 =	vmul.f32 v19, v29;
	v22 =	vld.idx.msk [tilespmem:v50+s15+$0x0], $0xffff;
	v18 =	vadd.f32 v20, v18  }
0x15c: {  	s24 =	simm.s32 $0x10;
	v60 =	vld.idx.msk [tilespmem:v17+s14+$0x0], $0xffff  }
0x15d: {  	v24 =	vmul.f32 v51, v31;
	v17 =	vmul.f32 v54, v23;
	v23 =	vld [tilespmem:s24+$0x0];
	v18 =	vadd.f32 v19, v18  }
0x15e: {  	v21 =	vld.idx.msk [tilespmem:v53+s15+$0x0], $0xffff  }
0x15f: {  	v20 =	vld.idx.msk [tilespmem:v56+s15+$0x0], $0xffff;
	v18 =	vadd.f32 v24, v18  }
0x160: {  	v16 =	vmul.f32 v22, v25;
	v22 =	vld [tilespmem:s21+$0x10100]  }
0x161: {  	v19 =	vld.idx.msk [tilespmem:v58+s15+$0x0], $0xffff;
	v17 =	vadd.f32 v17, v18;
	_ =	sdelay $0x1  }
0x162: {  	v18 =	vmul.f32 v21, v27;
	v16 =	vadd.f32 v16, v17  }
0x163: {  	v21 =	vmul.f32 v20, v28  }
0x164: {  	v22 =	vadd.f32 v62, v22;
	v17 =	vand.u32 $0xFFFFFF80, v23;
	v63 =	vadd.f32 v18, v16  }
0x165: {  	v20 =	vmul.f32 v19, v59;
	v18 =	vadd.s32 s1, v17;
	v16 =	vand.u32 $0x7F, v23  }
0x166: {  	s22 =	simm.s32 $0x80;
	v17 =	vld [tilespmem:s24+$0x80];
	(v2sf) =	vpush v18, $0x0;
	v23 =	vadd.f32 v21, v63;
	v21 =	vmul.f32 v61, v60  }
.LBB2_2:
0x167: {  	_ =	sdelay $0x3  }
0x168: {  	v19 =	vand.u32 $0xFFFFFF80, v17  }
0x169: {  	v19 =	vadd.s32 s1, v19  }
0x16a: {  	(v2sf) =	vpush v19, $0x0;
	_ =	sdelay $0x3  }
0x16b: {  	(v2sf) =	vpush v18, $0x1;
	_ =	sdelay $0x2  }
0x16c: {  	v20 =	vadd.f32 v20, v23  }
0x16d: {  	(v2sf) =	vpush v19, $0x1  }
0x16e: {  	v20 =	vadd.f32 v21, v20  }
0x16f: {  	[tilespmem:s21+$0x10280] =	vst v22  }
0x170: {  	[tilespmem:s21+$0x10200] =	vst v20;
	s25 =	spop (v2sf)  }
0x171: {  	(v2sf) =	vpush v18, $0x2;
	[tilespmem:s14], [sflag:$0x1] =	stream.linear.gather [hbm4b:s25+s3], $0x400, $0x38;
	[tilespmem:$0x10300] =	vst v63  }
0x172: {  	s28 =	rddreg [dreg:$0x6];
	s25 =	sadd.s32 $0xF4280, s25  }
0x173: {  	[tilespmem:s28], [sflag:$0x1] =	stream.linear.gather [hbm4b:s25+s3], $0x400, $0x38;
	[tilespmem:$0x10300] =	vst v63  }
0x174: {  	s29 =	rddreg [dreg:$0x7];
	s30 =	spop (v2sf)  }
0x175: {  	(v2sf) =	vpush v19, $0x2;
	[tilespmem:s15], [sflag:$0x1] =	stream.linear.gather [hbm4b:s30+s3], $0x400, $0x38;
	[tilespmem:$0x10300] =	vst v63  }
0x176: {  	s26 =	rddreg [dreg:$0x8];
	s25 =	sadd.s32 $0xF4280, s30  }
0x177: {  	[tilespmem:s29], [sflag:$0x1] =	stream.linear.gather [hbm4b:s25+s3], $0x400, $0x38;
	[tilespmem:$0x10300] =	vst v63  }
0x178: {  	s31 =	rddreg [dreg:$0x9];
	s28 =	spop (v2sf)  }
0x179: {  	(v2sf) =	vpush v18, $0x3;
	[tilespmem:s26], [sflag:$0x1] =	stream.linear.gather [hbm4b:s28+s3], $0x400, $0x38;
	[tilespmem:$0x10300] =	vst v63  }
0x17a: {  	s30 =	rddreg [dreg:$0xb];
	s25 =	sadd.s32 $0xF4280, s28  }
0x17b: {  	[tilespmem:s31], [sflag:$0x1] =	stream.linear.gather [hbm4b:s25+s3], $0x400, $0x38;
	[tilespmem:$0x10300] =	vst v63  }
0x17c: {  	s29 =	rddreg [dreg:$0xa];
	s31 =	spop (v2sf)  }
0x17d: {  	(v2sf) =	vpush v19, $0x3;
	[tilespmem:s29], [sflag:$0x1] =	stream.linear.gather [hbm4b:s31+s3], $0x400, $0x38;
	[tilespmem:$0x10300] =	vst v63  }
0x17e: {  	s28 =	rddreg [dreg:$0xc];
	s25 =	sadd.s32 $0xF4280, s31  }
0x17f: {  	[tilespmem:s30], [sflag:$0x1] =	stream.linear.gather [hbm4b:s25+s3], $0x400, $0x38;
	[tilespmem:$0x10300] =	vst v63  }
0x180: {  	s29 =	rddreg [dreg:$0xd];
	s30 =	spop (v2sf)  }
0x181: {  	(v2sf) =	vpush v18, $0x4;
	[tilespmem:s28], [sflag:$0x1] =	stream.linear.gather [hbm4b:s30+s3], $0x400, $0x38;
	[tilespmem:$0x10300] =	vst v63  }
0x182: {  	s31 =	rddreg [dreg:$0xe];
	s25 =	sadd.s32 $0xF4280, s30  }
0x183: {  	[tilespmem:s29], [sflag:$0x1] =	stream.linear.gather [hbm4b:s25+s3], $0x400, $0x38;
	[tilespmem:$0x10300] =	vst v63  }
0x184: {  	s28 =	rddreg [dreg:$0xf];
	s29 =	spop (v2sf)  }
0x185: {  	(v2sf) =	vpush v19, $0x4;
	[tilespmem:s31], [sflag:$0x1] =	stream.linear.gather [hbm4b:s29+s3], $0x400, $0x38;
	[tilespmem:$0x10300] =	vst v63  }
0x186: {  	s30 =	rddreg [dreg:$0x10];
	s25 =	sadd.s32 $0xF4280, s29  }
0x187: {  	[tilespmem:s28], [sflag:$0x1] =	stream.linear.gather [hbm4b:s25+s3], $0x400, $0x38;
	[tilespmem:$0x10300] =	vst v63  }
0x188: {  	s31 =	rddreg [dreg:$0x11];
	s28 =	spop (v2sf)  }
0x189: {  	(v2sf) =	vpush v18, $0x5;
	[tilespmem:s30], [sflag:$0x1] =	stream.linear.gather [hbm4b:s28+s3], $0x400, $0x38;
	[tilespmem:$0x10300] =	vst v63  }
0x18a: {  	s29 =	rddreg [dreg:$0x12];
	s25 =	sadd.s32 $0xF4280, s28  }
0x18b: {  	[tilespmem:s31], [sflag:$0x1] =	stream.linear.gather [hbm4b:s25+s3], $0x400, $0x38;
	[tilespmem:$0x10300] =	vst v63  }
0x18c: {  	s30 =	rddreg [dreg:$0x13];
	s31 =	spop (v2sf)  }
0x18d: {  	(v2sf) =	vpush v19, $0x5;
	[tilespmem:s29], [sflag:$0x1] =	stream.linear.gather [hbm4b:s31+s3], $0x400, $0x38;
	[tilespmem:$0x10300] =	vst v63  }
0x18e: {  	s28 =	rddreg [dreg:$0x14];
	s25 =	sadd.s32 $0xF4280, s31  }
0x18f: {  	[tilespmem:s30], [sflag:$0x1] =	stream.linear.gather [hbm4b:s25+s3], $0x400, $0x38;
	[tilespmem:$0x10300] =	vst v63  }
0x190: {  	s29 =	rddreg [dreg:$0x15];
	s30 =	spop (v2sf)  }
0x191: {  	(v2sf) =	vpush v18, $0x6;
	[tilespmem:s28], [sflag:$0x1] =	stream.linear.gather [hbm4b:s30+s3], $0x400, $0x38;
	[tilespmem:$0x10300] =	vst v63  }
0x192: {  	s31 =	rddreg [dreg:$0x16];
	s25 =	sadd.s32 $0xF4280, s30  }
0x193: {  	[tilespmem:s29], [sflag:$0x1] =	stream.linear.gather [hbm4b:s25+s3], $0x400, $0x38;
	[tilespmem:$0x10300] =	vst v63  }
0x194: {  	s28 =	rddreg [dreg:$0x17];
	s29 =	spop (v2sf)  }
0x195: {  	(v2sf) =	vpush v19, $0x6;
	[tilespmem:s31], [sflag:$0x1] =	stream.linear.gather [hbm4b:s29+s3], $0x400, $0x38;
	[tilespmem:$0x10300] =	vst v63  }
0x196: {  	s30 =	rddreg [dreg:$0x18];
	s25 =	sadd.s32 $0xF4280, s29  }
0x197: {  	[tilespmem:s28], [sflag:$0x1] =	stream.linear.gather [hbm4b:s25+s3], $0x400, $0x38;
	[tilespmem:$0x10300] =	vst v63  }
0x198: {  	s31 =	rddreg [dreg:$0x19];
	s28 =	spop (v2sf)  }
0x199: {  	(v2sf) =	vpush v18, $0x7;
	[tilespmem:s30], [sflag:$0x1] =	stream.linear.gather [hbm4b:s28+s3], $0x400, $0x38;
	[tilespmem:$0x10300] =	vst v63  }
0x19a: {  	s29 =	rddreg [dreg:$0x1a];
	s25 =	sadd.s32 $0xF4280, s28  }
0x19b: {  	[tilespmem:s31], [sflag:$0x1] =	stream.linear.gather [hbm4b:s25+s3], $0x400, $0x38;
	[tilespmem:$0x10300] =	vst v63  }
0x19c: {  	s30 =	rddreg [dreg:$0x1b];
	s31 =	spop (v2sf)  }
0x19d: {  	(v2sf) =	vpush v19, $0x7;
	[tilespmem:s29], [sflag:$0x1] =	stream.linear.gather [hbm4b:s31+s3], $0x400, $0x38;
	[tilespmem:$0x10300] =	vst v63  }
0x19e: {  	s28 =	rddreg [dreg:$0x1c];
	s25 =	sadd.s32 $0xF4280, s31  }
0x19f: {  	[tilespmem:s30], [sflag:$0x1] =	stream.linear.gather [hbm4b:s25+s3], $0x400, $0x38;
	[tilespmem:$0x10300] =	vst v63  }
0x1a0: {  	s29 =	rddreg [dreg:$0x1d];
	s30 =	spop (v2sf)  }
0x1a1: {  	(v2sf) =	vpush v18, $0x8;
	[tilespmem:s28], [sflag:$0x1] =	stream.linear.gather [hbm4b:s30+s3], $0x400, $0x38;
	[tilespmem:$0x10300] =	vst v63  }
0x1a2: {  	s31 =	rddreg [dreg:$0x1e];
	s25 =	sadd.s32 $0xF4280, s30  }
0x1a3: {  	[tilespmem:s29], [sflag:$0x1] =	stream.linear.gather [hbm4b:s25+s3], $0x400, $0x38;
	[tilespmem:$0x10300] =	vst v63  }
0x1a4: {  	s28 =	rddreg [dreg:$0x1f];
	s29 =	spop (v2sf)  }
0x1a5: {  	(v2sf) =	vpush v19, $0x8;
	[tilespmem:s31], [sflag:$0x1] =	stream.linear.gather [hbm4b:s29+s3], $0x400, $0x38;
	[tilespmem:$0x10300] =	vst v63  }
0x1a6: {  	s30 =	sld [smem:$0x7DA];
	s25 =	sadd.s32 $0xF4280, s29  }
0x1a7: {  	[tilespmem:s28], [sflag:$0x1] =	stream.linear.gather [hbm4b:s25+s3], $0x400, $0x38;
	[tilespmem:$0x10300] =	vst v63  }
0x1a8: {  	s31 =	sld [smem:$0x7DB];
	s28 =	spop (v2sf)  }
0x1a9: {  	(v2sf) =	vpush v18, $0x9;
	[tilespmem:s30], [sflag:$0x1] =	stream.linear.gather [hbm4b:s28+s3], $0x400, $0x38;
	[tilespmem:$0x10300] =	vst v63  }
0x1aa: {  	s29 =	sld [smem:$0x7DC];
	s25 =	sadd.s32 $0xF4280, s28  }
0x1ab: {  	[tilespmem:s31], [sflag:$0x1] =	stream.linear.gather [hbm4b:s25+s3], $0x400, $0x38;
	[tilespmem:$0x10300] =	vst v63  }
0x1ac: {  	s30 =	sld [smem:$0x7DD];
	s31 =	spop (v2sf)  }
0x1ad: {  	(v2sf) =	vpush v19, $0x9;
	[tilespmem:s29], [sflag:$0x1] =	stream.linear.gather [hbm4b:s31+s3], $0x400, $0x38;
	[tilespmem:$0x10300] =	vst v63  }
0x1ae: {  	s28 =	sld [smem:$0x7DE];
	s25 =	sadd.s32 $0xF4280, s31  }
0x1af: {  	[tilespmem:s30], [sflag:$0x1] =	stream.linear.gather [hbm4b:s25+s3], $0x400, $0x38;
	[tilespmem:$0x10300] =	vst v63  }
0x1b0: {  	s29 =	sld [smem:$0x7DF];
	s30 =	spop (v2sf)  }
0x1b1: {  	(v2sf) =	vpush v18, $0xA;
	[tilespmem:s28], [sflag:$0x1] =	stream.linear.gather [hbm4b:s30+s3], $0x400, $0x38;
	[tilespmem:$0x10300] =	vst v63  }
0x1b2: {  	s31 =	sld [smem:$0x7E0];
	s25 =	sadd.s32 $0xF4280, s30  }
0x1b3: {  	[tilespmem:s29], [sflag:$0x1] =	stream.linear.gather [hbm4b:s25+s3], $0x400, $0x38;
	[tilespmem:$0x10300] =	vst v63  }
0x1b4: {  	s28 =	sld [smem:$0x7E1];
	s29 =	spop (v2sf)  }
0x1b5: {  	(v2sf) =	vpush v19, $0xA;
	[tilespmem:s31], [sflag:$0x1] =	stream.linear.gather [hbm4b:s29+s3], $0x400, $0x38;
	[tilespmem:$0x10300] =	vst v63  }
0x1b6: {  	s30 =	sld [smem:$0x7E2];
	s25 =	sadd.s32 $0xF4280, s29  }
0x1b7: {  	[tilespmem:s28], [sflag:$0x1] =	stream.linear.gather [hbm4b:s25+s3], $0x400, $0x38;
	[tilespmem:$0x10300] =	vst v63  }
0x1b8: {  	s31 =	sld [smem:$0x7E3];
	s28 =	spop (v2sf)  }
0x1b9: {  	(v2sf) =	vpush v18, $0xB;
	[tilespmem:s30], [sflag:$0x1] =	stream.linear.gather [hbm4b:s28+s3], $0x400, $0x38;
	[tilespmem:$0x10300] =	vst v63  }
0x1ba: {  	s29 =	sld [smem:$0x7E4];
	s25 =	sadd.s32 $0xF4280, s28  }
0x1bb: {  	[tilespmem:s31], [sflag:$0x1] =	stream.linear.gather [hbm4b:s25+s3], $0x400, $0x38;
	[tilespmem:$0x10300] =	vst v63  }
0x1bc: {  	s30 =	sld [smem:$0x7E5];
	s31 =	spop (v2sf)  }
0x1bd: {  	(v2sf) =	vpush v19, $0xB;
	[tilespmem:s29], [sflag:$0x1] =	stream.linear.gather [hbm4b:s31+s3], $0x400, $0x38;
	[tilespmem:$0x10300] =	vst v63  }
0x1be: {  	s28 =	sld [smem:$0x7E6];
	s25 =	sadd.s32 $0xF4280, s31  }
0x1bf: {  	[tilespmem:s30], [sflag:$0x1] =	stream.linear.gather [hbm4b:s25+s3], $0x400, $0x38;
	[tilespmem:$0x10300] =	vst v63  }
0x1c0: {  	s29 =	sld [smem:$0x7E7];
	s30 =	spop (v2sf)  }
0x1c1: {  	(v2sf) =	vpush v18, $0xC;
	[tilespmem:s28], [sflag:$0x1] =	stream.linear.gather [hbm4b:s30+s3], $0x400, $0x38;
	[tilespmem:$0x10300] =	vst v63  }
0x1c2: {  	s31 =	sld [smem:$0x7E8];
	s25 =	sadd.s32 $0xF4280, s30  }
0x1c3: {  	[tilespmem:s29], [sflag:$0x1] =	stream.linear.gather [hbm4b:s25+s3], $0x400, $0x38;
	[tilespmem:$0x10300] =	vst v63  }
0x1c4: {  	s28 =	sld [smem:$0x7E9];
	s29 =	spop (v2sf)  }
0x1c5: {  	(v2sf) =	vpush v19, $0xC;
	[tilespmem:s31], [sflag:$0x1] =	stream.linear.gather [hbm4b:s29+s3], $0x400, $0x38;
	[tilespmem:$0x10300] =	vst v63  }
0x1c6: {  	s30 =	sld [smem:$0x7EA];
	s25 =	sadd.s32 $0xF4280, s29  }
0x1c7: {  	[tilespmem:s28], [sflag:$0x1] =	stream.linear.gather [hbm4b:s25+s3], $0x400, $0x38;
	[tilespmem:$0x10300] =	vst v63  }
0x1c8: {  	s31 =	sld [smem:$0x7EB];
	s28 =	spop (v2sf)  }
0x1c9: {  	(v2sf) =	vpush v18, $0xD;
	[tilespmem:s30], [sflag:$0x1] =	stream.linear.gather [hbm4b:s28+s3], $0x400, $0x38;
	[tilespmem:$0x10300] =	vst v63  }
0x1ca: {  	s29 =	sld [smem:$0x7EC];
	s25 =	sadd.s32 $0xF4280, s28  }
0x1cb: {  	[tilespmem:s31], [sflag:$0x1] =	stream.linear.gather [hbm4b:s25+s3], $0x400, $0x38;
	[tilespmem:$0x10300] =	vst v63  }
0x1cc: {  	s30 =	sld [smem:$0x7ED];
	s31 =	spop (v2sf)  }
0x1cd: {  	(v2sf) =	vpush v19, $0xD;
	[tilespmem:s29], [sflag:$0x1] =	stream.linear.gather [hbm4b:s31+s3], $0x400, $0x38;
	[tilespmem:$0x10300] =	vst v63  }
0x1ce: {  	s28 =	sld [smem:$0x7EE];
	s25 =	sadd.s32 $0xF4280, s31  }
0x1cf: {  	[tilespmem:s30], [sflag:$0x1] =	stream.linear.gather [hbm4b:s25+s3], $0x400, $0x38;
	[tilespmem:$0x10300] =	vst v63  }
0x1d0: {  	s29 =	sld [smem:$0x7EF];
	s30 =	spop (v2sf)  }
0x1d1: {  	(v2sf) =	vpush v18, $0xE;
	[tilespmem:s28], [sflag:$0x1] =	stream.linear.gather [hbm4b:s30+s3], $0x400, $0x38;
	[tilespmem:$0x10300] =	vst v63  }
0x1d2: {  	s31 =	sld [smem:$0x7F0];
	s25 =	sadd.s32 $0xF4280, s30  }
0x1d3: {  	[tilespmem:s29], [sflag:$0x1] =	stream.linear.gather [hbm4b:s25+s3], $0x400, $0x38;
	[tilespmem:$0x10300] =	vst v63  }
0x1d4: {  	s28 =	sld [smem:$0x7F1];
	s29 =	spop (v2sf)  }
0x1d5: {  	(v2sf) =	vpush v19, $0xE;
	[tilespmem:s31], [sflag:$0x1] =	stream.linear.gather [hbm4b:s29+s3], $0x400, $0x38;
	[tilespmem:$0x10300] =	vst v63  }
0x1d6: {  	s30 =	sld [smem:$0x7F2];
	s25 =	sadd.s32 $0xF4280, s29  }
0x1d7: {  	[tilespmem:s28], [sflag:$0x1] =	stream.linear.gather [hbm4b:s25+s3], $0x400, $0x38;
	[tilespmem:$0x10300] =	vst v63  }
0x1d8: {  	s31 =	sld [smem:$0x7F3];
	s28 =	spop (v2sf)  }
0x1d9: {  	(v2sf) =	vpush v18, $0xF;
	[tilespmem:s30], [sflag:$0x1] =	stream.linear.gather [hbm4b:s28+s3], $0x400, $0x38;
	[tilespmem:$0x10300] =	vst v63  }
0x1da: {  	s29 =	sld [smem:$0x7F4];
	s25 =	sadd.s32 $0xF4280, s28  }
0x1db: {  	[tilespmem:s31], [sflag:$0x1] =	stream.linear.gather [hbm4b:s25+s3], $0x400, $0x38;
	[tilespmem:$0x10300] =	vst v63  }
0x1dc: {  	s30 =	sld [smem:$0x7F5];
	s31 =	spop (v2sf)  }
0x1dd: {  	(v2sf) =	vpush v19, $0xF;
	[tilespmem:s29], [sflag:$0x1] =	stream.linear.gather [hbm4b:s31+s3], $0x400, $0x38;
	[tilespmem:$0x10300] =	vst v63  }
0x1de: {  	s28 =	sld [smem:$0x7F6];
	s25 =	sadd.s32 $0xF4280, s31  }
0x1df: {  	[tilespmem:s30], [sflag:$0x1] =	stream.linear.gather [hbm4b:s25+s3], $0x400, $0x38;
	[tilespmem:$0x10300] =	vst v63  }
0x1e0: {  	s29 =	sld [smem:$0x7F7];
	s30 =	spop (v2sf)  }
0x1e1: {  	[tilespmem:s28], [sflag:$0x1] =	stream.linear.gather [hbm4b:s30+s3], $0x400, $0x38;
	[tilespmem:$0x10300] =	vst v63  }
0x1e2: {  	s31 =	sld [smem:$0x7F8];
	s25 =	sadd.s32 $0xF4280, s30  }
0x1e3: {  	[tilespmem:s29], [sflag:$0x1] =	stream.linear.gather [hbm4b:s25+s3], $0x400, $0x38;
	[tilespmem:$0x10300] =	vst v63  }
0x1e4: {  	s28 =	sld [smem:$0x7F9];
	s29 =	spop (v2sf)  }
0x1e5: {  	[tilespmem:s31], [sflag:$0x1] =	stream.linear.gather [hbm4b:s29+s3], $0x400, $0x38;
	[tilespmem:$0x10300] =	vst v63  }
0x1e6: {  	s30 =	sld [smem:$0x7FA];
	s25 =	sadd.s32 $0xF4280, s29  }
0x1e7: {  	[tilespmem:s28], [sflag:$0x1] =	stream.linear.gather [hbm4b:s25+s3], $0x400, $0x38;
	[tilespmem:$0x10300] =	vst v63  }
0x1e8: {  	s31 =	sld [smem:$0x7FB];
	s28 =	spop (v2sf)  }
0x1e9: {  	[tilespmem:s30], [sflag:$0x1] =	stream.linear.gather [hbm4b:s28+s3], $0x400, $0x38;
	[tilespmem:$0x10300] =	vst v63  }
0x1ea: {  	s29 =	sld [smem:$0x7FC];
	s25 =	sadd.s32 $0xF4280, s28  }
0x1eb: {  	[tilespmem:s31], [sflag:$0x1] =	stream.linear.gather [hbm4b:s25+s3], $0x400, $0x38;
	[tilespmem:$0x10300] =	vst v63  }
0x1ec: {  	s30 =	sld [smem:$0x7FD];
	s31 =	spop (v2sf)  }
0x1ed: {  	[tilespmem:s29], [sflag:$0x1] =	stream.linear.gather [hbm4b:s31+s3], $0x400, $0x38;
	[tilespmem:$0x10300] =	vst v63  }
0x1ee: {  	s25 =	sadd.s32 $0xF4280, s31  }
0x1ef: {  	[tilespmem:s30], [sflag:$0x1] =	stream.linear.gather [hbm4b:s25+s3], $0x400, $0x38;
	[tilespmem:$0x10300] =	vst v63  }
0x1f0: {  	_ =	swait.ge [sflag:s16], $0x800  }
0x1f1: {  	[sflag:s16] =	ssyncset.done $0x0  }
0x1f2: {  	[sflag:s16] =	ssyncadd.s32 $0xFFFFF800  }
0x1f3: {  	_ =	swait.ge [sflag:s16], $0x800  }
0x1f4: {  	[sflag:s16] =	ssyncset.done $0x0  }
0x1f5: {  	[sflag:s16] =	ssyncadd.s32 $0xFFFFF800  }
0x1f6: {  	_ =	swait.ge [sflag:s16], $0x800  }
0x1f7: {  	[sflag:s16] =	ssyncset.done $0x0  }
0x1f8: {  	[sflag:s16] =	ssyncadd.s32 $0xFFFFF800  }
0x1f9: {  	_ =	swait.ge [sflag:s16], $0x800  }
0x1fa: {  	[sflag:s16] =	ssyncset.done $0x0  }
0x1fb: {  	[sflag:s16] =	ssyncadd.s32 $0xFFFFF800  }
0x1fc: {  	_ =	swait.ge [sflag:s16], $0x800  }
0x1fd: {  	[sflag:s16] =	ssyncset.done $0x0  }
0x1fe: {  	[sflag:s16] =	ssyncadd.s32 $0xFFFFF800  }
0x1ff: {  	_ =	swait.ge [sflag:s16], $0x800  }
0x200: {  	[sflag:s16] =	ssyncset.done $0x0  }
0x201: {  	[sflag:s16] =	ssyncadd.s32 $0xFFFFF800  }
0x202: {  	_ =	swait.ge [sflag:s16], $0x800  }
0x203: {  	[sflag:s16] =	ssyncset.done $0x0  }
0x204: {  	[sflag:s16] =	ssyncadd.s32 $0xFFFFF800  }
0x205: {  	_ =	swait.ge [sflag:s16], $0x800  }
0x206: {  	[sflag:s16] =	ssyncset.done $0x0  }
0x207: {  	[sflag:s16] =	ssyncadd.s32 $0xFFFFF800  }
0x208: {  	_ =	swait.ge [sflag:s16], $0x800  }
0x209: {  	[sflag:s16] =	ssyncset.done $0x0  }
0x20a: {  	[sflag:s16] =	ssyncadd.s32 $0xFFFFF800  }
0x20b: {  	_ =	swait.ge [sflag:s16], $0x800  }
0x20c: {  	[sflag:s16] =	ssyncset.done $0x0  }
0x20d: {  	[sflag:s16] =	ssyncadd.s32 $0xFFFFF800  }
0x20e: {  	_ =	swait.ge [sflag:s16], $0x800  }
0x20f: {  	[sflag:s16] =	ssyncset.done $0x0  }
0x210: {  	[sflag:s16] =	ssyncadd.s32 $0xFFFFF800  }
0x211: {  	_ =	swait.ge [sflag:s16], $0x800  }
0x212: {  	[sflag:s16] =	ssyncset.done $0x0  }
0x213: {  	[sflag:s16] =	ssyncadd.s32 $0xFFFFF800  }
0x214: {  	_ =	swait.ge [sflag:s16], $0x800  }
0x215: {  	[sflag:s16] =	ssyncset.done $0x0  }
0x216: {  	[sflag:s16] =	ssyncadd.s32 $0xFFFFF800  }
0x217: {  	_ =	swait.ge [sflag:s16], $0x800  }
0x218: {  	[sflag:s16] =	ssyncset.done $0x0  }
0x219: {  	[sflag:s16] =	ssyncadd.s32 $0xFFFFF800  }
0x21a: {  	_ =	swait.ge [sflag:s16], $0x800  }
0x21b: {  	[sflag:s16] =	ssyncset.done $0x0  }
0x21c: {  	[sflag:s16] =	ssyncadd.s32 $0xFFFFF800  }
0x21d: {  	_ =	swait.ge [sflag:s16], $0x800  }
0x21e: {  	[sflag:s16] =	ssyncset.done $0x0  }
0x21f: {  	[sflag:s16] =	ssyncadd.s32 $0xFFFFF800  }
0x220: {  	_ =	swait.ge [sflag:s16], $0x800  }
0x221: {  	[sflag:s16] =	ssyncset.done $0x0  }
0x222: {  	[sflag:s16] =	ssyncadd.s32 $0xFFFFF800  }
0x223: {  	_ =	swait.ge [sflag:s16], $0x800  }
0x224: {  	[sflag:s16] =	ssyncset.done $0x0  }
0x225: {  	[sflag:s16] =	ssyncadd.s32 $0xFFFFF800  }
0x226: {  	_ =	swait.ge [sflag:s16], $0x800  }
0x227: {  	[sflag:s16] =	ssyncset.done $0x0  }
0x228: {  	[sflag:s16] =	ssyncadd.s32 $0xFFFFF800  }
0x229: {  	_ =	swait.ge [sflag:s16], $0x800  }
0x22a: {  	[sflag:s16] =	ssyncset.done $0x0  }
0x22b: {  	[sflag:s16] =	ssyncadd.s32 $0xFFFFF800  }
0x22c: {  	_ =	swait.ge [sflag:s16], $0x800  }
0x22d: {  	[sflag:s16] =	ssyncset.done $0x0  }
0x22e: {  	[sflag:s16] =	ssyncadd.s32 $0xFFFFF800  }
0x22f: {  	_ =	swait.ge [sflag:s16], $0x800  }
0x230: {  	[sflag:s16] =	ssyncset.done $0x0  }
0x231: {  	[sflag:s16] =	ssyncadd.s32 $0xFFFFF800  }
0x232: {  	_ =	swait.ge [sflag:s16], $0x800  }
0x233: {  	[sflag:s16] =	ssyncset.done $0x0  }
0x234: {  	[sflag:s16] =	ssyncadd.s32 $0xFFFFF800  }
0x235: {  	_ =	swait.ge [sflag:s16], $0x800  }
0x236: {  	[sflag:s16] =	ssyncset.done $0x0  }
0x237: {  	[sflag:s16] =	ssyncadd.s32 $0xFFFFF800  }
0x238: {  	_ =	swait.ge [sflag:s16], $0x800  }
0x239: {  	[sflag:s16] =	ssyncset.done $0x0  }
0x23a: {  	[sflag:s16] =	ssyncadd.s32 $0xFFFFF800  }
0x23b: {  	_ =	swait.ge [sflag:s16], $0x800  }
0x23c: {  	[sflag:s16] =	ssyncset.done $0x0  }
0x23d: {  	[sflag:s16] =	ssyncadd.s32 $0xFFFFF800  }
0x23e: {  	_ =	swait.ge [sflag:s16], $0x800  }
0x23f: {  	[sflag:s16] =	ssyncset.done $0x0  }
0x240: {  	[sflag:s16] =	ssyncadd.s32 $0xFFFFF800  }
0x241: {  	_ =	swait.ge [sflag:s16], $0x800  }
0x242: {  	[sflag:s16] =	ssyncset.done $0x0  }
0x243: {  	[sflag:s16] =	ssyncadd.s32 $0xFFFFF800  }
0x244: {  	_ =	swait.ge [sflag:s16], $0x800  }
0x245: {  	[sflag:s16] =	ssyncset.done $0x0  }
0x246: {  	[sflag:s16] =	ssyncadd.s32 $0xFFFFF800  }
0x247: {  	_ =	swait.ge [sflag:s16], $0x800  }
0x248: {  	[sflag:s16] =	ssyncset.done $0x0  }
0x249: {  	[sflag:s16] =	ssyncadd.s32 $0xFFFFF800  }
0x24a: {  	_ =	swait.ge [sflag:s16], $0x800  }
0x24b: {  	v18 =	vor.u32 v2, v16;
	[sflag:s16] =	ssyncset.done $0x0  }
0x24c: {  	v17 =	vand.u32 $0x7F, v17;
	v19 =	vor.u32 v1, v16;
	[sflag:s16] =	ssyncadd.s32 $0xFFFFF800  }
0x24d: {  	v20 =	vor.u32 v1, v17;
	_ =	swait.ge [sflag:s16], $0x800  }
0x24e: {  	v21 =	vor.u32 v0, v16;
	[sflag:s16] =	ssyncset.done $0x0  }
0x24f: {  	v22 =	vor.u32 v0, v17;
	[sflag:s16] =	ssyncadd.s32 $0xFFFFF800  }
0x250: {  	v23 =	vor.u32 v2, v17;
	v18 =	vld.idx.msk [tilespmem:v18+s14+$0x0], $0xffff  }
0x251: {  	v24 =	vor.u32 v3, v16;
	v19 =	vld.idx.msk [tilespmem:v19+s14+$0x0], $0xffff  }
0x252: {  	v25 =	vor.u32 v3, v17;
	v20 =	vld.idx.msk [tilespmem:v20+s15+$0x0], $0xffff  }
0x253: {  	v27 =	vor.u32 v4, v17;
	v21 =	vld.idx.msk [tilespmem:v21+s14+$0x0], $0xffff  }
0x254: {  	v30 =	vor.u32 v6, v16;
	v22 =	vld.idx.msk [tilespmem:v22+s15+$0x0], $0xffff  }
0x255: {  	v39 =	vor.u32 v6, v17;
	v23 =	vld.idx.msk [tilespmem:v23+s15+$0x0], $0xffff  }
0x256: {  	v26 =	vor.u32 v4, v16;
	v24 =	vld.idx.msk [tilespmem:v24+s14+$0x0], $0xffff  }
0x257: {  	v28 =	vor.u32 v5, v16;
	v25 =	vld.idx.msk [tilespmem:v25+s15+$0x0], $0xffff  }
0x258: {  	v29 =	vor.u32 v5, v17;
	v27 =	vld.idx.msk [tilespmem:v27+s15+$0x0], $0xffff  }
0x259: {  	v40 =	vor.u32 v7, v17;
	v30 =	vld.idx.msk [tilespmem:v30+s14+$0x0], $0xffff  }
0x25a: {  	v43 =	vor.u32 v9, v16;
	v42 =	vld.idx.msk [tilespmem:v39+s15+$0x0], $0xffff;
	v21 =	vmul.f32 v22, v21  }
0x25b: {  	v44 =	vor.u32 v9, v17;
	v19 =	vmul.f32 v20, v19;
	v20 =	vld.idx.msk [tilespmem:v26+s14+$0x0], $0xffff  }
0x25c: {  	v31 =	vor.u32 v7, v16;
	v22 =	vld.idx.msk [tilespmem:v28+s14+$0x0], $0xffff;
	v21 =	vadd.f32 $0.0e+00, v21  }
0x25d: {  	v32 =	vor.u32 v8, v17;
	v18 =	vmul.f32 v23, v18;
	v23 =	vld.idx.msk [tilespmem:v29+s15+$0x0], $0xffff  }
0x25e: {  	v41 =	vor.u32 v8, v16;
	v45 =	vld.idx.msk [tilespmem:v40+s15+$0x0], $0xffff;
	v19 =	vadd.f32 v19, v21  }
0x25f: {  	v47 =	vor.u32 v10, v17;
	v49 =	vld.idx.msk [tilespmem:v43+s14+$0x0], $0xffff  }
0x260: {  	v52 =	vor.u32 v12, v16;
	v51 =	vld.idx.msk [tilespmem:v44+s15+$0x0], $0xffff;
	v24 =	vmul.f32 v25, v24;
	v18 =	vadd.f32 v18, v19  }
0x261: {  	v46 =	vor.u32 v10, v16;
	v56 =	vor.u32 v13, v17;
	v21 =	vld.idx.msk [tilespmem:v31+s14+$0x0], $0xffff  }
0x262: {  	v20 =	vmul.f32 v27, v20;
	v22 =	vmul.f32 v23, v22;
	v23 =	vld.idx.msk [tilespmem:v32+s15+$0x0], $0xffff;
	v18 =	vadd.f32 v24, v18  }
0x263: {  	v50 =	vor.u32 v11, v17;
	v19 =	vld.idx.msk [tilespmem:v41+s14+$0x0], $0xffff  }
0x264: {  	v48 =	vor.u32 v11, v16;
	v54 =	vld.idx.msk [tilespmem:v47+s15+$0x0], $0xffff;
	v18 =	vadd.f32 v20, v18  }
0x265: {  	v55 =	vor.u32 v13, v16;
	v57 =	vor.u32 v14, v16;
	v16 =	vor.u32 v15, v16;
	v58 =	vld.idx.msk [tilespmem:v52+s14+$0x0], $0xffff  }
0x266: {  	v60 =	vld.idx.msk [tilespmem:v56+s15+$0x0], $0xffff;
	v25 =	vmul.f32 v42, v30;
	v18 =	vadd.f32 v22, v18  }
0x267: {  	v53 =	vor.u32 v12, v17;
	v59 =	vor.u32 v14, v17;
	v17 =	vor.u32 v15, v17;
	v20 =	vld.idx.msk [tilespmem:v46+s14+$0x0], $0xffff  }
0x268: {  	v21 =	vmul.f32 v45, v21;
	v19 =	vmul.f32 v23, v19;
	v23 =	vld.idx.msk [tilespmem:v50+s15+$0x0], $0xffff;
	v18 =	vadd.f32 v25, v18  }
0x269: {  	s23 =	smov.u32 s22;
	v22 =	vld.idx.msk [tilespmem:v48+s14+$0x0], $0xffff  }
0x26a: {  	s21 =	smov.u32 s24;
	s24 =	sshra.s32 s23, $0x2;
	v61 =	vld.idx.msk [tilespmem:v16+s14+$0x0], $0xffff;
	v18 =	vadd.f32 v21, v18  }
0x26b: {  	v16 =	vld [tilespmem:s24+$0x0]  }
0x26c: {  	v62 =	vld.idx.msk [tilespmem:v17+s15+$0x0], $0xffff;
	v24 =	vmul.f32 v51, v49;
	v18 =	vadd.f32 v19, v18  }
0x26d: {  	v28 =	vld.idx.msk [tilespmem:v53+s15+$0x0], $0xffff  }
0x26e: {  	v20 =	vmul.f32 v54, v20;
	v22 =	vmul.f32 v23, v22;
	v23 =	vld.idx.msk [tilespmem:v59+s15+$0x0], $0xffff;
	v18 =	vadd.f32 v24, v18  }
0x26f: {  	v19 =	vld.idx.msk [tilespmem:v57+s14+$0x0], $0xffff  }
0x270: {  	v21 =	vld.idx.msk [tilespmem:v55+s14+$0x0], $0xffff;
	v18 =	vadd.f32 v20, v18  }
0x271: {  	v63 =	vld [tilespmem:s21+$0x10100]  }
0x272: {  	p0 =	sne.s32 s22, $0x1C0;
	v18 =	vadd.f32 v22, v18;
	v22 =	vld [tilespmem:s21+$0x10180]  }
.Ltmp0:
0x273: {  	v25 =	vmul.f32 v28, v58;
	(pc) =	sbr.rel @p0 .LBB2_2-.Ltmp0, $4  }
0x274: {  	v20 =	vmul.f32 v23, v19;
	v19 =	vand.u32 $0xFFFFFF80, v16  }
0x275: {  	v21 =	vmul.f32 v60, v21;
	v23 =	vadd.f32 v25, v18;
	v18 =	vadd.s32 s1, v19  }
0x276: {  	v16 =	vand.u32 $0x7F, v16;
	(v2sf) =	vpush v18, $0x0  }
0x277: {  	s22 =	sadd.s32 $0x40, s22;
	v17 =	vld [tilespmem:s24+$0x80];
	v23 =	vadd.f32 v21, v23;
	v21 =	vmul.f32 v62, v61;
	v22 =	vadd.f32 v22, v63  }
0x278: {  	_ =	sdelay $0x3  }
0x279: {  	v19 =	vand.u32 $0xFFFFFF80, v17  }
0x27a: {  	v19 =	vadd.s32 s1, v19  }
0x27b: {  	(v2sf) =	vpush v19, $0x0;
	_ =	sdelay $0x3  }
0x27c: {  	(v2sf) =	vpush v18, $0x1;
	_ =	sdelay $0x2  }
0x27d: {  	v20 =	vadd.f32 v20, v23  }
0x27e: {  	(v2sf) =	vpush v19, $0x1  }
0x27f: {  	v20 =	vadd.f32 v21, v20  }
0x280: {  	[tilespmem:s21+$0x10280] =	vst v22  }
0x281: {  	[tilespmem:s21+$0x10200] =	vst v20;
	s22 =	spop (v2sf)  }
0x282: {  	(v2sf) =	vpush v18, $0x2;
	[tilespmem:s14], [sflag:$0x1] =	stream.linear.gather [hbm4b:s22+s3], $0x400, $0x38;
	[tilespmem:$0x10300] =	vst v63  }
0x283: {  	s30 =	rddreg [dreg:$0x6];
	s22 =	sadd.s32 $0xF4280, s22  }
0x284: {  	[tilespmem:s30], [sflag:$0x1] =	stream.linear.gather [hbm4b:s22+s3], $0x400, $0x38;
	[tilespmem:$0x10300] =	vst v63  }
0x285: {  	s31 =	rddreg [dreg:$0x7];
	s25 =	spop (v2sf)  }
0x286: {  	(v2sf) =	vpush v19, $0x2;
	[tilespmem:s15], [sflag:$0x1] =	stream.linear.gather [hbm4b:s25+s3], $0x400, $0x38;
	[tilespmem:$0x10300] =	vst v63  }
0x287: {  	s23 =	rddreg [dreg:$0x8];
	s22 =	sadd.s32 $0xF4280, s25  }
0x288: {  	[tilespmem:s31], [sflag:$0x1] =	stream.linear.gather [hbm4b:s22+s3], $0x400, $0x38;
	[tilespmem:$0x10300] =	vst v63  }
0x289: {  	s26 =	rddreg [dreg:$0x9];
	s28 =	spop (v2sf)  }
0x28a: {  	(v2sf) =	vpush v18, $0x3;
	[tilespmem:s23], [sflag:$0x1] =	stream.linear.gather [hbm4b:s28+s3], $0x400, $0x38;
	[tilespmem:$0x10300] =	vst v63  }
0x28b: {  	s29 =	rddreg [dreg:$0xa];
	s22 =	sadd.s32 $0xF4280, s28  }
0x28c: {  	[tilespmem:s26], [sflag:$0x1] =	stream.linear.gather [hbm4b:s22+s3], $0x400, $0x38;
	[tilespmem:$0x10300] =	vst v63  }
0x28d: {  	s30 =	rddreg [dreg:$0xb];
	s31 =	spop (v2sf)  }
0x28e: {  	(v2sf) =	vpush v19, $0x3;
	[tilespmem:s29], [sflag:$0x1] =	stream.linear.gather [hbm4b:s31+s3], $0x400, $0x38;
	[tilespmem:$0x10300] =	vst v63  }
0x28f: {  	s25 =	rddreg [dreg:$0xc];
	s22 =	sadd.s32 $0xF4280, s31  }
0x290: {  	[tilespmem:s30], [sflag:$0x1] =	stream.linear.gather [hbm4b:s22+s3], $0x400, $0x38;
	[tilespmem:$0x10300] =	vst v63  }
0x291: {  	s26 =	rddreg [dreg:$0xd];
	s28 =	spop (v2sf)  }
0x292: {  	(v2sf) =	vpush v18, $0x4;
	[tilespmem:s25], [sflag:$0x1] =	stream.linear.gather [hbm4b:s28+s3], $0x400, $0x38;
	[tilespmem:$0x10300] =	vst v63  }
0x293: {  	s29 =	rddreg [dreg:$0xe];
	s22 =	sadd.s32 $0xF4280, s28  }
0x294: {  	[tilespmem:s26], [sflag:$0x1] =	stream.linear.gather [hbm4b:s22+s3], $0x400, $0x38;
	[tilespmem:$0x10300] =	vst v63  }
0x295: {  	s30 =	rddreg [dreg:$0xf];
	s31 =	spop (v2sf)  }
0x296: {  	(v2sf) =	vpush v19, $0x4;
	[tilespmem:s29], [sflag:$0x1] =	stream.linear.gather [hbm4b:s31+s3], $0x400, $0x38;
	[tilespmem:$0x10300] =	vst v63  }
0x297: {  	s25 =	rddreg [dreg:$0x10];
	s22 =	sadd.s32 $0xF4280, s31  }
0x298: {  	[tilespmem:s30], [sflag:$0x1] =	stream.linear.gather [hbm4b:s22+s3], $0x400, $0x38;
	[tilespmem:$0x10300] =	vst v63  }
0x299: {  	s26 =	rddreg [dreg:$0x11];
	s28 =	spop (v2sf)  }
0x29a: {  	(v2sf) =	vpush v18, $0x5;
	[tilespmem:s25], [sflag:$0x1] =	stream.linear.gather [hbm4b:s28+s3], $0x400, $0x38;
	[tilespmem:$0x10300] =	vst v63  }
0x29b: {  	s29 =	rddreg [dreg:$0x12];
	s22 =	sadd.s32 $0xF4280, s28  }
0x29c: {  	[tilespmem:s26], [sflag:$0x1] =	stream.linear.gather [hbm4b:s22+s3], $0x400, $0x38;
	[tilespmem:$0x10300] =	vst v63  }
0x29d: {  	s31 =	spop (v2sf);
	s30 =	rddreg [dreg:$0x13]  }
0x29e: {  	(v2sf) =	vpush v19, $0x5;
	[tilespmem:s29], [sflag:$0x1] =	stream.linear.gather [hbm4b:s31+s3], $0x400, $0x38;
	[tilespmem:$0x10300] =	vst v63  }
0x29f: {  	s25 =	rddreg [dreg:$0x14];
	s22 =	sadd.s32 $0xF4280, s31  }
0x2a0: {  	[tilespmem:s30], [sflag:$0x1] =	stream.linear.gather [hbm4b:s22+s3], $0x400, $0x38;
	[tilespmem:$0x10300] =	vst v63  }
0x2a1: {  	s28 =	spop (v2sf);
	s26 =	rddreg [dreg:$0x15]  }
0x2a2: {  	(v2sf) =	vpush v18, $0x6;
	[tilespmem:s25], [sflag:$0x1] =	stream.linear.gather [hbm4b:s28+s3], $0x400, $0x38;
	[tilespmem:$0x10300] =	vst v63  }
0x2a3: {  	s29 =	rddreg [dreg:$0x16];
	s22 =	sadd.s32 $0xF4280, s28  }
0x2a4: {  	[tilespmem:s26], [sflag:$0x1] =	stream.linear.gather [hbm4b:s22+s3], $0x400, $0x38;
	[tilespmem:$0x10300] =	vst v63  }
0x2a5: {  	s30 =	rddreg [dreg:$0x17];
	s31 =	spop (v2sf)  }
0x2a6: {  	(v2sf) =	vpush v19, $0x6;
	[tilespmem:s29], [sflag:$0x1] =	stream.linear.gather [hbm4b:s31+s3], $0x400, $0x38;
	[tilespmem:$0x10300] =	vst v63  }
0x2a7: {  	s25 =	rddreg [dreg:$0x18];
	s22 =	sadd.s32 $0xF4280, s31  }
0x2a8: {  	[tilespmem:s30], [sflag:$0x1] =	stream.linear.gather [hbm4b:s22+s3], $0x400, $0x38;
	[tilespmem:$0x10300] =	vst v63  }
0x2a9: {  	s26 =	rddreg [dreg:$0x19];
	s28 =	spop (v2sf)  }
0x2aa: {  	(v2sf) =	vpush v18, $0x7;
	[tilespmem:s25], [sflag:$0x1] =	stream.linear.gather [hbm4b:s28+s3], $0x400, $0x38;
	[tilespmem:$0x10300] =	vst v63  }
0x2ab: {  	s29 =	rddreg [dreg:$0x1a];
	s22 =	sadd.s32 $0xF4280, s28  }
0x2ac: {  	[tilespmem:s26], [sflag:$0x1] =	stream.linear.gather [hbm4b:s22+s3], $0x400, $0x38;
	[tilespmem:$0x10300] =	vst v63  }
0x2ad: {  	s31 =	spop (v2sf);
	s30 =	rddreg [dreg:$0x1b]  }
0x2ae: {  	(v2sf) =	vpush v19, $0x7;
	[tilespmem:s29], [sflag:$0x1] =	stream.linear.gather [hbm4b:s31+s3], $0x400, $0x38;
	[tilespmem:$0x10300] =	vst v63  }
0x2af: {  	s25 =	rddreg [dreg:$0x1c];
	s22 =	sadd.s32 $0xF4280, s31  }
0x2b0: {  	[tilespmem:s30], [sflag:$0x1] =	stream.linear.gather [hbm4b:s22+s3], $0x400, $0x38;
	[tilespmem:$0x10300] =	vst v63  }
0x2b1: {  	s28 =	spop (v2sf);
	s26 =	rddreg [dreg:$0x1d]  }
0x2b2: {  	(v2sf) =	vpush v18, $0x8;
	[tilespmem:s25], [sflag:$0x1] =	stream.linear.gather [hbm4b:s28+s3], $0x400, $0x38;
	[tilespmem:$0x10300] =	vst v63  }
0x2b3: {  	s29 =	rddreg [dreg:$0x1e];
	s22 =	sadd.s32 $0xF4280, s28  }
0x2b4: {  	[tilespmem:s26], [sflag:$0x1] =	stream.linear.gather [hbm4b:s22+s3], $0x400, $0x38;
	[tilespmem:$0x10300] =	vst v63  }
0x2b5: {  	s30 =	rddreg [dreg:$0x1f];
	s31 =	spop (v2sf)  }
0x2b6: {  	(v2sf) =	vpush v19, $0x8;
	[tilespmem:s29], [sflag:$0x1] =	stream.linear.gather [hbm4b:s31+s3], $0x400, $0x38;
	[tilespmem:$0x10300] =	vst v63  }
0x2b7: {  	s25 =	sld [smem:$0x7DA];
	s22 =	sadd.s32 $0xF4280, s31  }
0x2b8: {  	[tilespmem:s30], [sflag:$0x1] =	stream.linear.gather [hbm4b:s22+s3], $0x400, $0x38;
	[tilespmem:$0x10300] =	vst v63  }
0x2b9: {  	s28 =	spop (v2sf);
	s26 =	sld [smem:$0x7DB]  }
0x2ba: {  	(v2sf) =	vpush v18, $0x9;
	[tilespmem:s25], [sflag:$0x1] =	stream.linear.gather [hbm4b:s28+s3], $0x400, $0x38;
	[tilespmem:$0x10300] =	vst v63  }
0x2bb: {  	s29 =	sld [smem:$0x7DC];
	s22 =	sadd.s32 $0xF4280, s28  }
0x2bc: {  	[tilespmem:s26], [sflag:$0x1] =	stream.linear.gather [hbm4b:s22+s3], $0x400, $0x38;
	[tilespmem:$0x10300] =	vst v63  }
0x2bd: {  	s31 =	spop (v2sf);
	s30 =	sld [smem:$0x7DD]  }
0x2be: {  	(v2sf) =	vpush v19, $0x9;
	[tilespmem:s29], [sflag:$0x1] =	stream.linear.gather [hbm4b:s31+s3], $0x400, $0x38;
	[tilespmem:$0x10300] =	vst v63  }
0x2bf: {  	s25 =	sld [smem:$0x7DE];
	s22 =	sadd.s32 $0xF4280, s31  }
0x2c0: {  	[tilespmem:s30], [sflag:$0x1] =	stream.linear.gather [hbm4b:s22+s3], $0x400, $0x38;
	[tilespmem:$0x10300] =	vst v63  }
0x2c1: {  	s28 =	spop (v2sf);
	s26 =	sld [smem:$0x7DF]  }
0x2c2: {  	(v2sf) =	vpush v18, $0xA;
	[tilespmem:s25], [sflag:$0x1] =	stream.linear.gather [hbm4b:s28+s3], $0x400, $0x38;
	[tilespmem:$0x10300] =	vst v63  }
0x2c3: {  	s29 =	sld [smem:$0x7E0];
	s22 =	sadd.s32 $0xF4280, s28  }
0x2c4: {  	[tilespmem:s26], [sflag:$0x1] =	stream.linear.gather [hbm4b:s22+s3], $0x400, $0x38;
	[tilespmem:$0x10300] =	vst v63  }
0x2c5: {  	s30 =	sld [smem:$0x7E1];
	s31 =	spop (v2sf)  }
0x2c6: {  	(v2sf) =	vpush v19, $0xA;
	[tilespmem:s29], [sflag:$0x1] =	stream.linear.gather [hbm4b:s31+s3], $0x400, $0x38;
	[tilespmem:$0x10300] =	vst v63  }
0x2c7: {  	s25 =	sld [smem:$0x7E2];
	s22 =	sadd.s32 $0xF4280, s31  }
0x2c8: {  	[tilespmem:s30], [sflag:$0x1] =	stream.linear.gather [hbm4b:s22+s3], $0x400, $0x38;
	[tilespmem:$0x10300] =	vst v63  }
0x2c9: {  	s28 =	spop (v2sf);
	s26 =	sld [smem:$0x7E3]  }
0x2ca: {  	(v2sf) =	vpush v18, $0xB;
	[tilespmem:s25], [sflag:$0x1] =	stream.linear.gather [hbm4b:s28+s3], $0x400, $0x38;
	[tilespmem:$0x10300] =	vst v63  }
0x2cb: {  	s29 =	sld [smem:$0x7E4];
	s22 =	sadd.s32 $0xF4280, s28  }
0x2cc: {  	[tilespmem:s26], [sflag:$0x1] =	stream.linear.gather [hbm4b:s22+s3], $0x400, $0x38;
	[tilespmem:$0x10300] =	vst v63  }
0x2cd: {  	s31 =	spop (v2sf);
	s30 =	sld [smem:$0x7E5]  }
0x2ce: {  	(v2sf) =	vpush v19, $0xB;
	[tilespmem:s29], [sflag:$0x1] =	stream.linear.gather [hbm4b:s31+s3], $0x400, $0x38;
	[tilespmem:$0x10300] =	vst v63  }
0x2cf: {  	s25 =	sld [smem:$0x7E6];
	s22 =	sadd.s32 $0xF4280, s31  }
0x2d0: {  	[tilespmem:s30], [sflag:$0x1] =	stream.linear.gather [hbm4b:s22+s3], $0x400, $0x38;
	[tilespmem:$0x10300] =	vst v63  }
0x2d1: {  	s28 =	spop (v2sf);
	s26 =	sld [smem:$0x7E7]  }
0x2d2: {  	(v2sf) =	vpush v18, $0xC;
	[tilespmem:s25], [sflag:$0x1] =	stream.linear.gather [hbm4b:s28+s3], $0x400, $0x38;
	[tilespmem:$0x10300] =	vst v63  }
0x2d3: {  	s29 =	sld [smem:$0x7E8];
	s22 =	sadd.s32 $0xF4280, s28  }
0x2d4: {  	[tilespmem:s26], [sflag:$0x1] =	stream.linear.gather [hbm4b:s22+s3], $0x400, $0x38;
	[tilespmem:$0x10300] =	vst v63  }
0x2d5: {  	s30 =	sld [smem:$0x7E9];
	s31 =	spop (v2sf)  }
0x2d6: {  	(v2sf) =	vpush v19, $0xC;
	[tilespmem:s29], [sflag:$0x1] =	stream.linear.gather [hbm4b:s31+s3], $0x400, $0x38;
	[tilespmem:$0x10300] =	vst v63  }
0x2d7: {  	s25 =	sld [smem:$0x7EA];
	s22 =	sadd.s32 $0xF4280, s31  }
0x2d8: {  	[tilespmem:s30], [sflag:$0x1] =	stream.linear.gather [hbm4b:s22+s3], $0x400, $0x38;
	[tilespmem:$0x10300] =	vst v63  }
0x2d9: {  	s28 =	spop (v2sf);
	s26 =	sld [smem:$0x7EB]  }
0x2da: {  	(v2sf) =	vpush v18, $0xD;
	[tilespmem:s25], [sflag:$0x1] =	stream.linear.gather [hbm4b:s28+s3], $0x400, $0x38;
	[tilespmem:$0x10300] =	vst v63  }
0x2db: {  	s29 =	sld [smem:$0x7EC];
	s22 =	sadd.s32 $0xF4280, s28  }
0x2dc: {  	[tilespmem:s26], [sflag:$0x1] =	stream.linear.gather [hbm4b:s22+s3], $0x400, $0x38;
	[tilespmem:$0x10300] =	vst v63  }
0x2dd: {  	s31 =	spop (v2sf);
	s30 =	sld [smem:$0x7ED]  }
0x2de: {  	(v2sf) =	vpush v19, $0xD;
	[tilespmem:s29], [sflag:$0x1] =	stream.linear.gather [hbm4b:s31+s3], $0x400, $0x38;
	[tilespmem:$0x10300] =	vst v63  }
0x2df: {  	s25 =	sld [smem:$0x7EE];
	s22 =	sadd.s32 $0xF4280, s31  }
0x2e0: {  	[tilespmem:s30], [sflag:$0x1] =	stream.linear.gather [hbm4b:s22+s3], $0x400, $0x38;
	[tilespmem:$0x10300] =	vst v63  }
0x2e1: {  	s28 =	spop (v2sf);
	s26 =	sld [smem:$0x7EF]  }
0x2e2: {  	(v2sf) =	vpush v18, $0xE;
	[tilespmem:s25], [sflag:$0x1] =	stream.linear.gather [hbm4b:s28+s3], $0x400, $0x38;
	[tilespmem:$0x10300] =	vst v63  }
0x2e3: {  	s29 =	sld [smem:$0x7F0];
	s22 =	sadd.s32 $0xF4280, s28  }
0x2e4: {  	[tilespmem:s26], [sflag:$0x1] =	stream.linear.gather [hbm4b:s22+s3], $0x400, $0x38;
	[tilespmem:$0x10300] =	vst v63  }
0x2e5: {  	s31 =	spop (v2sf);
	s30 =	sld [smem:$0x7F1]  }
0x2e6: {  	(v2sf) =	vpush v19, $0xE;
	[tilespmem:s29], [sflag:$0x1] =	stream.linear.gather [hbm4b:s31+s3], $0x400, $0x38;
	[tilespmem:$0x10300] =	vst v63  }
0x2e7: {  	s25 =	sld [smem:$0x7F2];
	s22 =	sadd.s32 $0xF4280, s31  }
0x2e8: {  	[tilespmem:s30], [sflag:$0x1] =	stream.linear.gather [hbm4b:s22+s3], $0x400, $0x38;
	[tilespmem:$0x10300] =	vst v63  }
0x2e9: {  	s28 =	spop (v2sf);
	s26 =	sld [smem:$0x7F3]  }
0x2ea: {  	(v2sf) =	vpush v18, $0xF;
	[tilespmem:s25], [sflag:$0x1] =	stream.linear.gather [hbm4b:s28+s3], $0x400, $0x38;
	[tilespmem:$0x10300] =	vst v63  }
0x2eb: {  	s29 =	sld [smem:$0x7F4];
	s22 =	sadd.s32 $0xF4280, s28  }
0x2ec: {  	[tilespmem:s26], [sflag:$0x1] =	stream.linear.gather [hbm4b:s22+s3], $0x400, $0x38;
	[tilespmem:$0x10300] =	vst v63  }
0x2ed: {  	s31 =	spop (v2sf);
	s30 =	sld [smem:$0x7F5]  }
0x2ee: {  	(v2sf) =	vpush v19, $0xF;
	[tilespmem:s29], [sflag:$0x1] =	stream.linear.gather [hbm4b:s31+s3], $0x400, $0x38;
	[tilespmem:$0x10300] =	vst v63  }
0x2ef: {  	s25 =	sld [smem:$0x7F6];
	s22 =	sadd.s32 $0xF4280, s31  }
0x2f0: {  	[tilespmem:s30], [sflag:$0x1] =	stream.linear.gather [hbm4b:s22+s3], $0x400, $0x38;
	[tilespmem:$0x10300] =	vst v63  }
0x2f1: {  	s28 =	spop (v2sf);
	s26 =	sld [smem:$0x7F7]  }
0x2f2: {  	[tilespmem:s25], [sflag:$0x1] =	stream.linear.gather [hbm4b:s28+s3], $0x400, $0x38;
	[tilespmem:$0x10300] =	vst v63  }
0x2f3: {  	s29 =	sld [smem:$0x7F8];
	s22 =	sadd.s32 $0xF4280, s28  }
0x2f4: {  	[tilespmem:s26], [sflag:$0x1] =	stream.linear.gather [hbm4b:s22+s3], $0x400, $0x38;
	[tilespmem:$0x10300] =	vst v63  }
0x2f5: {  	s31 =	spop (v2sf);
	s30 =	sld [smem:$0x7F9]  }
0x2f6: {  	[tilespmem:s29], [sflag:$0x1] =	stream.linear.gather [hbm4b:s31+s3], $0x400, $0x38;
	[tilespmem:$0x10300] =	vst v63  }
0x2f7: {  	s25 =	sld [smem:$0x7FA];
	s22 =	sadd.s32 $0xF4280, s31  }
0x2f8: {  	[tilespmem:s30], [sflag:$0x1] =	stream.linear.gather [hbm4b:s22+s3], $0x400, $0x38;
	[tilespmem:$0x10300] =	vst v63  }
0x2f9: {  	s28 =	spop (v2sf);
	s26 =	sld [smem:$0x7FB]  }
0x2fa: {  	[tilespmem:s25], [sflag:$0x1] =	stream.linear.gather [hbm4b:s28+s3], $0x400, $0x38;
	[tilespmem:$0x10300] =	vst v63  }
0x2fb: {  	s29 =	sld [smem:$0x7FC];
	s22 =	sadd.s32 $0xF4280, s28  }
0x2fc: {  	[tilespmem:s26], [sflag:$0x1] =	stream.linear.gather [hbm4b:s22+s3], $0x400, $0x38;
	[tilespmem:$0x10300] =	vst v63  }
0x2fd: {  	s31 =	spop (v2sf);
	s30 =	sld [smem:$0x7FD]  }
0x2fe: {  	[tilespmem:s29], [sflag:$0x1] =	stream.linear.gather [hbm4b:s31+s3], $0x400, $0x38;
	[tilespmem:$0x10300] =	vst v63  }
0x2ff: {  	s22 =	sadd.s32 $0xF4280, s31  }
0x300: {  	[tilespmem:s30], [sflag:$0x1] =	stream.linear.gather [hbm4b:s22+s3], $0x400, $0x38;
	[tilespmem:$0x10300] =	vst v63  }
0x301: {  	_ =	swait.ge [sflag:s16], $0x800  }
0x302: {  	[sflag:s16] =	ssyncset.done $0x0  }
0x303: {  	[sflag:s16] =	ssyncadd.s32 $0xFFFFF800  }
0x304: {  	_ =	swait.ge [sflag:s16], $0x800  }
0x305: {  	[sflag:s16] =	ssyncset.done $0x0  }
0x306: {  	[sflag:s16] =	ssyncadd.s32 $0xFFFFF800  }
0x307: {  	_ =	swait.ge [sflag:s16], $0x800  }
0x308: {  	[sflag:s16] =	ssyncset.done $0x0  }
0x309: {  	[sflag:s16] =	ssyncadd.s32 $0xFFFFF800  }
0x30a: {  	_ =	swait.ge [sflag:s16], $0x800  }
0x30b: {  	[sflag:s16] =	ssyncset.done $0x0  }
0x30c: {  	[sflag:s16] =	ssyncadd.s32 $0xFFFFF800  }
0x30d: {  	_ =	swait.ge [sflag:s16], $0x800  }
0x30e: {  	[sflag:s16] =	ssyncset.done $0x0  }
0x30f: {  	[sflag:s16] =	ssyncadd.s32 $0xFFFFF800  }
0x310: {  	_ =	swait.ge [sflag:s16], $0x800  }
0x311: {  	[sflag:s16] =	ssyncset.done $0x0  }
0x312: {  	[sflag:s16] =	ssyncadd.s32 $0xFFFFF800  }
0x313: {  	_ =	swait.ge [sflag:s16], $0x800  }
0x314: {  	[sflag:s16] =	ssyncset.done $0x0  }
0x315: {  	[sflag:s16] =	ssyncadd.s32 $0xFFFFF800  }
0x316: {  	_ =	swait.ge [sflag:s16], $0x800  }
0x317: {  	[sflag:s16] =	ssyncset.done $0x0  }
0x318: {  	[sflag:s16] =	ssyncadd.s32 $0xFFFFF800  }
0x319: {  	_ =	swait.ge [sflag:s16], $0x800  }
0x31a: {  	[sflag:s16] =	ssyncset.done $0x0  }
0x31b: {  	[sflag:s16] =	ssyncadd.s32 $0xFFFFF800  }
0x31c: {  	_ =	swait.ge [sflag:s16], $0x800  }
0x31d: {  	[sflag:s16] =	ssyncset.done $0x0  }
0x31e: {  	[sflag:s16] =	ssyncadd.s32 $0xFFFFF800  }
0x31f: {  	_ =	swait.ge [sflag:s16], $0x800  }
0x320: {  	[sflag:s16] =	ssyncset.done $0x0  }
0x321: {  	[sflag:s16] =	ssyncadd.s32 $0xFFFFF800  }
0x322: {  	_ =	swait.ge [sflag:s16], $0x800  }
0x323: {  	[sflag:s16] =	ssyncset.done $0x0  }
0x324: {  	[sflag:s16] =	ssyncadd.s32 $0xFFFFF800  }
0x325: {  	_ =	swait.ge [sflag:s16], $0x800  }
0x326: {  	[sflag:s16] =	ssyncset.done $0x0  }
0x327: {  	[sflag:s16] =	ssyncadd.s32 $0xFFFFF800  }
0x328: {  	_ =	swait.ge [sflag:s16], $0x800  }
0x329: {  	[sflag:s16] =	ssyncset.done $0x0  }
0x32a: {  	[sflag:s16] =	ssyncadd.s32 $0xFFFFF800  }
0x32b: {  	_ =	swait.ge [sflag:s16], $0x800  }
0x32c: {  	[sflag:s16] =	ssyncset.done $0x0  }
0x32d: {  	[sflag:s16] =	ssyncadd.s32 $0xFFFFF800  }
0x32e: {  	_ =	swait.ge [sflag:s16], $0x800  }
0x32f: {  	[sflag:s16] =	ssyncset.done $0x0  }
0x330: {  	[sflag:s16] =	ssyncadd.s32 $0xFFFFF800  }
0x331: {  	_ =	swait.ge [sflag:s16], $0x800  }
0x332: {  	[sflag:s16] =	ssyncset.done $0x0  }
0x333: {  	[sflag:s16] =	ssyncadd.s32 $0xFFFFF800  }
0x334: {  	_ =	swait.ge [sflag:s16], $0x800  }
0x335: {  	[sflag:s16] =	ssyncset.done $0x0  }
0x336: {  	[sflag:s16] =	ssyncadd.s32 $0xFFFFF800  }
0x337: {  	_ =	swait.ge [sflag:s16], $0x800  }
0x338: {  	[sflag:s16] =	ssyncset.done $0x0  }
0x339: {  	[sflag:s16] =	ssyncadd.s32 $0xFFFFF800  }
0x33a: {  	_ =	swait.ge [sflag:s16], $0x800  }
0x33b: {  	[sflag:s16] =	ssyncset.done $0x0  }
0x33c: {  	[sflag:s16] =	ssyncadd.s32 $0xFFFFF800  }
0x33d: {  	_ =	swait.ge [sflag:s16], $0x800  }
0x33e: {  	[sflag:s16] =	ssyncset.done $0x0  }
0x33f: {  	[sflag:s16] =	ssyncadd.s32 $0xFFFFF800  }
0x340: {  	_ =	swait.ge [sflag:s16], $0x800  }
0x341: {  	[sflag:s16] =	ssyncset.done $0x0  }
0x342: {  	[sflag:s16] =	ssyncadd.s32 $0xFFFFF800  }
0x343: {  	_ =	swait.ge [sflag:s16], $0x800  }
0x344: {  	[sflag:s16] =	ssyncset.done $0x0  }
0x345: {  	[sflag:s16] =	ssyncadd.s32 $0xFFFFF800  }
0x346: {  	_ =	swait.ge [sflag:s16], $0x800  }
0x347: {  	[sflag:s16] =	ssyncset.done $0x0  }
0x348: {  	[sflag:s16] =	ssyncadd.s32 $0xFFFFF800  }
0x349: {  	_ =	swait.ge [sflag:s16], $0x800  }
0x34a: {  	[sflag:s16] =	ssyncset.done $0x0  }
0x34b: {  	[sflag:s16] =	ssyncadd.s32 $0xFFFFF800  }
0x34c: {  	_ =	swait.ge [sflag:s16], $0x800  }
0x34d: {  	[sflag:s16] =	ssyncset.done $0x0  }
0x34e: {  	[sflag:s16] =	ssyncadd.s32 $0xFFFFF800  }
0x34f: {  	_ =	swait.ge [sflag:s16], $0x800  }
0x350: {  	[sflag:s16] =	ssyncset.done $0x0  }
0x351: {  	[sflag:s16] =	ssyncadd.s32 $0xFFFFF800  }
0x352: {  	_ =	swait.ge [sflag:s16], $0x800  }
0x353: {  	[sflag:s16] =	ssyncset.done $0x0  }
0x354: {  	[sflag:s16] =	ssyncadd.s32 $0xFFFFF800  }
0x355: {  	_ =	swait.ge [sflag:s16], $0x800  }
0x356: {  	[sflag:s16] =	ssyncset.done $0x0  }
0x357: {  	[sflag:s16] =	ssyncadd.s32 $0xFFFFF800  }
0x358: {  	_ =	swait.ge [sflag:s16], $0x800  }
0x359: {  	[sflag:s16] =	ssyncset.done $0x0  }
0x35a: {  	[sflag:s16] =	ssyncadd.s32 $0xFFFFF800  }
0x35b: {  	_ =	swait.ge [sflag:s16], $0x800  }
0x35c: {  	v48 =	vor.u32 v2, v16;
	[sflag:s16] =	ssyncset.done $0x0  }
0x35d: {  	v49 =	vor.u32 v0, v16;
	v17 =	vand.u32 $0x7F, v17;
	[sflag:s16] =	ssyncadd.s32 $0xFFFFF800  }
0x35e: {  	v50 =	vor.u32 v0, v17;
	_ =	swait.ge [sflag:s16], $0x800  }
0x35f: {  	v51 =	vor.u32 v1, v16;
	[sflag:s16] =	ssyncset.done $0x0  }
0x360: {  	v52 =	vor.u32 v1, v17;
	[sflag:s16] =	ssyncadd.s32 $0xFFFFF800  }
0x361: {  	v53 =	vor.u32 v2, v17;
	v18 =	vld.idx.msk [tilespmem:v48+s14+$0x0], $0xffff  }
0x362: {  	v24 =	vor.u32 v3, v16;
	v19 =	vld.idx.msk [tilespmem:v49+s14+$0x0], $0xffff  }
0x363: {  	v25 =	vor.u32 v3, v17;
	v20 =	vld.idx.msk [tilespmem:v50+s15+$0x0], $0xffff  }
0x364: {  	v26 =	vor.u32 v4, v16;
	v21 =	vld.idx.msk [tilespmem:v51+s14+$0x0], $0xffff  }
0x365: {  	v27 =	vor.u32 v4, v17;
	v22 =	vld.idx.msk [tilespmem:v52+s15+$0x0], $0xffff  }
0x366: {  	v28 =	vor.u32 v5, v16;
	v23 =	vld.idx.msk [tilespmem:v53+s15+$0x0], $0xffff  }
0x367: {  	v29 =	vor.u32 v5, v17;
	v24 =	vld.idx.msk [tilespmem:v24+s14+$0x0], $0xffff  }
0x368: {  	v30 =	vor.u32 v6, v16;
	v25 =	vld.idx.msk [tilespmem:v25+s15+$0x0], $0xffff;
	v19 =	vmul.f32 v20, v19  }
0x369: {  	v55 =	vor.u32 v6, v17;
	v54 =	vld.idx.msk [tilespmem:v26+s14+$0x0], $0xffff  }
0x36a: {  	v57 =	vor.u32 v7, v16;
	v56 =	vld.idx.msk [tilespmem:v27+s15+$0x0], $0xffff;
	v21 =	vmul.f32 v22, v21;
	v19 =	vadd.f32 $0.0e+00, v19  }
0x36b: {  	v31 =	vor.u32 v7, v17;
	v28 =	vld.idx.msk [tilespmem:v28+s14+$0x0], $0xffff  }
0x36c: {  	v59 =	vor.u32 v8, v16;
	v58 =	vld.idx.msk [tilespmem:v29+s15+$0x0], $0xffff;
	v18 =	vmul.f32 v23, v18;
	v19 =	vadd.f32 v21, v19  }
0x36d: {  	v61 =	vor.u32 v8, v17;
	v60 =	vld.idx.msk [tilespmem:v30+s14+$0x0], $0xffff  }
0x36e: {  	v63 =	vor.u32 v9, v16;
	v62 =	vld.idx.msk [tilespmem:v55+s15+$0x0], $0xffff;
	v24 =	vmul.f32 v25, v24;
	v18 =	vadd.f32 v18, v19  }
0x36f: {  	v34 =	vor.u32 v9, v17;
	v33 =	vld.idx.msk [tilespmem:v57+s14+$0x0], $0xffff  }
0x370: {  	v36 =	vor.u32 v10, v16;
	v35 =	vld.idx.msk [tilespmem:v31+s15+$0x0], $0xffff;
	v20 =	vmul.f32 v56, v54;
	v18 =	vadd.f32 v24, v18  }
0x371: {  	v38 =	vor.u32 v10, v17;
	v37 =	vld.idx.msk [tilespmem:v59+s14+$0x0], $0xffff  }
0x372: {  	v40 =	vor.u32 v11, v16;
	v39 =	vld.idx.msk [tilespmem:v61+s15+$0x0], $0xffff;
	v23 =	vmul.f32 v58, v28;
	v18 =	vadd.f32 v20, v18  }
0x373: {  	v42 =	vor.u32 v11, v17;
	v41 =	vld.idx.msk [tilespmem:v63+s14+$0x0], $0xffff  }
0x374: {  	v44 =	vor.u32 v12, v16;
	v43 =	vld.idx.msk [tilespmem:v34+s15+$0x0], $0xffff;
	v21 =	vmul.f32 v62, v60;
	v18 =	vadd.f32 v23, v18  }
0x375: {  	v45 =	vld.idx.msk [tilespmem:v36+s14+$0x0], $0xffff  }
0x376: {  	v46 =	vor.u32 v12, v17;
	v47 =	vld.idx.msk [tilespmem:v38+s15+$0x0], $0xffff;
	v19 =	vmul.f32 v35, v33;
	v18 =	vadd.f32 v21, v18  }
0x377: {  	v48 =	vor.u32 v13, v16;
	v49 =	vld.idx.msk [tilespmem:v40+s14+$0x0], $0xffff  }
0x378: {  	v50 =	vor.u32 v13, v17;
	v26 =	vld.idx.msk [tilespmem:v42+s15+$0x0], $0xffff;
	v24 =	vmul.f32 v39, v37;
	v18 =	vadd.f32 v19, v18  }
0x379: {  	v51 =	vor.u32 v14, v16;
	v52 =	vld.idx.msk [tilespmem:v44+s14+$0x0], $0xffff  }
0x37a: {  	v53 =	vor.u32 v14, v17;
	v59 =	vld [tilespmem:s24+$0x10100];
	v20 =	vmul.f32 v43, v41;
	v18 =	vadd.f32 v24, v18  }
0x37b: {  	v16 =	vor.u32 v15, v16;
	v54 =	vld.idx.msk [tilespmem:v46+s15+$0x0], $0xffff  }
0x37c: {  	v17 =	vor.u32 v15, v17;
	v55 =	vld.idx.msk [tilespmem:v48+s14+$0x0], $0xffff;
	v22 =	vmul.f32 v47, v45;
	v18 =	vadd.f32 v20, v18  }
0x37d: {  	v56 =	vld.idx.msk [tilespmem:v50+s15+$0x0], $0xffff  }
0x37e: {  	v57 =	vld.idx.msk [tilespmem:v51+s14+$0x0], $0xffff;
	v21 =	vmul.f32 v26, v49;
	v18 =	vadd.f32 v22, v18  }
0x37f: {  	v58 =	vld.idx.msk [tilespmem:v53+s15+$0x0], $0xffff  }
0x380: {  	v16 =	vld.idx.msk [tilespmem:v16+s14+$0x0], $0xffff;
	v19 =	vmul.f32 v54, v52;
	v18 =	vadd.f32 v21, v18  }
0x381: {  	v17 =	vld.idx.msk [tilespmem:v17+s15+$0x0], $0xffff  }
0x382: {  	v61 =	vld [tilespmem:s24+$0x10180];
	v60 =	vmul.f32 v56, v55;
	v18 =	vadd.f32 v19, v18;
	_ =	sdelay $0x1  }
0x383: {  	v62 =	vmul.f32 v58, v57;
	v18 =	vadd.f32 v60, v18;
	_ =	sdelay $0x1  }
0x384: {  	v16 =	vmul.f32 v17, v16;
	v17 =	vadd.f32 v62, v18  }
0x385: {  	v63 =	vadd.f32 v61, v59  }
0x386: {  	v16 =	vadd.f32 v16, v17  }
0x387: {  	[tilespmem:s24+$0x10280] =	vst v63  }
0x388: {  	[tilespmem:s24+$0x10200] =	vst v16  }
0x389: {  	_ =	swait.ge [sflag:s17], $0x80  }
0x38a: {  	[sflag:s17] =	ssyncset.done $0x0  }
0x38b: {  	[sflag:s17] =	ssyncadd.s32 $0xFFFFFF80  }
0x38c: {  	_ =	swait.ge [sflag:s17], $0x80  }
0x38d: {  	[sflag:s17] =	ssyncset.done $0x0  }
0x38e: {  	[sflag:s17] =	ssyncadd.s32 $0xFFFFFF80  }
0x38f: {  	[hbm4b:s7+s3] =	stream.linear.scatter [tilespmem:s18], [sflag:$0x3], $0x80, $0x38;
	[tilespmem:$0x10300] =	vst v63  }
0x390: {  	s20 =	sadd.s32 $0x1, s20;
	_ =	swait.ge [sflag:s10], $0x80  }
0x391: {  	p0 =	sne.s32 s20, s9;
	[sflag:s10] =	ssyncset.done $0x0  }
.Ltmp1:
0x392: {  	[sflag:s10] =	ssyncadd.s32 $0xFFFFFF80;
	(pc) =	sbr.rel @p0 .LBB2_1-.Ltmp1, $4  }
0x393: {  	[hbm4b:s8+s3] =	stream.linear.scatter [tilespmem:s19], [sflag:$0x3], $0x80, $0x38;
	[tilespmem:$0x10300] =	vst v63  }
0x394: {  	_ =	swait.ge [sflag:s10], $0x80  }
0x395: {  	[sflag:s10] =	ssyncset.done $0x0  }
0x396: {  	[sflag:s10] =	ssyncadd.s32 $0xFFFFFF80  }
0x397: {  	_ =	sfence.sel $0x180000  }
0x398: {  	[bflag:$0x0] =	sbarrier.arrive $0xFFFF  }
0x399: {  	p0 =	sne.s32 s4, $0x0;
	_ =	strace $0x90000047  }
0x39a: {  	s0 =	sadd.s32 @!p0 $0x100000, s0;
	[bflag:$0x2] =	sbarrier.arrive $0xFFFF  }
0x39b: {  	[sflag:s0] =	ssyncadd.tile.s32 @!p0 $0x1;
	_ =	shalt  }
.Lfunc_end2:
_tile_overlayer_lowered:
.L_overlay_start_2:
0x39c: {  	(tag) =	ssettag $0x2  }
0x39d: {  	s0 =	rddreg [dreg:$0x0];
	s2 =	stileid.u32  }
0x39e: {  	s1 =	rddreg [dreg:$0x1];
	p0 =	sne.s32 s2, $0x0  }
0x39f: {  	s3 =	rddreg [dreg:$0x2];
	[bflag:$0x3] =	sbarrier.arrive $0xFFFF;
	s2 =	simm.s32 @!p0 $0x1C03  }
0x3a0: {  	[timem:s3], [sflag:s2] =	dma.local @!p0 [hbm:s0], s1  }
0x3a1: {  	s0 =	simm.s32 @!p0 $0x3  }
0x3a2: {  	_ =	swait.ge @!p0 [sflag:s0], s1  }
0x3a3: {  	s1 =	ssub.s32 @!p0 $0x0, s1;
	[sflag:s0] =	ssyncset.done @!p0 $0x0  }
0x3a4: {  	[sflag:s0] =	ssyncadd.s32 @!p0 s1  }
0x3a5: {  	[bflag:$0x3] =	sbarrier.arrive $0xFFFF  }
0x3a6: {  	_ =	shalt  }

</sc_bundles>
